<compile_context>
chip_gen: v7x
topology: tpu7x:2x2x1
jax: 0.10.2.dev20260603
libtpu: 0.0.44.dev20260713+nightly
codegen_flags: <defaults>
</compile_context>

<pallas_src>
import functools

import jax
import jax.numpy as jnp
from jax import lax
from jax.experimental import pallas as pl
from jax.experimental.pallas import tpu as pltpu
from jax.experimental.pallas import tpu_sc as plsc

NN = 10000
EE = 320000
DD = 128
CC = 7
F = 8

NC = 2
NS = 16
NW = NC * NS
NP = 10240
CH = 128
EPW = 10240
NCH = EPW // CH
EPAD = NW * EPW
RPT = NP // NS

_mesh = plsc.VectorSubcoreMesh(
    core_axis_name="c", subcore_axis_name="s", num_cores=NC, num_subcores=NS)


def _deg_sc_body(col_hbm, ones_hbm, zeros_hbm, out_hbm, cidx_v, ones_v, acc_sh,
                 sem):
    cid = lax.axis_index("c")
    sid = lax.axis_index("s")
    wid = cid * NS + sid
    r0 = sid * RPT
    pltpu.sync_copy(zeros_hbm.at[pl.ds(r0, RPT)], acc_sh.at[pl.ds(r0, RPT)])
    pltpu.sync_copy(ones_hbm, ones_v)
    pltpu.sync_copy(col_hbm.at[wid], cidx_v)
    plsc.subcore_barrier()

    def body(g, carry):
        for b in range(8):
            pltpu.async_copy(ones_v, acc_sh.at[cidx_v.at[8 * g + b]], sem,
                             add=True)
        for b in range(8):
            pltpu.make_async_copy(ones_v, acc_sh.at[cidx_v.at[8 * g + b]],
                                  sem).wait()
        return carry

    lax.fori_loop(0, NCH // 8, body, 0)
    plsc.subcore_barrier()
    pltpu.sync_copy(acc_sh.at[pl.ds(r0, RPT)], out_hbm.at[cid, pl.ds(r0, RPT)])


def _make_deg_sc(interpret=False):
    return pl.kernel(
        _deg_sc_body,
        out_type=jax.ShapeDtypeStruct((NC, NP, F), jnp.float32),
        mesh=_mesh,
        scratch_types=[
            pltpu.VMEM((NCH, CH), jnp.int32),
            pltpu.VMEM((CH, F), jnp.float32),
            pltpu.VMEM_SHARED((NP, F), jnp.float32),
            pltpu.SemaphoreType.DMA,
        ],
        interpret=interpret,
        compiler_params=pltpu.CompilerParams(use_tc_tiling_on_sc=False),
    )


_deg_sc = _make_deg_sc()


def _hop_sc_body(u_hbm, row_hbm, col_hbm, zeros_hbm, out_hbm,
                 ridx_v, cidx_v, msg_v, acc_sh, u_sh, gsems, ssems):
    cid = lax.axis_index("c")
    sid = lax.axis_index("s")
    wid = cid * NS + sid
    r0 = sid * RPT
    pltpu.sync_copy(zeros_hbm.at[pl.ds(r0, RPT)], acc_sh.at[pl.ds(r0, RPT)])
    pltpu.sync_copy(u_hbm.at[pl.ds(r0, RPT)], u_sh.at[pl.ds(r0, RPT)])
    pltpu.sync_copy(row_hbm.at[wid], ridx_v)
    pltpu.sync_copy(col_hbm.at[wid], cidx_v)
    plsc.subcore_barrier()

    for b in range(4):
        pltpu.async_copy(u_sh.at[ridx_v.at[b]], msg_v.at[b], gsems.at[b])

    def body(k, carry):
        j0 = 4 * k
        for b in range(4):
            pltpu.make_async_copy(u_sh.at[ridx_v.at[j0 + b]], msg_v.at[b],
                                  gsems.at[b]).wait()
            pltpu.async_copy(msg_v.at[b], acc_sh.at[cidx_v.at[j0 + b]],
                             ssems.at[b], add=True)
        for b in range(4):
            pltpu.make_async_copy(msg_v.at[b], acc_sh.at[cidx_v.at[j0 + b]],
                                  ssems.at[b]).wait()

            @pl.when(j0 + b + 4 < NCH)
            def _():
                pltpu.async_copy(u_sh.at[ridx_v.at[j0 + b + 4]], msg_v.at[b],
                                 gsems.at[b])

        return carry

    lax.fori_loop(0, NCH // 4, body, 0)
    plsc.subcore_barrier()
    pltpu.sync_copy(acc_sh.at[pl.ds(r0, RPT)], out_hbm.at[cid, pl.ds(r0, RPT)])


def _make_hop_sc(interpret=False):
    return pl.kernel(
        _hop_sc_body,
        out_type=jax.ShapeDtypeStruct((NC, NP, F), jnp.float32),
        mesh=_mesh,
        scratch_types=[
            pltpu.VMEM((NCH, CH), jnp.int32),
            pltpu.VMEM((NCH, CH), jnp.int32),
            pltpu.VMEM((4, CH, F), jnp.float32),
            pltpu.VMEM_SHARED((NP, F), jnp.float32),
            pltpu.VMEM_SHARED((NP, F), jnp.float32),
            pltpu.SemaphoreType.DMA((4,)),
            pltpu.SemaphoreType.DMA((4,)),
        ],
        interpret=interpret,
        compiler_params=pltpu.CompilerParams(use_tc_tiling_on_sc=False),
    )


_hop_sc = _make_hop_sc()


def _tc_pre_body(x_ref, w_ref, degp_ref, u0_ref, d8_ref):
    z0 = jnp.dot(x_ref[...], w_ref[...], preferred_element_type=jnp.float32)
    deg = degp_ref[0] + degp_ref[1] + 1.0
    dinv = lax.rsqrt(deg)
    d8_ref[...] = dinv
    u0_ref[...] = jnp.zeros((NP, F), jnp.float32)
    u0_ref[0:NN, :] = dinv[0:NN, :] * z0


def _tc_mid_body(acc_ref, u0_ref, d8_ref, u1_ref):
    d = d8_ref[...]
    u1_ref[...] = d * d * (acc_ref[0] + acc_ref[1] + u0_ref[...])


def _tc_post_body(acc_ref, u1_ref, d8_ref, b_ref, out_ref):
    z2 = d8_ref[...] * (acc_ref[0] + acc_ref[1] + u1_ref[...])
    t = z2 + b_ref[...]
    col = lax.broadcasted_iota(jnp.int32, t.shape, 1)
    pad = col >= CC
    tm = jnp.where(pad, -jnp.inf, t)
    m = jnp.max(tm, axis=1, keepdims=True)
    e = jnp.where(pad, 0.0, jnp.exp(t - m))
    s = jnp.sum(e, axis=1, keepdims=True)
    out_ref[...] = t - m - jnp.log(s)


def kernel(x, edge_index, W, b):
    row = edge_index[0]
    col = edge_index[1]
    epad = jnp.full((EPAD - EE,), NP - 1, dtype=edge_index.dtype)
    rowp = jnp.concatenate([row, epad]).reshape(NW, NCH, CH)
    colp = jnp.concatenate([col, epad]).reshape(NW, NCH, CH)
    Wp = jnp.pad(W, ((0, 0), (0, F - CC)))
    bp = jnp.pad(b, (0, F - CC)).reshape(1, F)
    zeros_nf = jnp.zeros((NP, F), jnp.float32)
    ones_chf = jnp.ones((CH, F), jnp.float32)

    degp = _deg_sc(colp, ones_chf, zeros_nf)

    u0, d8 = pl.pallas_call(
        _tc_pre_body,
        out_shape=[
            jax.ShapeDtypeStruct((NP, F), jnp.float32),
            jax.ShapeDtypeStruct((NP, F), jnp.float32),
        ],
    )(x, Wp, degp)

    acc1 = _hop_sc(u0, rowp, colp, zeros_nf)

    u1 = pl.pallas_call(
        _tc_mid_body,
        out_shape=jax.ShapeDtypeStruct((NP, F), jnp.float32),
    )(acc1, u0, d8)

    acc2 = _hop_sc(u1, rowp, colp, zeros_nf)

    outp = pl.pallas_call(
        _tc_post_body,
        out_shape=jax.ShapeDtypeStruct((NP, F), jnp.float32),
    )(acc2, u1, d8, bp)

    return outp[:NN, :CC]

# --- scband reference (transcript-rebuilt; emitter-appended) ---
"""Pipeline reference for scband-net-7206955123270 (READ-ONLY COPY).

The authoritative reference and input builder live on the scoring server;
editing this copy changes nothing except your own understanding.
"""

import jax, jax.numpy as jnp
import numpy as np

N = 10000
E = 320000
D = 128
C = 7
K = 2

def setup_inputs(seed: int = 0) -> dict:
    key = jax.random.key(seed)
    k1, k2, k3, k4 = jax.random.split(key, 4)
    x = jax.random.normal(k1, (N, D), dtype=jnp.float32)
    edge_index = jax.random.randint(k2, (2, E), 0, N, dtype=jnp.int32)
    W = jax.random.normal(k3, (D, C), dtype=jnp.float32) * 0.05
    b = jnp.zeros((C,), dtype=jnp.float32)
    return {"x": x, "edge_index": edge_index, "W": W, "b": b}

def reference(x, edge_index, W, b):
    # SGConv (Simple Graph Convolution), K=2, with GCN normalization + self-loops,
    # followed by linear layer and log_softmax (faithful to PyG SGConv + F.log_softmax).
    n = x.shape[0]
    loops = jnp.arange(n, dtype=edge_index.dtype)
    row = jnp.concatenate([edge_index[0], loops])  # source nodes
    col = jnp.concatenate([edge_index[1], loops])  # target nodes
    ones = jnp.ones(row.shape[0], dtype=x.dtype)
    deg = jnp.zeros(n, dtype=x.dtype).at[col].add(ones)
    dinv = jnp.where(deg > 0, jax.lax.rsqrt(deg), 0.0)
    norm = dinv[row] * dinv[col]
    h = x
    for _ in range(K):
        msg = h[row] * norm[:, None]          # gather + scale (message)
        h = jnp.zeros_like(h).at[col].add(msg)  # scatter-add (aggregate)
    out = h @ W + b
    return jax.nn.log_softmax(out, axis=1)

if __name__ == "__main__":
    import jax
    _d = setup_inputs()
    print(jax.jit(kernel)(*tuple(_d.values())))

</pallas_src>

<mosaic_0001>
#map = affine_map<(d0, d1) -> (0, 0, 0)>
#map1 = affine_map<(d0, d1) -> (0, 0)>
module attributes {stable_mosaic.version = 14 : i64} {
  func.func @_deg_sc_body(%arg0: i32, %arg1: i32, %arg2: memref<32x80x128xi32, #tpu.memory_space<hbm>>, %arg3: memref<128x8xf32, #tpu.memory_space<hbm>>, %arg4: memref<10240x8xf32, #tpu.memory_space<hbm>>, %arg5: memref<2x10240x8xf32, #tpu.memory_space<hbm>>, %arg6: memref<80x128xi32, #tpu.memory_space<vmem>>, %arg7: memref<128x8xf32, #tpu.memory_space<vmem>>, %arg8: memref<10240x8xf32, #tpu.memory_space<vmem_shared>>, %arg9: memref<!tpu.dma_semaphore, #tpu.memory_space<semaphore_mem>>) attributes {dimension_semantics = [#tpu.dimension_semantics<core_parallel>, #tpu.dimension_semantics<subcore_parallel>], iteration_bounds = array<i64: 2, 16>, scalar_prefetch = 0 : i64, scratch_operands = 4 : i64, tpu.core_type = #tpu.core_type<sc_vector_subcore>, window_params = [{transform_indices = #map}, {transform_indices = #map1}, {transform_indices = #map1}, {transform_indices = #map}]} {
    %mul3A = arith.constant 16 : i32
    %mul3A_0 = arith.muli %arg0, %mul3A : i32
    %add3A = arith.addi %mul3A_0, %arg1 : i32
    %mul3A_1 = arith.constant 640 : i32
    %mul3A_2 = arith.muli %arg1, %mul3A_1 : i32
    "tpu.region"() ({
      %run_scoped3A = tpu.sem_alloc : memref<!tpu.dma_semaphore, #tpu.memory_space<semaphore_mem>>
      %dma_start3A = arith.constant 0 : i32
      %dma_start3A_9 = tpu.memref_slice %arg8[%mul3A_2, %dma_start3A] : memref<10240x8xf32, #tpu.memory_space<vmem_shared>> -> memref<640x8xf32, #tpu.memory_space<vmem_shared>>
      %dma_start3A_10 = arith.constant 0 : i32
      %dma_start3A_11 = tpu.memref_slice %arg4[%mul3A_2, %dma_start3A_10] : memref<10240x8xf32, #tpu.memory_space<hbm>> -> memref<640x8xf32, #tpu.memory_space<hbm>>
      tpu.enqueue_dma source(%dma_start3A_11 : memref<640x8xf32, #tpu.memory_space<hbm>>) target(%dma_start3A_9 : memref<640x8xf32, #tpu.memory_space<vmem_shared>>) target_semaphore(%run_scoped3A : memref<!tpu.dma_semaphore, #tpu.memory_space<semaphore_mem>>)
      %dma_wait3A = arith.constant 0 : i32
      %dma_wait3A_12 = tpu.memref_slice %arg8[%mul3A_2, %dma_wait3A] : memref<10240x8xf32, #tpu.memory_space<vmem_shared>> -> memref<640x8xf32, #tpu.memory_space<vmem_shared>>
      %dma_wait3A_13 = arith.constant 0 : i32
      %dma_wait3A_14 = tpu.memref_slice %arg4[%mul3A_2, %dma_wait3A_13] : memref<10240x8xf32, #tpu.memory_space<hbm>> -> memref<640x8xf32, #tpu.memory_space<hbm>>
      tpu.wait_dma2 semaphore(%run_scoped3A : memref<!tpu.dma_semaphore, #tpu.memory_space<semaphore_mem>>) src(%dma_wait3A_14 : memref<640x8xf32, #tpu.memory_space<hbm>>) dst(%dma_wait3A_12 : memref<640x8xf32, #tpu.memory_space<vmem_shared>>)
      tpu.yield
    }) : () -> ()
    "tpu.region"() ({
      %run_scoped3A = tpu.sem_alloc : memref<!tpu.dma_semaphore, #tpu.memory_space<semaphore_mem>>
      tpu.enqueue_dma source(%arg3 : memref<128x8xf32, #tpu.memory_space<hbm>>) target(%arg7 : memref<128x8xf32, #tpu.memory_space<vmem>>) target_semaphore(%run_scoped3A : memref<!tpu.dma_semaphore, #tpu.memory_space<semaphore_mem>>)
      tpu.wait_dma2 semaphore(%run_scoped3A : memref<!tpu.dma_semaphore, #tpu.memory_space<semaphore_mem>>) src(%arg3 : memref<128x8xf32, #tpu.memory_space<hbm>>) dst(%arg7 : memref<128x8xf32, #tpu.memory_space<vmem>>)
      tpu.yield
    }) : () -> ()
    "tpu.region"() ({
      %run_scoped3A = tpu.sem_alloc : memref<!tpu.dma_semaphore, #tpu.memory_space<semaphore_mem>>
      %dma_start3A = arith.constant 0 : i32
      %dma_start3A_9 = arith.constant 0 : i32
      %dma_start3A_10 = tpu.memref_slice %arg2[%add3A, %dma_start3A, %dma_start3A_9] : memref<32x80x128xi32, #tpu.memory_space<hbm>> -> memref<1x80x128xi32, #tpu.memory_space<hbm>>
      %dma_start3A_11 = tpu.memref_squeeze %dma_start3A_10 : memref<1x80x128xi32, #tpu.memory_space<hbm>> -> memref<80x128xi32, #tpu.memory_space<hbm>>
      %dma_start3A_12 = arith.constant 0 : i32
      %dma_start3A_13 = arith.constant 0 : i32
      %dma_start3A_14 = tpu.memref_slice %arg2[%add3A, %dma_start3A_12, %dma_start3A_13] : memref<32x80x128xi32, #tpu.memory_space<hbm>> -> memref<1x80x128xi32, #tpu.memory_space<hbm>>
      %dma_start3A_15 = tpu.memref_squeeze %dma_start3A_14 : memref<1x80x128xi32, #tpu.memory_space<hbm>> -> memref<80x128xi32, #tpu.memory_space<hbm>>
      tpu.enqueue_dma source(%dma_start3A_15 : memref<80x128xi32, #tpu.memory_space<hbm>>) target(%arg6 : memref<80x128xi32, #tpu.memory_space<vmem>>) target_semaphore(%run_scoped3A : memref<!tpu.dma_semaphore, #tpu.memory_space<semaphore_mem>>)
      %dma_wait3A = arith.constant 0 : i32
      %dma_wait3A_16 = arith.constant 0 : i32
      %dma_wait3A_17 = tpu.memref_slice %arg2[%add3A, %dma_wait3A, %dma_wait3A_16] : memref<32x80x128xi32, #tpu.memory_space<hbm>> -> memref<1x80x128xi32, #tpu.memory_space<hbm>>
      %dma_wait3A_18 = tpu.memref_squeeze %dma_wait3A_17 : memref<1x80x128xi32, #tpu.memory_space<hbm>> -> memref<80x128xi32, #tpu.memory_space<hbm>>
      %dma_wait3A_19 = arith.constant 0 : i32
      %dma_wait3A_20 = arith.constant 0 : i32
      %dma_wait3A_21 = tpu.memref_slice %arg2[%add3A, %dma_wait3A_19, %dma_wait3A_20] : memref<32x80x128xi32, #tpu.memory_space<hbm>> -> memref<1x80x128xi32, #tpu.memory_space<hbm>>
      %dma_wait3A_22 = tpu.memref_squeeze %dma_wait3A_21 : memref<1x80x128xi32, #tpu.memory_space<hbm>> -> memref<80x128xi32, #tpu.memory_space<hbm>>
      tpu.wait_dma2 semaphore(%run_scoped3A : memref<!tpu.dma_semaphore, #tpu.memory_space<semaphore_mem>>) src(%dma_wait3A_22 : memref<80x128xi32, #tpu.memory_space<hbm>>) dst(%arg6 : memref<80x128xi32, #tpu.memory_space<vmem>>)
      tpu.yield
    }) : () -> ()
    %barrier3A = arith.constant 0 : index
    tpu.barrier barrier_id(%barrier3A)
    %scan3A = arith.constant 0 : i32
    %scan3A_3 = arith.constant 0 : i32
    %scan3A_4 = arith.constant 10 : i32
    %scan3A_5 = arith.addi %scan3A_3, %scan3A_4 : i32
    %scan3A_6 = arith.constant 1 : i32
    scf.for %scan3A_9 = %scan3A_3 to %scan3A_5 step %scan3A_6  : i32 {
      %mul3A_10 = arith.constant 8 : i32
      %mul3A_11 = arith.muli %mul3A_10, %scan3A_9 : i32
      %add3A_12 = arith.constant 0 : i32
      %add3A_13 = arith.addi %mul3A_11, %add3A_12 : i32
      %dma_start3A = arith.constant 0 : i32
      %dma_start3A_14 = tpu.memref_slice %arg6[%add3A_13, %dma_start3A] : memref<80x128xi32, #tpu.memory_space<vmem>> -> memref<1x128xi32, #tpu.memory_space<vmem>>
      %dma_start3A_15 = tpu.memref_squeeze %dma_start3A_14 : memref<1x128xi32, #tpu.memory_space<vmem>> -> memref<128xi32, #tpu.memory_space<vmem>>
      %dma_start3A_16 = arith.constant 0 : i32
      %dma_start3A_17 = arith.constant 0 : i32
      %dma_start3A_18 = tpu.memref_slice %arg8[%dma_start3A_16, %dma_start3A_17] : memref<10240x8xf32, #tpu.memory_space<vmem_shared>> -> memref<10240x8xf32, #tpu.memory_space<vmem_shared>>
      tpu.enqueue_indirect_dma source(%arg7 : memref<128x8xf32, #tpu.memory_space<vmem>>) target(%dma_start3A_18 : memref<10240x8xf32, #tpu.memory_space<vmem_shared>>) offsets(%dma_start3A_15 : memref<128xi32, #tpu.memory_space<vmem>>) semaphore(%arg9 : memref<!tpu.dma_semaphore, #tpu.memory_space<semaphore_mem>>) {add = true}
      %mul3A_19 = arith.constant 8 : i32
      %mul3A_20 = arith.muli %mul3A_19, %scan3A_9 : i32
      %add3A_21 = arith.constant 1 : i32
      %add3A_22 = arith.addi %mul3A_20, %add3A_21 : i32
      %dma_start3A_23 = arith.constant 0 : i32
      %dma_start3A_24 = tpu.memref_slice %arg6[%add3A_22, %dma_start3A_23] : memref<80x128xi32, #tpu.memory_space<vmem>> -> memref<1x128xi32, #tpu.memory_space<vmem>>
      %dma_start3A_25 = tpu.memref_squeeze %dma_start3A_24 : memref<1x128xi32, #tpu.memory_space<vmem>> -> memref<128xi32, #tpu.memory_space<vmem>>
      %dma_start3A_26 = arith.constant 0 : i32
      %dma_start3A_27 = arith.constant 0 : i32
      %dma_start3A_28 = tpu.memref_slice %arg8[%dma_start3A_26, %dma_start3A_27] : memref<10240x8xf32, #tpu.memory_space<vmem_shared>> -> memref<10240x8xf32, #tpu.memory_space<vmem_shared>>
      tpu.enqueue_indirect_dma source(%arg7 : memref<128x8xf32, #tpu.memory_space<vmem>>) target(%dma_start3A_28 : memref<10240x8xf32, #tpu.memory_space<vmem_shared>>) offsets(%dma_start3A_25 : memref<128xi32, #tpu.memory_space<vmem>>) semaphore(%arg9 : memref<!tpu.dma_semaphore, #tpu.memory_space<semaphore_mem>>) {add = true}
      %mul3A_29 = arith.constant 8 : i32
      %mul3A_30 = arith.muli %mul3A_29, %scan3A_9 : i32
      %add3A_31 = arith.constant 2 : i32
      %add3A_32 = arith.addi %mul3A_30, %add3A_31 : i32
      %dma_start3A_33 = arith.constant 0 : i32
      %dma_start3A_34 = tpu.memref_slice %arg6[%add3A_32, %dma_start3A_33] : memref<80x128xi32, #tpu.memory_space<vmem>> -> memref<1x128xi32, #tpu.memory_space<vmem>>
      %dma_start3A_35 = tpu.memref_squeeze %dma_start3A_34 : memref<1x128xi32, #tpu.memory_space<vmem>> -> memref<128xi32, #tpu.memory_space<vmem>>
      %dma_start3A_36 = arith.constant 0 : i32
      %dma_start3A_37 = arith.constant 0 : i32
      %dma_start3A_38 = tpu.memref_slice %arg8[%dma_start3A_36, %dma_start3A_37] : memref<10240x8xf32, #tpu.memory_space<vmem_shared>> -> memref<10240x8xf32, #tpu.memory_space<vmem_shared>>
      tpu.enqueue_indirect_dma source(%arg7 : memref<128x8xf32, #tpu.memory_space<vmem>>) target(%dma_start3A_38 : memref<10240x8xf32, #tpu.memory_space<vmem_shared>>) offsets(%dma_start3A_35 : memref<128xi32, #tpu.memory_space<vmem>>) semaphore(%arg9 : memref<!tpu.dma_semaphore, #tpu.memory_space<semaphore_mem>>) {add = true}
      %mul3A_39 = arith.constant 8 : i32
      %mul3A_40 = arith.muli %mul3A_39, %scan3A_9 : i32
      %add3A_41 = arith.constant 3 : i32
      %add3A_42 = arith.addi %mul3A_40, %add3A_41 : i32
      %dma_start3A_43 = arith.constant 0 : i32
      %dma_start3A_44 = tpu.memref_slice %arg6[%add3A_42, %dma_start3A_43] : memref<80x128xi32, #tpu.memory_space<vmem>> -> memref<1x128xi32, #tpu.memory_space<vmem>>
      %dma_start3A_45 = tpu.memref_squeeze %dma_start3A_44 : memref<1x128xi32, #tpu.memory_space<vmem>> -> memref<128xi32, #tpu.memory_space<vmem>>
      %dma_start3A_46 = arith.constant 0 : i32
      %dma_start3A_47 = arith.constant 0 : i32
      %dma_start3A_48 = tpu.memref_slice %arg8[%dma_start3A_46, %dma_start3A_47] : memref<10240x8xf32, #tpu.memory_space<vmem_shared>> -> memref<10240x8xf32, #tpu.memory_space<vmem_shared>>
      tpu.enqueue_indirect_dma source(%arg7 : memref<128x8xf32, #tpu.memory_space<vmem>>) target(%dma_start3A_48 : memref<10240x8xf32, #tpu.memory_space<vmem_shared>>) offsets(%dma_start3A_45 : memref<128xi32, #tpu.memory_space<vmem>>) semaphore(%arg9 : memref<!tpu.dma_semaphore, #tpu.memory_space<semaphore_mem>>) {add = true}
      %mul3A_49 = arith.constant 8 : i32
      %mul3A_50 = arith.muli %mul3A_49, %scan3A_9 : i32
      %add3A_51 = arith.constant 4 : i32
      %add3A_52 = arith.addi %mul3A_50, %add3A_51 : i32
      %dma_start3A_53 = arith.constant 0 : i32
      %dma_start3A_54 = tpu.memref_slice %arg6[%add3A_52, %dma_start3A_53] : memref<80x128xi32, #tpu.memory_space<vmem>> -> memref<1x128xi32, #tpu.memory_space<vmem>>
      %dma_start3A_55 = tpu.memref_squeeze %dma_start3A_54 : memref<1x128xi32, #tpu.memory_space<vmem>> -> memref<128xi32, #tpu.memory_space<vmem>>
      %dma_start3A_56 = arith.constant 0 : i32
      %dma_start3A_57 = arith.constant 0 : i32
      %dma_start3A_58 = tpu.memref_slice %arg8[%dma_start3A_56, %dma_start3A_57] : memref<10240x8xf32, #tpu.memory_space<vmem_shared>> -> memref<10240x8xf32, #tpu.memory_space<vmem_shared>>
      tpu.enqueue_indirect_dma source(%arg7 : memref<128x8xf32, #tpu.memory_space<vmem>>) target(%dma_start3A_58 : memref<10240x8xf32, #tpu.memory_space<vmem_shared>>) offsets(%dma_start3A_55 : memref<128xi32, #tpu.memory_space<vmem>>) semaphore(%arg9 : memref<!tpu.dma_semaphore, #tpu.memory_space<semaphore_mem>>) {add = true}
      %mul3A_59 = arith.constant 8 : i32
      %mul3A_60 = arith.muli %mul3A_59, %scan3A_9 : i32
      %add3A_61 = arith.constant 5 : i32
      %add3A_62 = arith.addi %mul3A_60, %add3A_61 : i32
      %dma_start3A_63 = arith.constant 0 : i32
      %dma_start3A_64 = tpu.memref_slice %arg6[%add3A_62, %dma_start3A_63] : memref<80x128xi32, #tpu.memory_space<vmem>> -> memref<1x128xi32, #tpu.memory_space<vmem>>
      %dma_start3A_65 = tpu.memref_squeeze %dma_start3A_64 : memref<1x128xi32, #tpu.memory_space<vmem>> -> memref<128xi32, #tpu.memory_space<vmem>>
      %dma_start3A_66 = arith.constant 0 : i32
      %dma_start3A_67 = arith.constant 0 : i32
      %dma_start3A_68 = tpu.memref_slice %arg8[%dma_start3A_66, %dma_start3A_67] : memref<10240x8xf32, #tpu.memory_space<vmem_shared>> -> memref<10240x8xf32, #tpu.memory_space<vmem_shared>>
      tpu.enqueue_indirect_dma source(%arg7 : memref<128x8xf32, #tpu.memory_space<vmem>>) target(%dma_start3A_68 : memref<10240x8xf32, #tpu.memory_space<vmem_shared>>) offsets(%dma_start3A_65 : memref<128xi32, #tpu.memory_space<vmem>>) semaphore(%arg9 : memref<!tpu.dma_semaphore, #tpu.memory_space<semaphore_mem>>) {add = true}
      %mul3A_69 = arith.constant 8 : i32
      %mul3A_70 = arith.muli %mul3A_69, %scan3A_9 : i32
      %add3A_71 = arith.constant 6 : i32
      %add3A_72 = arith.addi %mul3A_70, %add3A_71 : i32
      %dma_start3A_73 = arith.constant 0 : i32
      %dma_start3A_74 = tpu.memref_slice %arg6[%add3A_72, %dma_start3A_73] : memref<80x128xi32, #tpu.memory_space<vmem>> -> memref<1x128xi32, #tpu.memory_space<vmem>>
      %dma_start3A_75 = tpu.memref_squeeze %dma_start3A_74 : memref<1x128xi32, #tpu.memory_space<vmem>> -> memref<128xi32, #tpu.memory_space<vmem>>
      %dma_start3A_76 = arith.constant 0 : i32
      %dma_start3A_77 = arith.constant 0 : i32
      %dma_start3A_78 = tpu.memref_slice %arg8[%dma_start3A_76, %dma_start3A_77] : memref<10240x8xf32, #tpu.memory_space<vmem_shared>> -> memref<10240x8xf32, #tpu.memory_space<vmem_shared>>
      tpu.enqueue_indirect_dma source(%arg7 : memref<128x8xf32, #tpu.memory_space<vmem>>) target(%dma_start3A_78 : memref<10240x8xf32, #tpu.memory_space<vmem_shared>>) offsets(%dma_start3A_75 : memref<128xi32, #tpu.memory_space<vmem>>) semaphore(%arg9 : memref<!tpu.dma_semaphore, #tpu.memory_space<semaphore_mem>>) {add = true}
      %mul3A_79 = arith.constant 8 : i32
      %mul3A_80 = arith.muli %mul3A_79, %scan3A_9 : i32
      %add3A_81 = arith.constant 7 : i32
      %add3A_82 = arith.addi %mul3A_80, %add3A_81 : i32
      %dma_start3A_83 = arith.constant 0 : i32
      %dma_start3A_84 = tpu.memref_slice %arg6[%add3A_82, %dma_start3A_83] : memref<80x128xi32, #tpu.memory_space<vmem>> -> memref<1x128xi32, #tpu.memory_space<vmem>>
      %dma_start3A_85 = tpu.memref_squeeze %dma_start3A_84 : memref<1x128xi32, #tpu.memory_space<vmem>> -> memref<128xi32, #tpu.memory_space<vmem>>
      %dma_start3A_86 = arith.constant 0 : i32
      %dma_start3A_87 = arith.constant 0 : i32
      %dma_start3A_88 = tpu.memref_slice %arg8[%dma_start3A_86, %dma_start3A_87] : memref<10240x8xf32, #tpu.memory_space<vmem_shared>> -> memref<10240x8xf32, #tpu.memory_space<vmem_shared>>
      tpu.enqueue_indirect_dma source(%arg7 : memref<128x8xf32, #tpu.memory_space<vmem>>) target(%dma_start3A_88 : memref<10240x8xf32, #tpu.memory_space<vmem_shared>>) offsets(%dma_start3A_85 : memref<128xi32, #tpu.memory_space<vmem>>) semaphore(%arg9 : memref<!tpu.dma_semaphore, #tpu.memory_space<semaphore_mem>>) {add = true}
      %mul3A_89 = arith.constant 8 : i32
      %mul3A_90 = arith.muli %mul3A_89, %scan3A_9 : i32
      %add3A_91 = arith.constant 0 : i32
      %add3A_92 = arith.addi %mul3A_90, %add3A_91 : i32
      %dma_wait3A = arith.constant 0 : i32
      %dma_wait3A_93 = tpu.memref_slice %arg6[%add3A_92, %dma_wait3A] : memref<80x128xi32, #tpu.memory_space<vmem>> -> memref<1x128xi32, #tpu.memory_space<vmem>>
      %dma_wait3A_94 = tpu.memref_squeeze %dma_wait3A_93 : memref<1x128xi32, #tpu.memory_space<vmem>> -> memref<128xi32, #tpu.memory_space<vmem>>
      %dma_wait3A_95 = arith.constant 0 : i32
      %dma_wait3A_96 = arith.constant 0 : i32
      %dma_wait3A_97 = tpu.memref_slice %arg8[%dma_wait3A_95, %dma_wait3A_96] : memref<10240x8xf32, #tpu.memory_space<vmem_shared>> -> memref<10240x8xf32, #tpu.memory_space<vmem_shared>>
      tpu.wait_indirect_dma semaphore(%arg9 : memref<!tpu.dma_semaphore, #tpu.memory_space<semaphore_mem>>) src(%arg7 : memref<128x8xf32, #tpu.memory_space<vmem>>) dst(%dma_wait3A_97 : memref<10240x8xf32, #tpu.memory_space<vmem_shared>>)
      %mul3A_98 = arith.constant 8 : i32
      %mul3A_99 = arith.muli %mul3A_98, %scan3A_9 : i32
      %add3A_100 = arith.constant 1 : i32
      %add3A_101 = arith.addi %mul3A_99, %add3A_100 : i32
      %dma_wait3A_102 = arith.constant 0 : i32
      %dma_wait3A_103 = tpu.memref_slice %arg6[%add3A_101, %dma_wait3A_102] : memref<80x128xi32, #tpu.memory_space<vmem>> -> memref<1x128xi32, #tpu.memory_space<vmem>>
      %dma_wait3A_104 = tpu.memref_squeeze %dma_wait3A_103 : memref<1x128xi32, #tpu.memory_space<vmem>> -> memref<128xi32, #tpu.memory_space<vmem>>
      %dma_wait3A_105 = arith.constant 0 : i32
      %dma_wait3A_106 = arith.constant 0 : i32
      %dma_wait3A_107 = tpu.memref_slice %arg8[%dma_wait3A_105, %dma_wait3A_106] : memref<10240x8xf32, #tpu.memory_space<vmem_shared>> -> memref<10240x8xf32, #tpu.memory_space<vmem_shared>>
      tpu.wait_indirect_dma semaphore(%arg9 : memref<!tpu.dma_semaphore, #tpu.memory_space<semaphore_mem>>) src(%arg7 : memref<128x8xf32, #tpu.memory_space<vmem>>) dst(%dma_wait3A_107 : memref<10240x8xf32, #tpu.memory_space<vmem_shared>>)
      %mul3A_108 = arith.constant 8 : i32
      %mul3A_109 = arith.muli %mul3A_108, %scan3A_9 : i32
      %add3A_110 = arith.constant 2 : i32
      %add3A_111 = arith.addi %mul3A_109, %add3A_110 : i32
      %dma_wait3A_112 = arith.constant 0 : i32
      %dma_wait3A_113 = tpu.memref_slice %arg6[%add3A_111, %dma_wait3A_112] : memref<80x128xi32, #tpu.memory_space<vmem>> -> memref<1x128xi32, #tpu.memory_space<vmem>>
      %dma_wait3A_114 = tpu.memref_squeeze %dma_wait3A_113 : memref<1x128xi32, #tpu.memory_space<vmem>> -> memref<128xi32, #tpu.memory_space<vmem>>
      %dma_wait3A_115 = arith.constant 0 : i32
      %dma_wait3A_116 = arith.constant 0 : i32
      %dma_wait3A_117 = tpu.memref_slice %arg8[%dma_wait3A_115, %dma_wait3A_116] : memref<10240x8xf32, #tpu.memory_space<vmem_shared>> -> memref<10240x8xf32, #tpu.memory_space<vmem_shared>>
      tpu.wait_indirect_dma semaphore(%arg9 : memref<!tpu.dma_semaphore, #tpu.memory_space<semaphore_mem>>) src(%arg7 : memref<128x8xf32, #tpu.memory_space<vmem>>) dst(%dma_wait3A_117 : memref<10240x8xf32, #tpu.memory_space<vmem_shared>>)
      %mul3A_118 = arith.constant 8 : i32
      %mul3A_119 = arith.muli %mul3A_118, %scan3A_9 : i32
      %add3A_120 = arith.constant 3 : i32
      %add3A_121 = arith.addi %mul3A_119, %add3A_120 : i32
      %dma_wait3A_122 = arith.constant 0 : i32
      %dma_wait3A_123 = tpu.memref_slice %arg6[%add3A_121, %dma_wait3A_122] : memref<80x128xi32, #tpu.memory_space<vmem>> -> memref<1x128xi32, #tpu.memory_space<vmem>>
      %dma_wait3A_124 = tpu.memref_squeeze %dma_wait3A_123 : memref<1x128xi32, #tpu.memory_space<vmem>> -> memref<128xi32, #tpu.memory_space<vmem>>
      %dma_wait3A_125 = arith.constant 0 : i32
      %dma_wait3A_126 = arith.constant 0 : i32
      %dma_wait3A_127 = tpu.memref_slice %arg8[%dma_wait3A_125, %dma_wait3A_126] : memref<10240x8xf32, #tpu.memory_space<vmem_shared>> -> memref<10240x8xf32, #tpu.memory_space<vmem_shared>>
      tpu.wait_indirect_dma semaphore(%arg9 : memref<!tpu.dma_semaphore, #tpu.memory_space<semaphore_mem>>) src(%arg7 : memref<128x8xf32, #tpu.memory_space<vmem>>) dst(%dma_wait3A_127 : memref<10240x8xf32, #tpu.memory_space<vmem_shared>>)
      %mul3A_128 = arith.constant 8 : i32
      %mul3A_129 = arith.muli %mul3A_128, %scan3A_9 : i32
      %add3A_130 = arith.constant 4 : i32
      %add3A_131 = arith.addi %mul3A_129, %add3A_130 : i32
      %dma_wait3A_132 = arith.constant 0 : i32
      %dma_wait3A_133 = tpu.memref_slice %arg6[%add3A_131, %dma_wait3A_132] : memref<80x128xi32, #tpu.memory_space<vmem>> -> memref<1x128xi32, #tpu.memory_space<vmem>>
      %dma_wait3A_134 = tpu.memref_squeeze %dma_wait3A_133 : memref<1x128xi32, #tpu.memory_space<vmem>> -> memref<128xi32, #tpu.memory_space<vmem>>
      %dma_wait3A_135 = arith.constant 0 : i32
      %dma_wait3A_136 = arith.constant 0 : i32
      %dma_wait3A_137 = tpu.memref_slice %arg8[%dma_wait3A_135, %dma_wait3A_136] : memref<10240x8xf32, #tpu.memory_space<vmem_shared>> -> memref<10240x8xf32, #tpu.memory_space<vmem_shared>>
      tpu.wait_indirect_dma semaphore(%arg9 : memref<!tpu.dma_semaphore, #tpu.memory_space<semaphore_mem>>) src(%arg7 : memref<128x8xf32, #tpu.memory_space<vmem>>) dst(%dma_wait3A_137 : memref<10240x8xf32, #tpu.memory_space<vmem_shared>>)
      %mul3A_138 = arith.constant 8 : i32
      %mul3A_139 = arith.muli %mul3A_138, %scan3A_9 : i32
      %add3A_140 = arith.constant 5 : i32
      %add3A_141 = arith.addi %mul3A_139, %add3A_140 : i32
      %dma_wait3A_142 = arith.constant 0 : i32
      %dma_wait3A_143 = tpu.memref_slice %arg6[%add3A_141, %dma_wait3A_142] : memref<80x128xi32, #tpu.memory_space<vmem>> -> memref<1x128xi32, #tpu.memory_space<vmem>>
      %dma_wait3A_144 = tpu.memref_squeeze %dma_wait3A_143 : memref<1x128xi32, #tpu.memory_space<vmem>> -> memref<128xi32, #tpu.memory_space<vmem>>
      %dma_wait3A_145 = arith.constant 0 : i32
      %dma_wait3A_146 = arith.constant 0 : i32
      %dma_wait3A_147 = tpu.memref_slice %arg8[%dma_wait3A_145, %dma_wait3A_146] : memref<10240x8xf32, #tpu.memory_space<vmem_shared>> -> memref<10240x8xf32, #tpu.memory_space<vmem_shared>>
      tpu.wait_indirect_dma semaphore(%arg9 : memref<!tpu.dma_semaphore, #tpu.memory_space<semaphore_mem>>) src(%arg7 : memref<128x8xf32, #tpu.memory_space<vmem>>) dst(%dma_wait3A_147 : memref<10240x8xf32, #tpu.memory_space<vmem_shared>>)
      %mul3A_148 = arith.constant 8 : i32
      %mul3A_149 = arith.muli %mul3A_148, %scan3A_9 : i32
      %add3A_150 = arith.constant 6 : i32
      %add3A_151 = arith.addi %mul3A_149, %add3A_150 : i32
      %dma_wait3A_152 = arith.constant 0 : i32
      %dma_wait3A_153 = tpu.memref_slice %arg6[%add3A_151, %dma_wait3A_152] : memref<80x128xi32, #tpu.memory_space<vmem>> -> memref<1x128xi32, #tpu.memory_space<vmem>>
      %dma_wait3A_154 = tpu.memref_squeeze %dma_wait3A_153 : memref<1x128xi32, #tpu.memory_space<vmem>> -> memref<128xi32, #tpu.memory_space<vmem>>
      %dma_wait3A_155 = arith.constant 0 : i32
      %dma_wait3A_156 = arith.constant 0 : i32
      %dma_wait3A_157 = tpu.memref_slice %arg8[%dma_wait3A_155, %dma_wait3A_156] : memref<10240x8xf32, #tpu.memory_space<vmem_shared>> -> memref<10240x8xf32, #tpu.memory_space<vmem_shared>>
      tpu.wait_indirect_dma semaphore(%arg9 : memref<!tpu.dma_semaphore, #tpu.memory_space<semaphore_mem>>) src(%arg7 : memref<128x8xf32, #tpu.memory_space<vmem>>) dst(%dma_wait3A_157 : memref<10240x8xf32, #tpu.memory_space<vmem_shared>>)
      %mul3A_158 = arith.constant 8 : i32
      %mul3A_159 = arith.muli %mul3A_158, %scan3A_9 : i32
      %add3A_160 = arith.constant 7 : i32
      %add3A_161 = arith.addi %mul3A_159, %add3A_160 : i32
      %dma_wait3A_162 = arith.constant 0 : i32
      %dma_wait3A_163 = tpu.memref_slice %arg6[%add3A_161, %dma_wait3A_162] : memref<80x128xi32, #tpu.memory_space<vmem>> -> memref<1x128xi32, #tpu.memory_space<vmem>>
      %dma_wait3A_164 = tpu.memref_squeeze %dma_wait3A_163 : memref<1x128xi32, #tpu.memory_space<vmem>> -> memref<128xi32, #tpu.memory_space<vmem>>
      %dma_wait3A_165 = arith.constant 0 : i32
      %dma_wait3A_166 = arith.constant 0 : i32
      %dma_wait3A_167 = tpu.memref_slice %arg8[%dma_wait3A_165, %dma_wait3A_166] : memref<10240x8xf32, #tpu.memory_space<vmem_shared>> -> memref<10240x8xf32, #tpu.memory_space<vmem_shared>>
      tpu.wait_indirect_dma semaphore(%arg9 : memref<!tpu.dma_semaphore, #tpu.memory_space<semaphore_mem>>) src(%arg7 : memref<128x8xf32, #tpu.memory_space<vmem>>) dst(%dma_wait3A_167 : memref<10240x8xf32, #tpu.memory_space<vmem_shared>>)
    }
    %scan3A_7 = arith.constant 10 : i32
    %barrier3A_8 = arith.constant 0 : index
    tpu.barrier barrier_id(%barrier3A_8)
    "tpu.region"() ({
      %run_scoped3A = tpu.sem_alloc : memref<!tpu.dma_semaphore, #tpu.memory_space<semaphore_mem>>
      %dma_start3A = arith.constant 0 : i32
      %dma_start3A_9 = tpu.memref_slice %arg5[%arg0, %mul3A_2, %dma_start3A] : memref<2x10240x8xf32, #tpu.memory_space<hbm>> -> memref<1x640x8xf32, #tpu.memory_space<hbm>>
      %dma_start3A_10 = tpu.memref_squeeze %dma_start3A_9 : memref<1x640x8xf32, #tpu.memory_space<hbm>> -> memref<640x8xf32, #tpu.memory_space<hbm>>
      %dma_start3A_11 = arith.constant 0 : i32
      %dma_start3A_12 = tpu.memref_slice %arg8[%mul3A_2, %dma_start3A_11] : memref<10240x8xf32, #tpu.memory_space<vmem_shared>> -> memref<640x8xf32, #tpu.memory_space<vmem_shared>>
      tpu.enqueue_dma source(%dma_start3A_12 : memref<640x8xf32, #tpu.memory_space<vmem_shared>>) target(%dma_start3A_10 : memref<640x8xf32, #tpu.memory_space<hbm>>) target_semaphore(%run_scoped3A : memref<!tpu.dma_semaphore, #tpu.memory_space<semaphore_mem>>)
      %dma_wait3A = arith.constant 0 : i32
      %dma_wait3A_13 = tpu.memref_slice %arg5[%arg0, %mul3A_2, %dma_wait3A] : memref<2x10240x8xf32, #tpu.memory_space<hbm>> -> memref<1x640x8xf32, #tpu.memory_space<hbm>>
      %dma_wait3A_14 = tpu.memref_squeeze %dma_wait3A_13 : memref<1x640x8xf32, #tpu.memory_space<hbm>> -> memref<640x8xf32, #tpu.memory_space<hbm>>
      %dma_wait3A_15 = arith.constant 0 : i32
      %dma_wait3A_16 = tpu.memref_slice %arg8[%mul3A_2, %dma_wait3A_15] : memref<10240x8xf32, #tpu.memory_space<vmem_shared>> -> memref<640x8xf32, #tpu.memory_space<vmem_shared>>
      tpu.wait_dma2 semaphore(%run_scoped3A : memref<!tpu.dma_semaphore, #tpu.memory_space<semaphore_mem>>) src(%dma_wait3A_16 : memref<640x8xf32, #tpu.memory_space<vmem_shared>>) dst(%dma_wait3A_14 : memref<640x8xf32, #tpu.memory_space<hbm>>)
      tpu.yield
    }) : () -> ()
    return
  }
}

#map = affine_map<(d0, d1) -> (0, 0)>
#map1 = affine_map<(d0, d1) -> (0, 0, 0)>
module attributes {stable_mosaic.version = 14 : i64} {
  func.func @_hop_sc_body(%arg0: i32, %arg1: i32, %arg2: memref<10240x8xf32, #tpu.memory_space<hbm>>, %arg3: memref<32x80x128xi32, #tpu.memory_space<hbm>>, %arg4: memref<32x80x128xi32, #tpu.memory_space<hbm>>, %arg5: memref<10240x8xf32, #tpu.memory_space<hbm>>, %arg6: memref<2x10240x8xf32, #tpu.memory_space<hbm>>, %arg7: memref<80x128xi32, #tpu.memory_space<vmem>>, %arg8: memref<80x128xi32, #tpu.memory_space<vmem>>, %arg9: memref<4x128x8xf32, #tpu.memory_space<vmem>>, %arg10: memref<10240x8xf32, #tpu.memory_space<vmem_shared>>, %arg11: memref<10240x8xf32, #tpu.memory_space<vmem_shared>>, %arg12: memref<4x!tpu.dma_semaphore, #tpu.memory_space<semaphore_mem>>, %arg13: memref<4x!tpu.dma_semaphore, #tpu.memory_space<semaphore_mem>>) attributes {dimension_semantics = [#tpu.dimension_semantics<core_parallel>, #tpu.dimension_semantics<subcore_parallel>], iteration_bounds = array<i64: 2, 16>, scalar_prefetch = 0 : i64, scratch_operands = 7 : i64, tpu.core_type = #tpu.core_type<sc_vector_subcore>, window_params = [{transform_indices = #map}, {transform_indices = #map1}, {transform_indices = #map1}, {transform_indices = #map}, {transform_indices = #map1}]} {
    %mul3A = arith.constant 16 : i32
    %mul3A_0 = arith.muli %arg0, %mul3A : i32
    %add3A = arith.addi %mul3A_0, %arg1 : i32
    %mul3A_1 = arith.constant 640 : i32
    %mul3A_2 = arith.muli %arg1, %mul3A_1 : i32
    "tpu.region"() ({
      %run_scoped3A = tpu.sem_alloc : memref<!tpu.dma_semaphore, #tpu.memory_space<semaphore_mem>>
      %dma_start3A_68 = arith.constant 0 : i32
      %dma_start3A_69 = tpu.memref_slice %arg10[%mul3A_2, %dma_start3A_68] : memref<10240x8xf32, #tpu.memory_space<vmem_shared>> -> memref<640x8xf32, #tpu.memory_space<vmem_shared>>
      %dma_start3A_70 = arith.constant 0 : i32
      %dma_start3A_71 = tpu.memref_slice %arg5[%mul3A_2, %dma_start3A_70] : memref<10240x8xf32, #tpu.memory_space<hbm>> -> memref<640x8xf32, #tpu.memory_space<hbm>>
      tpu.enqueue_dma source(%dma_start3A_71 : memref<640x8xf32, #tpu.memory_space<hbm>>) target(%dma_start3A_69 : memref<640x8xf32, #tpu.memory_space<vmem_shared>>) target_semaphore(%run_scoped3A : memref<!tpu.dma_semaphore, #tpu.memory_space<semaphore_mem>>)
      %dma_wait3A = arith.constant 0 : i32
      %dma_wait3A_72 = tpu.memref_slice %arg10[%mul3A_2, %dma_wait3A] : memref<10240x8xf32, #tpu.memory_space<vmem_shared>> -> memref<640x8xf32, #tpu.memory_space<vmem_shared>>
      %dma_wait3A_73 = arith.constant 0 : i32
      %dma_wait3A_74 = tpu.memref_slice %arg5[%mul3A_2, %dma_wait3A_73] : memref<10240x8xf32, #tpu.memory_space<hbm>> -> memref<640x8xf32, #tpu.memory_space<hbm>>
      tpu.wait_dma2 semaphore(%run_scoped3A : memref<!tpu.dma_semaphore, #tpu.memory_space<semaphore_mem>>) src(%dma_wait3A_74 : memref<640x8xf32, #tpu.memory_space<hbm>>) dst(%dma_wait3A_72 : memref<640x8xf32, #tpu.memory_space<vmem_shared>>)
      tpu.yield
    }) : () -> ()
    "tpu.region"() ({
      %run_scoped3A = tpu.sem_alloc : memref<!tpu.dma_semaphore, #tpu.memory_space<semaphore_mem>>
      %dma_start3A_68 = arith.constant 0 : i32
      %dma_start3A_69 = tpu.memref_slice %arg11[%mul3A_2, %dma_start3A_68] : memref<10240x8xf32, #tpu.memory_space<vmem_shared>> -> memref<640x8xf32, #tpu.memory_space<vmem_shared>>
      %dma_start3A_70 = arith.constant 0 : i32
      %dma_start3A_71 = tpu.memref_slice %arg2[%mul3A_2, %dma_start3A_70] : memref<10240x8xf32, #tpu.memory_space<hbm>> -> memref<640x8xf32, #tpu.memory_space<hbm>>
      tpu.enqueue_dma source(%dma_start3A_71 : memref<640x8xf32, #tpu.memory_space<hbm>>) target(%dma_start3A_69 : memref<640x8xf32, #tpu.memory_space<vmem_shared>>) target_semaphore(%run_scoped3A : memref<!tpu.dma_semaphore, #tpu.memory_space<semaphore_mem>>)
      %dma_wait3A = arith.constant 0 : i32
      %dma_wait3A_72 = tpu.memref_slice %arg11[%mul3A_2, %dma_wait3A] : memref<10240x8xf32, #tpu.memory_space<vmem_shared>> -> memref<640x8xf32, #tpu.memory_space<vmem_shared>>
      %dma_wait3A_73 = arith.constant 0 : i32
      %dma_wait3A_74 = tpu.memref_slice %arg2[%mul3A_2, %dma_wait3A_73] : memref<10240x8xf32, #tpu.memory_space<hbm>> -> memref<640x8xf32, #tpu.memory_space<hbm>>
      tpu.wait_dma2 semaphore(%run_scoped3A : memref<!tpu.dma_semaphore, #tpu.memory_space<semaphore_mem>>) src(%dma_wait3A_74 : memref<640x8xf32, #tpu.memory_space<hbm>>) dst(%dma_wait3A_72 : memref<640x8xf32, #tpu.memory_space<vmem_shared>>)
      tpu.yield
    }) : () -> ()
    "tpu.region"() ({
      %run_scoped3A = tpu.sem_alloc : memref<!tpu.dma_semaphore, #tpu.memory_space<semaphore_mem>>
      %dma_start3A_68 = arith.constant 0 : i32
      %dma_start3A_69 = arith.constant 0 : i32
      %dma_start3A_70 = tpu.memref_slice %arg3[%add3A, %dma_start3A_68, %dma_start3A_69] : memref<32x80x128xi32, #tpu.memory_space<hbm>> -> memref<1x80x128xi32, #tpu.memory_space<hbm>>
      %dma_start3A_71 = tpu.memref_squeeze %dma_start3A_70 : memref<1x80x128xi32, #tpu.memory_space<hbm>> -> memref<80x128xi32, #tpu.memory_space<hbm>>
      %dma_start3A_72 = arith.constant 0 : i32
      %dma_start3A_73 = arith.constant 0 : i32
      %dma_start3A_74 = tpu.memref_slice %arg3[%add3A, %dma_start3A_72, %dma_start3A_73] : memref<32x80x128xi32, #tpu.memory_space<hbm>> -> memref<1x80x128xi32, #tpu.memory_space<hbm>>
      %dma_start3A_75 = tpu.memref_squeeze %dma_start3A_74 : memref<1x80x128xi32, #tpu.memory_space<hbm>> -> memref<80x128xi32, #tpu.memory_space<hbm>>
      tpu.enqueue_dma source(%dma_start3A_75 : memref<80x128xi32, #tpu.memory_space<hbm>>) target(%arg7 : memref<80x128xi32, #tpu.memory_space<vmem>>) target_semaphore(%run_scoped3A : memref<!tpu.dma_semaphore, #tpu.memory_space<semaphore_mem>>)
      %dma_wait3A = arith.constant 0 : i32
      %dma_wait3A_76 = arith.constant 0 : i32
      %dma_wait3A_77 = tpu.memref_slice %arg3[%add3A, %dma_wait3A, %dma_wait3A_76] : memref<32x80x128xi32, #tpu.memory_space<hbm>> -> memref<1x80x128xi32, #tpu.memory_space<hbm>>
      %dma_wait3A_78 = tpu.memref_squeeze %dma_wait3A_77 : memref<1x80x128xi32, #tpu.memory_space<hbm>> -> memref<80x128xi32, #tpu.memory_space<hbm>>
      %dma_wait3A_79 = arith.constant 0 : i32
      %dma_wait3A_80 = arith.constant 0 : i32
      %dma_wait3A_81 = tpu.memref_slice %arg3[%add3A, %dma_wait3A_79, %dma_wait3A_80] : memref<32x80x128xi32, #tpu.memory_space<hbm>> -> memref<1x80x128xi32, #tpu.memory_space<hbm>>
      %dma_wait3A_82 = tpu.memref_squeeze %dma_wait3A_81 : memref<1x80x128xi32, #tpu.memory_space<hbm>> -> memref<80x128xi32, #tpu.memory_space<hbm>>
      tpu.wait_dma2 semaphore(%run_scoped3A : memref<!tpu.dma_semaphore, #tpu.memory_space<semaphore_mem>>) src(%dma_wait3A_82 : memref<80x128xi32, #tpu.memory_space<hbm>>) dst(%arg7 : memref<80x128xi32, #tpu.memory_space<vmem>>)
      tpu.yield
    }) : () -> ()
    "tpu.region"() ({
      %run_scoped3A = tpu.sem_alloc : memref<!tpu.dma_semaphore, #tpu.memory_space<semaphore_mem>>
      %dma_start3A_68 = arith.constant 0 : i32
      %dma_start3A_69 = arith.constant 0 : i32
      %dma_start3A_70 = tpu.memref_slice %arg4[%add3A, %dma_start3A_68, %dma_start3A_69] : memref<32x80x128xi32, #tpu.memory_space<hbm>> -> memref<1x80x128xi32, #tpu.memory_space<hbm>>
      %dma_start3A_71 = tpu.memref_squeeze %dma_start3A_70 : memref<1x80x128xi32, #tpu.memory_space<hbm>> -> memref<80x128xi32, #tpu.memory_space<hbm>>
      %dma_start3A_72 = arith.constant 0 : i32
      %dma_start3A_73 = arith.constant 0 : i32
      %dma_start3A_74 = tpu.memref_slice %arg4[%add3A, %dma_start3A_72, %dma_start3A_73] : memref<32x80x128xi32, #tpu.memory_space<hbm>> -> memref<1x80x128xi32, #tpu.memory_space<hbm>>
      %dma_start3A_75 = tpu.memref_squeeze %dma_start3A_74 : memref<1x80x128xi32, #tpu.memory_space<hbm>> -> memref<80x128xi32, #tpu.memory_space<hbm>>
      tpu.enqueue_dma source(%dma_start3A_75 : memref<80x128xi32, #tpu.memory_space<hbm>>) target(%arg8 : memref<80x128xi32, #tpu.memory_space<vmem>>) target_semaphore(%run_scoped3A : memref<!tpu.dma_semaphore, #tpu.memory_space<semaphore_mem>>)
      %dma_wait3A = arith.constant 0 : i32
      %dma_wait3A_76 = arith.constant 0 : i32
      %dma_wait3A_77 = tpu.memref_slice %arg4[%add3A, %dma_wait3A, %dma_wait3A_76] : memref<32x80x128xi32, #tpu.memory_space<hbm>> -> memref<1x80x128xi32, #tpu.memory_space<hbm>>
      %dma_wait3A_78 = tpu.memref_squeeze %dma_wait3A_77 : memref<1x80x128xi32, #tpu.memory_space<hbm>> -> memref<80x128xi32, #tpu.memory_space<hbm>>
      %dma_wait3A_79 = arith.constant 0 : i32
      %dma_wait3A_80 = arith.constant 0 : i32
      %dma_wait3A_81 = tpu.memref_slice %arg4[%add3A, %dma_wait3A_79, %dma_wait3A_80] : memref<32x80x128xi32, #tpu.memory_space<hbm>> -> memref<1x80x128xi32, #tpu.memory_space<hbm>>
      %dma_wait3A_82 = tpu.memref_squeeze %dma_wait3A_81 : memref<1x80x128xi32, #tpu.memory_space<hbm>> -> memref<80x128xi32, #tpu.memory_space<hbm>>
      tpu.wait_dma2 semaphore(%run_scoped3A : memref<!tpu.dma_semaphore, #tpu.memory_space<semaphore_mem>>) src(%dma_wait3A_82 : memref<80x128xi32, #tpu.memory_space<hbm>>) dst(%arg8 : memref<80x128xi32, #tpu.memory_space<vmem>>)
      tpu.yield
    }) : () -> ()
    %barrier3A = arith.constant 0 : index
    tpu.barrier barrier_id(%barrier3A)
    %dma_start3A = arith.constant 0 : i32
    %dma_start3A_3 = arith.constant 0 : i32
    %dma_start3A_4 = arith.constant 0 : i32
    %dma_start3A_5 = arith.constant 0 : i32
    %dma_start3A_6 = arith.constant 0 : i32
    %dma_start3A_7 = tpu.memref_slice %arg9[%dma_start3A_3, %dma_start3A_5, %dma_start3A_6] : memref<4x128x8xf32, #tpu.memory_space<vmem>> -> memref<1x128x8xf32, #tpu.memory_space<vmem>>
    %dma_start3A_8 = tpu.memref_squeeze %dma_start3A_7 : memref<1x128x8xf32, #tpu.memory_space<vmem>> -> memref<128x8xf32, #tpu.memory_space<vmem>>
    %dma_start3A_9 = arith.constant 0 : i32
    %dma_start3A_10 = tpu.memref_slice %arg7[%dma_start3A, %dma_start3A_9] : memref<80x128xi32, #tpu.memory_space<vmem>> -> memref<1x128xi32, #tpu.memory_space<vmem>>
    %dma_start3A_11 = tpu.memref_squeeze %dma_start3A_10 : memref<1x128xi32, #tpu.memory_space<vmem>> -> memref<128xi32, #tpu.memory_space<vmem>>
    %dma_start3A_12 = arith.constant 0 : i32
    %dma_start3A_13 = arith.constant 0 : i32
    %dma_start3A_14 = tpu.memref_slice %arg11[%dma_start3A_12, %dma_start3A_13] : memref<10240x8xf32, #tpu.memory_space<vmem_shared>> -> memref<10240x8xf32, #tpu.memory_space<vmem_shared>>
    %dma_start3A_15 = tpu.memref_slice %arg12[%dma_start3A_4] : memref<4x!tpu.dma_semaphore, #tpu.memory_space<semaphore_mem>> -> memref<1x!tpu.dma_semaphore, #tpu.memory_space<semaphore_mem>>
    %dma_start3A_16 = tpu.memref_squeeze %dma_start3A_15 : memref<1x!tpu.dma_semaphore, #tpu.memory_space<semaphore_mem>> -> memref<!tpu.dma_semaphore, #tpu.memory_space<semaphore_mem>>
    tpu.enqueue_indirect_dma source(%dma_start3A_14 : memref<10240x8xf32, #tpu.memory_space<vmem_shared>>) target(%dma_start3A_8 : memref<128x8xf32, #tpu.memory_space<vmem>>) offsets(%dma_start3A_11 : memref<128xi32, #tpu.memory_space<vmem>>) semaphore(%dma_start3A_16 : memref<!tpu.dma_semaphore, #tpu.memory_space<semaphore_mem>>)
    %dma_start3A_17 = arith.constant 1 : i32
    %dma_start3A_18 = arith.constant 1 : i32
    %dma_start3A_19 = arith.constant 1 : i32
    %dma_start3A_20 = arith.constant 0 : i32
    %dma_start3A_21 = arith.constant 0 : i32
    %dma_start3A_22 = tpu.memref_slice %arg9[%dma_start3A_18, %dma_start3A_20, %dma_start3A_21] : memref<4x128x8xf32, #tpu.memory_space<vmem>> -> memref<1x128x8xf32, #tpu.memory_space<vmem>>
    %dma_start3A_23 = tpu.memref_squeeze %dma_start3A_22 : memref<1x128x8xf32, #tpu.memory_space<vmem>> -> memref<128x8xf32, #tpu.memory_space<vmem>>
    %dma_start3A_24 = arith.constant 0 : i32
    %dma_start3A_25 = tpu.memref_slice %arg7[%dma_start3A_17, %dma_start3A_24] : memref<80x128xi32, #tpu.memory_space<vmem>> -> memref<1x128xi32, #tpu.memory_space<vmem>>
    %dma_start3A_26 = tpu.memref_squeeze %dma_start3A_25 : memref<1x128xi32, #tpu.memory_space<vmem>> -> memref<128xi32, #tpu.memory_space<vmem>>
    %dma_start3A_27 = arith.constant 0 : i32
    %dma_start3A_28 = arith.constant 0 : i32
    %dma_start3A_29 = tpu.memref_slice %arg11[%dma_start3A_27, %dma_start3A_28] : memref<10240x8xf32, #tpu.memory_space<vmem_shared>> -> memref<10240x8xf32, #tpu.memory_space<vmem_shared>>
    %dma_start3A_30 = tpu.memref_slice %arg12[%dma_start3A_19] : memref<4x!tpu.dma_semaphore, #tpu.memory_space<semaphore_mem>> -> memref<1x!tpu.dma_semaphore, #tpu.memory_space<semaphore_mem>>
    %dma_start3A_31 = tpu.memref_squeeze %dma_start3A_30 : memref<1x!tpu.dma_semaphore, #tpu.memory_space<semaphore_mem>> -> memref<!tpu.dma_semaphore, #tpu.memory_space<semaphore_mem>>
    tpu.enqueue_indirect_dma source(%dma_start3A_29 : memref<10240x8xf32, #tpu.memory_space<vmem_shared>>) target(%dma_start3A_23 : memref<128x8xf32, #tpu.memory_space<vmem>>) offsets(%dma_start3A_26 : memref<128xi32, #tpu.memory_space<vmem>>) semaphore(%dma_start3A_31 : memref<!tpu.dma_semaphore, #tpu.memory_space<semaphore_mem>>)
    %dma_start3A_32 = arith.constant 2 : i32
    %dma_start3A_33 = arith.constant 2 : i32
    %dma_start3A_34 = arith.constant 2 : i32
    %dma_start3A_35 = arith.constant 0 : i32
    %dma_start3A_36 = arith.constant 0 : i32
    %dma_start3A_37 = tpu.memref_slice %arg9[%dma_start3A_33, %dma_start3A_35, %dma_start3A_36] : memref<4x128x8xf32, #tpu.memory_space<vmem>> -> memref<1x128x8xf32, #tpu.memory_space<vmem>>
    %dma_start3A_38 = tpu.memref_squeeze %dma_start3A_37 : memref<1x128x8xf32, #tpu.memory_space<vmem>> -> memref<128x8xf32, #tpu.memory_space<vmem>>
    %dma_start3A_39 = arith.constant 0 : i32
    %dma_start3A_40 = tpu.memref_slice %arg7[%dma_start3A_32, %dma_start3A_39] : memref<80x128xi32, #tpu.memory_space<vmem>> -> memref<1x128xi32, #tpu.memory_space<vmem>>
    %dma_start3A_41 = tpu.memref_squeeze %dma_start3A_40 : memref<1x128xi32, #tpu.memory_space<vmem>> -> memref<128xi32, #tpu.memory_space<vmem>>
    %dma_start3A_42 = arith.constant 0 : i32
    %dma_start3A_43 = arith.constant 0 : i32
    %dma_start3A_44 = tpu.memref_slice %arg11[%dma_start3A_42, %dma_start3A_43] : memref<10240x8xf32, #tpu.memory_space<vmem_shared>> -> memref<10240x8xf32, #tpu.memory_space<vmem_shared>>
    %dma_start3A_45 = tpu.memref_slice %arg12[%dma_start3A_34] : memref<4x!tpu.dma_semaphore, #tpu.memory_space<semaphore_mem>> -> memref<1x!tpu.dma_semaphore, #tpu.memory_space<semaphore_mem>>
    %dma_start3A_46 = tpu.memref_squeeze %dma_start3A_45 : memref<1x!tpu.dma_semaphore, #tpu.memory_space<semaphore_mem>> -> memref<!tpu.dma_semaphore, #tpu.memory_space<semaphore_mem>>
    tpu.enqueue_indirect_dma source(%dma_start3A_44 : memref<10240x8xf32, #tpu.memory_space<vmem_shared>>) target(%dma_start3A_38 : memref<128x8xf32, #tpu.memory_space<vmem>>) offsets(%dma_start3A_41 : memref<128xi32, #tpu.memory_space<vmem>>) semaphore(%dma_start3A_46 : memref<!tpu.dma_semaphore, #tpu.memory_space<semaphore_mem>>)
    %dma_start3A_47 = arith.constant 3 : i32
    %dma_start3A_48 = arith.constant 3 : i32
    %dma_start3A_49 = arith.constant 3 : i32
    %dma_start3A_50 = arith.constant 0 : i32
    %dma_start3A_51 = arith.constant 0 : i32
    %dma_start3A_52 = tpu.memref_slice %arg9[%dma_start3A_48, %dma_start3A_50, %dma_start3A_51] : memref<4x128x8xf32, #tpu.memory_space<vmem>> -> memref<1x128x8xf32, #tpu.memory_space<vmem>>
    %dma_start3A_53 = tpu.memref_squeeze %dma_start3A_52 : memref<1x128x8xf32, #tpu.memory_space<vmem>> -> memref<128x8xf32, #tpu.memory_space<vmem>>
    %dma_start3A_54 = arith.constant 0 : i32
    %dma_start3A_55 = tpu.memref_slice %arg7[%dma_start3A_47, %dma_start3A_54] : memref<80x128xi32, #tpu.memory_space<vmem>> -> memref<1x128xi32, #tpu.memory_space<vmem>>
    %dma_start3A_56 = tpu.memref_squeeze %dma_start3A_55 : memref<1x128xi32, #tpu.memory_space<vmem>> -> memref<128xi32, #tpu.memory_space<vmem>>
    %dma_start3A_57 = arith.constant 0 : i32
    %dma_start3A_58 = arith.constant 0 : i32
    %dma_start3A_59 = tpu.memref_slice %arg11[%dma_start3A_57, %dma_start3A_58] : memref<10240x8xf32, #tpu.memory_space<vmem_shared>> -> memref<10240x8xf32, #tpu.memory_space<vmem_shared>>
    %dma_start3A_60 = tpu.memref_slice %arg12[%dma_start3A_49] : memref<4x!tpu.dma_semaphore, #tpu.memory_space<semaphore_mem>> -> memref<1x!tpu.dma_semaphore, #tpu.memory_space<semaphore_mem>>
    %dma_start3A_61 = tpu.memref_squeeze %dma_start3A_60 : memref<1x!tpu.dma_semaphore, #tpu.memory_space<semaphore_mem>> -> memref<!tpu.dma_semaphore, #tpu.memory_space<semaphore_mem>>
    tpu.enqueue_indirect_dma source(%dma_start3A_59 : memref<10240x8xf32, #tpu.memory_space<vmem_shared>>) target(%dma_start3A_53 : memref<128x8xf32, #tpu.memory_space<vmem>>) offsets(%dma_start3A_56 : memref<128xi32, #tpu.memory_space<vmem>>) semaphore(%dma_start3A_61 : memref<!tpu.dma_semaphore, #tpu.memory_space<semaphore_mem>>)
    %scan3A = arith.constant 0 : i32
    %scan3A_62 = arith.constant 0 : i32
    %scan3A_63 = arith.constant 20 : i32
    %scan3A_64 = arith.addi %scan3A_62, %scan3A_63 : i32
    %scan3A_65 = arith.constant 1 : i32
    scf.for %scan3A_68 = %scan3A_62 to %scan3A_64 step %scan3A_65  : i32 {
      %mul3A_69 = arith.constant 4 : i32
      %mul3A_70 = arith.muli %mul3A_69, %scan3A_68 : i32
      %add3A_71 = arith.constant 0 : i32
      %add3A_72 = arith.addi %mul3A_70, %add3A_71 : i32
      %dma_wait3A = arith.constant 0 : i32
      %dma_wait3A_73 = arith.constant 0 : i32
      %dma_wait3A_74 = arith.constant 0 : i32
      %dma_wait3A_75 = arith.constant 0 : i32
      %dma_wait3A_76 = tpu.memref_slice %arg9[%dma_wait3A, %dma_wait3A_74, %dma_wait3A_75] : memref<4x128x8xf32, #tpu.memory_space<vmem>> -> memref<1x128x8xf32, #tpu.memory_space<vmem>>
      %dma_wait3A_77 = tpu.memref_squeeze %dma_wait3A_76 : memref<1x128x8xf32, #tpu.memory_space<vmem>> -> memref<128x8xf32, #tpu.memory_space<vmem>>
      %dma_wait3A_78 = arith.constant 0 : i32
      %dma_wait3A_79 = tpu.memref_slice %arg7[%add3A_72, %dma_wait3A_78] : memref<80x128xi32, #tpu.memory_space<vmem>> -> memref<1x128xi32, #tpu.memory_space<vmem>>
      %dma_wait3A_80 = tpu.memref_squeeze %dma_wait3A_79 : memref<1x128xi32, #tpu.memory_space<vmem>> -> memref<128xi32, #tpu.memory_space<vmem>>
      %dma_wait3A_81 = arith.constant 0 : i32
      %dma_wait3A_82 = arith.constant 0 : i32
      %dma_wait3A_83 = tpu.memref_slice %arg11[%dma_wait3A_81, %dma_wait3A_82] : memref<10240x8xf32, #tpu.memory_space<vmem_shared>> -> memref<10240x8xf32, #tpu.memory_space<vmem_shared>>
      %dma_wait3A_84 = tpu.memref_slice %arg12[%dma_wait3A_73] : memref<4x!tpu.dma_semaphore, #tpu.memory_space<semaphore_mem>> -> memref<1x!tpu.dma_semaphore, #tpu.memory_space<semaphore_mem>>
      %dma_wait3A_85 = tpu.memref_squeeze %dma_wait3A_84 : memref<1x!tpu.dma_semaphore, #tpu.memory_space<semaphore_mem>> -> memref<!tpu.dma_semaphore, #tpu.memory_space<semaphore_mem>>
      tpu.wait_indirect_dma semaphore(%dma_wait3A_85 : memref<!tpu.dma_semaphore, #tpu.memory_space<semaphore_mem>>) src(%dma_wait3A_83 : memref<10240x8xf32, #tpu.memory_space<vmem_shared>>) dst(%dma_wait3A_77 : memref<128x8xf32, #tpu.memory_space<vmem>>)
      %add3A_86 = arith.constant 0 : i32
      %add3A_87 = arith.addi %mul3A_70, %add3A_86 : i32
      %dma_start3A_88 = arith.constant 0 : i32
      %dma_start3A_89 = arith.constant 0 : i32
      %dma_start3A_90 = arith.constant 0 : i32
      %dma_start3A_91 = arith.constant 0 : i32
      %dma_start3A_92 = tpu.memref_slice %arg9[%dma_start3A_88, %dma_start3A_90, %dma_start3A_91] : memref<4x128x8xf32, #tpu.memory_space<vmem>> -> memref<1x128x8xf32, #tpu.memory_space<vmem>>
      %dma_start3A_93 = tpu.memref_squeeze %dma_start3A_92 : memref<1x128x8xf32, #tpu.memory_space<vmem>> -> memref<128x8xf32, #tpu.memory_space<vmem>>
      %dma_start3A_94 = arith.constant 0 : i32
      %dma_start3A_95 = tpu.memref_slice %arg8[%add3A_87, %dma_start3A_94] : memref<80x128xi32, #tpu.memory_space<vmem>> -> memref<1x128xi32, #tpu.memory_space<vmem>>
      %dma_start3A_96 = tpu.memref_squeeze %dma_start3A_95 : memref<1x128xi32, #tpu.memory_space<vmem>> -> memref<128xi32, #tpu.memory_space<vmem>>
      %dma_start3A_97 = arith.constant 0 : i32
      %dma_start3A_98 = arith.constant 0 : i32
      %dma_start3A_99 = tpu.memref_slice %arg10[%dma_start3A_97, %dma_start3A_98] : memref<10240x8xf32, #tpu.memory_space<vmem_shared>> -> memref<10240x8xf32, #tpu.memory_space<vmem_shared>>
      %dma_start3A_100 = tpu.memref_slice %arg13[%dma_start3A_89] : memref<4x!tpu.dma_semaphore, #tpu.memory_space<semaphore_mem>> -> memref<1x!tpu.dma_semaphore, #tpu.memory_space<semaphore_mem>>
      %dma_start3A_101 = tpu.memref_squeeze %dma_start3A_100 : memref<1x!tpu.dma_semaphore, #tpu.memory_space<semaphore_mem>> -> memref<!tpu.dma_semaphore, #tpu.memory_space<semaphore_mem>>
      tpu.enqueue_indirect_dma source(%dma_start3A_93 : memref<128x8xf32, #tpu.memory_space<vmem>>) target(%dma_start3A_99 : memref<10240x8xf32, #tpu.memory_space<vmem_shared>>) offsets(%dma_start3A_96 : memref<128xi32, #tpu.memory_space<vmem>>) semaphore(%dma_start3A_101 : memref<!tpu.dma_semaphore, #tpu.memory_space<semaphore_mem>>) {add = true}
      %add3A_102 = arith.constant 1 : i32
      %add3A_103 = arith.addi %mul3A_70, %add3A_102 : i32
      %dma_wait3A_104 = arith.constant 1 : i32
      %dma_wait3A_105 = arith.constant 1 : i32
      %dma_wait3A_106 = arith.constant 0 : i32
      %dma_wait3A_107 = arith.constant 0 : i32
      %dma_wait3A_108 = tpu.memref_slice %arg9[%dma_wait3A_104, %dma_wait3A_106, %dma_wait3A_107] : memref<4x128x8xf32, #tpu.memory_space<vmem>> -> memref<1x128x8xf32, #tpu.memory_space<vmem>>
      %dma_wait3A_109 = tpu.memref_squeeze %dma_wait3A_108 : memref<1x128x8xf32, #tpu.memory_space<vmem>> -> memref<128x8xf32, #tpu.memory_space<vmem>>
      %dma_wait3A_110 = arith.constant 0 : i32
      %dma_wait3A_111 = tpu.memref_slice %arg7[%add3A_103, %dma_wait3A_110] : memref<80x128xi32, #tpu.memory_space<vmem>> -> memref<1x128xi32, #tpu.memory_space<vmem>>
      %dma_wait3A_112 = tpu.memref_squeeze %dma_wait3A_111 : memref<1x128xi32, #tpu.memory_space<vmem>> -> memref<128xi32, #tpu.memory_space<vmem>>
      %dma_wait3A_113 = arith.constant 0 : i32
      %dma_wait3A_114 = arith.constant 0 : i32
      %dma_wait3A_115 = tpu.memref_slice %arg11[%dma_wait3A_113, %dma_wait3A_114] : memref<10240x8xf32, #tpu.memory_space<vmem_shared>> -> memref<10240x8xf32, #tpu.memory_space<vmem_shared>>
      %dma_wait3A_116 = tpu.memref_slice %arg12[%dma_wait3A_105] : memref<4x!tpu.dma_semaphore, #tpu.memory_space<semaphore_mem>> -> memref<1x!tpu.dma_semaphore, #tpu.memory_space<semaphore_mem>>
      %dma_wait3A_117 = tpu.memref_squeeze %dma_wait3A_116 : memref<1x!tpu.dma_semaphore, #tpu.memory_space<semaphore_mem>> -> memref<!tpu.dma_semaphore, #tpu.memory_space<semaphore_mem>>
      tpu.wait_indirect_dma semaphore(%dma_wait3A_117 : memref<!tpu.dma_semaphore, #tpu.memory_space<semaphore_mem>>) src(%dma_wait3A_115 : memref<10240x8xf32, #tpu.memory_space<vmem_shared>>) dst(%dma_wait3A_109 : memref<128x8xf32, #tpu.memory_space<vmem>>)
      %add3A_118 = arith.constant 1 : i32
      %add3A_119 = arith.addi %mul3A_70, %add3A_118 : i32
      %dma_start3A_120 = arith.constant 1 : i32
      %dma_start3A_121 = arith.constant 1 : i32
      %dma_start3A_122 = arith.constant 0 : i32
      %dma_start3A_123 = arith.constant 0 : i32
      %dma_start3A_124 = tpu.memref_slice %arg9[%dma_start3A_120, %dma_start3A_122, %dma_start3A_123] : memref<4x128x8xf32, #tpu.memory_space<vmem>> -> memref<1x128x8xf32, #tpu.memory_space<vmem>>
      %dma_start3A_125 = tpu.memref_squeeze %dma_start3A_124 : memref<1x128x8xf32, #tpu.memory_space<vmem>> -> memref<128x8xf32, #tpu.memory_space<vmem>>
      %dma_start3A_126 = arith.constant 0 : i32
      %dma_start3A_127 = tpu.memref_slice %arg8[%add3A_119, %dma_start3A_126] : memref<80x128xi32, #tpu.memory_space<vmem>> -> memref<1x128xi32, #tpu.memory_space<vmem>>
      %dma_start3A_128 = tpu.memref_squeeze %dma_start3A_127 : memref<1x128xi32, #tpu.memory_space<vmem>> -> memref<128xi32, #tpu.memory_space<vmem>>
      %dma_start3A_129 = arith.constant 0 : i32
      %dma_start3A_130 = arith.constant 0 : i32
      %dma_start3A_131 = tpu.memref_slice %arg10[%dma_start3A_129, %dma_start3A_130] : memref<10240x8xf32, #tpu.memory_space<vmem_shared>> -> memref<10240x8xf32, #tpu.memory_space<vmem_shared>>
      %dma_start3A_132 = tpu.memref_slice %arg13[%dma_start3A_121] : memref<4x!tpu.dma_semaphore, #tpu.memory_space<semaphore_mem>> -> memref<1x!tpu.dma_semaphore, #tpu.memory_space<semaphore_mem>>
      %dma_start3A_133 = tpu.memref_squeeze %dma_start3A_132 : memref<1x!tpu.dma_semaphore, #tpu.memory_space<semaphore_mem>> -> memref<!tpu.dma_semaphore, #tpu.memory_space<semaphore_mem>>
      tpu.enqueue_indirect_dma source(%dma_start3A_125 : memref<128x8xf32, #tpu.memory_space<vmem>>) target(%dma_start3A_131 : memref<10240x8xf32, #tpu.memory_space<vmem_shared>>) offsets(%dma_start3A_128 : memref<128xi32, #tpu.memory_space<vmem>>) semaphore(%dma_start3A_133 : memref<!tpu.dma_semaphore, #tpu.memory_space<semaphore_mem>>) {add = true}
      %add3A_134 = arith.constant 2 : i32
      %add3A_135 = arith.addi %mul3A_70, %add3A_134 : i32
      %dma_wait3A_136 = arith.constant 2 : i32
      %dma_wait3A_137 = arith.constant 2 : i32
      %dma_wait3A_138 = arith.constant 0 : i32
      %dma_wait3A_139 = arith.constant 0 : i32
      %dma_wait3A_140 = tpu.memref_slice %arg9[%dma_wait3A_136, %dma_wait3A_138, %dma_wait3A_139] : memref<4x128x8xf32, #tpu.memory_space<vmem>> -> memref<1x128x8xf32, #tpu.memory_space<vmem>>
      %dma_wait3A_141 = tpu.memref_squeeze %dma_wait3A_140 : memref<1x128x8xf32, #tpu.memory_space<vmem>> -> memref<128x8xf32, #tpu.memory_space<vmem>>
      %dma_wait3A_142 = arith.constant 0 : i32
      %dma_wait3A_143 = tpu.memref_slice %arg7[%add3A_135, %dma_wait3A_142] : memref<80x128xi32, #tpu.memory_space<vmem>> -> memref<1x128xi32, #tpu.memory_space<vmem>>
      %dma_wait3A_144 = tpu.memref_squeeze %dma_wait3A_143 : memref<1x128xi32, #tpu.memory_space<vmem>> -> memref<128xi32, #tpu.memory_space<vmem>>
      %dma_wait3A_145 = arith.constant 0 : i32
      %dma_wait3A_146 = arith.constant 0 : i32
      %dma_wait3A_147 = tpu.memref_slice %arg11[%dma_wait3A_145, %dma_wait3A_146] : memref<10240x8xf32, #tpu.memory_space<vmem_shared>> -> memref<10240x8xf32, #tpu.memory_space<vmem_shared>>
      %dma_wait3A_148 = tpu.memref_slice %arg12[%dma_wait3A_137] : memref<4x!tpu.dma_semaphore, #tpu.memory_space<semaphore_mem>> -> memref<1x!tpu.dma_semaphore, #tpu.memory_space<semaphore_mem>>
      %dma_wait3A_149 = tpu.memref_squeeze %dma_wait3A_148 : memref<1x!tpu.dma_semaphore, #tpu.memory_space<semaphore_mem>> -> memref<!tpu.dma_semaphore, #tpu.memory_space<semaphore_mem>>
      tpu.wait_indirect_dma semaphore(%dma_wait3A_149 : memref<!tpu.dma_semaphore, #tpu.memory_space<semaphore_mem>>) src(%dma_wait3A_147 : memref<10240x8xf32, #tpu.memory_space<vmem_shared>>) dst(%dma_wait3A_141 : memref<128x8xf32, #tpu.memory_space<vmem>>)
      %add3A_150 = arith.constant 2 : i32
      %add3A_151 = arith.addi %mul3A_70, %add3A_150 : i32
      %dma_start3A_152 = arith.constant 2 : i32
      %dma_start3A_153 = arith.constant 2 : i32
      %dma_start3A_154 = arith.constant 0 : i32
      %dma_start3A_155 = arith.constant 0 : i32
      %dma_start3A_156 = tpu.memref_slice %arg9[%dma_start3A_152, %dma_start3A_154, %dma_start3A_155] : memref<4x128x8xf32, #tpu.memory_space<vmem>> -> memref<1x128x8xf32, #tpu.memory_space<vmem>>
      %dma_start3A_157 = tpu.memref_squeeze %dma_start3A_156 : memref<1x128x8xf32, #tpu.memory_space<vmem>> -> memref<128x8xf32, #tpu.memory_space<vmem>>
      %dma_start3A_158 = arith.constant 0 : i32
      %dma_start3A_159 = tpu.memref_slice %arg8[%add3A_151, %dma_start3A_158] : memref<80x128xi32, #tpu.memory_space<vmem>> -> memref<1x128xi32, #tpu.memory_space<vmem>>
      %dma_start3A_160 = tpu.memref_squeeze %dma_start3A_159 : memref<1x128xi32, #tpu.memory_space<vmem>> -> memref<128xi32, #tpu.memory_space<vmem>>
      %dma_start3A_161 = arith.constant 0 : i32
      %dma_start3A_162 = arith.constant 0 : i32
      %dma_start3A_163 = tpu.memref_slice %arg10[%dma_start3A_161, %dma_start3A_162] : memref<10240x8xf32, #tpu.memory_space<vmem_shared>> -> memref<10240x8xf32, #tpu.memory_space<vmem_shared>>
      %dma_start3A_164 = tpu.memref_slice %arg13[%dma_start3A_153] : memref<4x!tpu.dma_semaphore, #tpu.memory_space<semaphore_mem>> -> memref<1x!tpu.dma_semaphore, #tpu.memory_space<semaphore_mem>>
      %dma_start3A_165 = tpu.memref_squeeze %dma_start3A_164 : memref<1x!tpu.dma_semaphore, #tpu.memory_space<semaphore_mem>> -> memref<!tpu.dma_semaphore, #tpu.memory_space<semaphore_mem>>
      tpu.enqueue_indirect_dma source(%dma_start3A_157 : memref<128x8xf32, #tpu.memory_space<vmem>>) target(%dma_start3A_163 : memref<10240x8xf32, #tpu.memory_space<vmem_shared>>) offsets(%dma_start3A_160 : memref<128xi32, #tpu.memory_space<vmem>>) semaphore(%dma_start3A_165 : memref<!tpu.dma_semaphore, #tpu.memory_space<semaphore_mem>>) {add = true}
      %add3A_166 = arith.constant 3 : i32
      %add3A_167 = arith.addi %mul3A_70, %add3A_166 : i32
      %dma_wait3A_168 = arith.constant 3 : i32
      %dma_wait3A_169 = arith.constant 3 : i32
      %dma_wait3A_170 = arith.constant 0 : i32
      %dma_wait3A_171 = arith.constant 0 : i32
      %dma_wait3A_172 = tpu.memref_slice %arg9[%dma_wait3A_168, %dma_wait3A_170, %dma_wait3A_171] : memref<4x128x8xf32, #tpu.memory_space<vmem>> -> memref<1x128x8xf32, #tpu.memory_space<vmem>>
      %dma_wait3A_173 = tpu.memref_squeeze %dma_wait3A_172 : memref<1x128x8xf32, #tpu.memory_space<vmem>> -> memref<128x8xf32, #tpu.memory_space<vmem>>
      %dma_wait3A_174 = arith.constant 0 : i32
      %dma_wait3A_175 = tpu.memref_slice %arg7[%add3A_167, %dma_wait3A_174] : memref<80x128xi32, #tpu.memory_space<vmem>> -> memref<1x128xi32, #tpu.memory_space<vmem>>
      %dma_wait3A_176 = tpu.memref_squeeze %dma_wait3A_175 : memref<1x128xi32, #tpu.memory_space<vmem>> -> memref<128xi32, #tpu.memory_space<vmem>>
      %dma_wait3A_177 = arith.constant 0 : i32
      %dma_wait3A_178 = arith.constant 0 : i32
      %dma_wait3A_179 = tpu.memref_slice %arg11[%dma_wait3A_177, %dma_wait3A_178] : memref<10240x8xf32, #tpu.memory_space<vmem_shared>> -> memref<10240x8xf32, #tpu.memory_space<vmem_shared>>
      %dma_wait3A_180 = tpu.memref_slice %arg12[%dma_wait3A_169] : memref<4x!tpu.dma_semaphore, #tpu.memory_space<semaphore_mem>> -> memref<1x!tpu.dma_semaphore, #tpu.memory_space<semaphore_mem>>
      %dma_wait3A_181 = tpu.memref_squeeze %dma_wait3A_180 : memref<1x!tpu.dma_semaphore, #tpu.memory_space<semaphore_mem>> -> memref<!tpu.dma_semaphore, #tpu.memory_space<semaphore_mem>>
      tpu.wait_indirect_dma semaphore(%dma_wait3A_181 : memref<!tpu.dma_semaphore, #tpu.memory_space<semaphore_mem>>) src(%dma_wait3A_179 : memref<10240x8xf32, #tpu.memory_space<vmem_shared>>) dst(%dma_wait3A_173 : memref<128x8xf32, #tpu.memory_space<vmem>>)
      %add3A_182 = arith.constant 3 : i32
      %add3A_183 = arith.addi %mul3A_70, %add3A_182 : i32
      %dma_start3A_184 = arith.constant 3 : i32
      %dma_start3A_185 = arith.constant 3 : i32
      %dma_start3A_186 = arith.constant 0 : i32
      %dma_start3A_187 = arith.constant 0 : i32
      %dma_start3A_188 = tpu.memref_slice %arg9[%dma_start3A_184, %dma_start3A_186, %dma_start3A_187] : memref<4x128x8xf32, #tpu.memory_space<vmem>> -> memref<1x128x8xf32, #tpu.memory_space<vmem>>
      %dma_start3A_189 = tpu.memref_squeeze %dma_start3A_188 : memref<1x128x8xf32, #tpu.memory_space<vmem>> -> memref<128x8xf32, #tpu.memory_space<vmem>>
      %dma_start3A_190 = arith.constant 0 : i32
      %dma_start3A_191 = tpu.memref_slice %arg8[%add3A_183, %dma_start3A_190] : memref<80x128xi32, #tpu.memory_space<vmem>> -> memref<1x128xi32, #tpu.memory_space<vmem>>
      %dma_start3A_192 = tpu.memref_squeeze %dma_start3A_191 : memref<1x128xi32, #tpu.memory_space<vmem>> -> memref<128xi32, #tpu.memory_space<vmem>>
      %dma_start3A_193 = arith.constant 0 : i32
      %dma_start3A_194 = arith.constant 0 : i32
      %dma_start3A_195 = tpu.memref_slice %arg10[%dma_start3A_193, %dma_start3A_194] : memref<10240x8xf32, #tpu.memory_space<vmem_shared>> -> memref<10240x8xf32, #tpu.memory_space<vmem_shared>>
      %dma_start3A_196 = tpu.memref_slice %arg13[%dma_start3A_185] : memref<4x!tpu.dma_semaphore, #tpu.memory_space<semaphore_mem>> -> memref<1x!tpu.dma_semaphore, #tpu.memory_space<semaphore_mem>>
      %dma_start3A_197 = tpu.memref_squeeze %dma_start3A_196 : memref<1x!tpu.dma_semaphore, #tpu.memory_space<semaphore_mem>> -> memref<!tpu.dma_semaphore, #tpu.memory_space<semaphore_mem>>
      tpu.enqueue_indirect_dma source(%dma_start3A_189 : memref<128x8xf32, #tpu.memory_space<vmem>>) target(%dma_start3A_195 : memref<10240x8xf32, #tpu.memory_space<vmem_shared>>) offsets(%dma_start3A_192 : memref<128xi32, #tpu.memory_space<vmem>>) semaphore(%dma_start3A_197 : memref<!tpu.dma_semaphore, #tpu.memory_space<semaphore_mem>>) {add = true}
      %add3A_198 = arith.constant 0 : i32
      %add3A_199 = arith.addi %mul3A_70, %add3A_198 : i32
      %dma_wait3A_200 = arith.constant 0 : i32
      %dma_wait3A_201 = arith.constant 0 : i32
      %dma_wait3A_202 = arith.constant 0 : i32
      %dma_wait3A_203 = arith.constant 0 : i32
      %dma_wait3A_204 = tpu.memref_slice %arg9[%dma_wait3A_200, %dma_wait3A_202, %dma_wait3A_203] : memref<4x128x8xf32, #tpu.memory_space<vmem>> -> memref<1x128x8xf32, #tpu.memory_space<vmem>>
      %dma_wait3A_205 = tpu.memref_squeeze %dma_wait3A_204 : memref<1x128x8xf32, #tpu.memory_space<vmem>> -> memref<128x8xf32, #tpu.memory_space<vmem>>
      %dma_wait3A_206 = arith.constant 0 : i32
      %dma_wait3A_207 = tpu.memref_slice %arg8[%add3A_199, %dma_wait3A_206] : memref<80x128xi32, #tpu.memory_space<vmem>> -> memref<1x128xi32, #tpu.memory_space<vmem>>
      %dma_wait3A_208 = tpu.memref_squeeze %dma_wait3A_207 : memref<1x128xi32, #tpu.memory_space<vmem>> -> memref<128xi32, #tpu.memory_space<vmem>>
      %dma_wait3A_209 = arith.constant 0 : i32
      %dma_wait3A_210 = arith.constant 0 : i32
      %dma_wait3A_211 = tpu.memref_slice %arg10[%dma_wait3A_209, %dma_wait3A_210] : memref<10240x8xf32, #tpu.memory_space<vmem_shared>> -> memref<10240x8xf32, #tpu.memory_space<vmem_shared>>
      %dma_wait3A_212 = tpu.memref_slice %arg13[%dma_wait3A_201] : memref<4x!tpu.dma_semaphore, #tpu.memory_space<semaphore_mem>> -> memref<1x!tpu.dma_semaphore, #tpu.memory_space<semaphore_mem>>
      %dma_wait3A_213 = tpu.memref_squeeze %dma_wait3A_212 : memref<1x!tpu.dma_semaphore, #tpu.memory_space<semaphore_mem>> -> memref<!tpu.dma_semaphore, #tpu.memory_space<semaphore_mem>>
      tpu.wait_indirect_dma semaphore(%dma_wait3A_213 : memref<!tpu.dma_semaphore, #tpu.memory_space<semaphore_mem>>) src(%dma_wait3A_205 : memref<128x8xf32, #tpu.memory_space<vmem>>) dst(%dma_wait3A_211 : memref<10240x8xf32, #tpu.memory_space<vmem_shared>>)
      %add3A_214 = arith.constant 0 : i32
      %add3A_215 = arith.addi %mul3A_70, %add3A_214 : i32
      %add3A_216 = arith.constant 4 : i32
      %add3A_217 = arith.addi %add3A_215, %add3A_216 : i32
      %lt3A = arith.constant 80 : i32
      %lt3A_218 = arith.cmpi slt, %add3A_217, %lt3A : i32
      %convert_element_type3A = arith.extui %lt3A_218 : i1 to i32
      %cond3A = arith.constant 0 : i32
      %cond3A_219 = arith.cmpi ne, %convert_element_type3A, %cond3A : i32
      scf.if %cond3A_219 {
        %add3A_295 = arith.constant 0 : i32
        %add3A_296 = arith.addi %mul3A_70, %add3A_295 : i32
        %add3A_297 = arith.constant 4 : i32
        %add3A_298 = arith.addi %add3A_296, %add3A_297 : i32
        %dma_start3A_299 = arith.constant 0 : i32
        %dma_start3A_300 = arith.constant 0 : i32
        %dma_start3A_301 = arith.constant 0 : i32
        %dma_start3A_302 = arith.constant 0 : i32
        %dma_start3A_303 = tpu.memref_slice %arg9[%dma_start3A_299, %dma_start3A_301, %dma_start3A_302] : memref<4x128x8xf32, #tpu.memory_space<vmem>> -> memref<1x128x8xf32, #tpu.memory_space<vmem>>
        %dma_start3A_304 = tpu.memref_squeeze %dma_start3A_303 : memref<1x128x8xf32, #tpu.memory_space<vmem>> -> memref<128x8xf32, #tpu.memory_space<vmem>>
        %dma_start3A_305 = arith.constant 0 : i32
        %dma_start3A_306 = tpu.memref_slice %arg7[%add3A_298, %dma_start3A_305] : memref<80x128xi32, #tpu.memory_space<vmem>> -> memref<1x128xi32, #tpu.memory_space<vmem>>
        %dma_start3A_307 = tpu.memref_squeeze %dma_start3A_306 : memref<1x128xi32, #tpu.memory_space<vmem>> -> memref<128xi32, #tpu.memory_space<vmem>>
        %dma_start3A_308 = arith.constant 0 : i32
        %dma_start3A_309 = arith.constant 0 : i32
        %dma_start3A_310 = tpu.memref_slice %arg11[%dma_start3A_308, %dma_start3A_309] : memref<10240x8xf32, #tpu.memory_space<vmem_shared>> -> memref<10240x8xf32, #tpu.memory_space<vmem_shared>>
        %dma_start3A_311 = tpu.memref_slice %arg12[%dma_start3A_300] : memref<4x!tpu.dma_semaphore, #tpu.memory_space<semaphore_mem>> -> memref<1x!tpu.dma_semaphore, #tpu.memory_space<semaphore_mem>>
        %dma_start3A_312 = tpu.memref_squeeze %dma_start3A_311 : memref<1x!tpu.dma_semaphore, #tpu.memory_space<semaphore_mem>> -> memref<!tpu.dma_semaphore, #tpu.memory_space<semaphore_mem>>
        tpu.enqueue_indirect_dma source(%dma_start3A_310 : memref<10240x8xf32, #tpu.memory_space<vmem_shared>>) target(%dma_start3A_304 : memref<128x8xf32, #tpu.memory_space<vmem>>) offsets(%dma_start3A_307 : memref<128xi32, #tpu.memory_space<vmem>>) semaphore(%dma_start3A_312 : memref<!tpu.dma_semaphore, #tpu.memory_space<semaphore_mem>>)
      } else {
      }
      %add3A_220 = arith.constant 1 : i32
      %add3A_221 = arith.addi %mul3A_70, %add3A_220 : i32
      %dma_wait3A_222 = arith.constant 1 : i32
      %dma_wait3A_223 = arith.constant 1 : i32
      %dma_wait3A_224 = arith.constant 0 : i32
      %dma_wait3A_225 = arith.constant 0 : i32
      %dma_wait3A_226 = tpu.memref_slice %arg9[%dma_wait3A_222, %dma_wait3A_224, %dma_wait3A_225] : memref<4x128x8xf32, #tpu.memory_space<vmem>> -> memref<1x128x8xf32, #tpu.memory_space<vmem>>
      %dma_wait3A_227 = tpu.memref_squeeze %dma_wait3A_226 : memref<1x128x8xf32, #tpu.memory_space<vmem>> -> memref<128x8xf32, #tpu.memory_space<vmem>>
      %dma_wait3A_228 = arith.constant 0 : i32
      %dma_wait3A_229 = tpu.memref_slice %arg8[%add3A_221, %dma_wait3A_228] : memref<80x128xi32, #tpu.memory_space<vmem>> -> memref<1x128xi32, #tpu.memory_space<vmem>>
      %dma_wait3A_230 = tpu.memref_squeeze %dma_wait3A_229 : memref<1x128xi32, #tpu.memory_space<vmem>> -> memref<128xi32, #tpu.memory_space<vmem>>
      %dma_wait3A_231 = arith.constant 0 : i32
      %dma_wait3A_232 = arith.constant 0 : i32
      %dma_wait3A_233 = tpu.memref_slice %arg10[%dma_wait3A_231, %dma_wait3A_232] : memref<10240x8xf32, #tpu.memory_space<vmem_shared>> -> memref<10240x8xf32, #tpu.memory_space<vmem_shared>>
      %dma_wait3A_234 = tpu.memref_slice %arg13[%dma_wait3A_223] : memref<4x!tpu.dma_semaphore, #tpu.memory_space<semaphore_mem>> -> memref<1x!tpu.dma_semaphore, #tpu.memory_space<semaphore_mem>>
      %dma_wait3A_235 = tpu.memref_squeeze %dma_wait3A_234 : memref<1x!tpu.dma_semaphore, #tpu.memory_space<semaphore_mem>> -> memref<!tpu.dma_semaphore, #tpu.memory_space<semaphore_mem>>
      tpu.wait_indirect_dma semaphore(%dma_wait3A_235 : memref<!tpu.dma_semaphore, #tpu.memory_space<semaphore_mem>>) src(%dma_wait3A_227 : memref<128x8xf32, #tpu.memory_space<vmem>>) dst(%dma_wait3A_233 : memref<10240x8xf32, #tpu.memory_space<vmem_shared>>)
      %add3A_236 = arith.constant 1 : i32
      %add3A_237 = arith.addi %mul3A_70, %add3A_236 : i32
      %add3A_238 = arith.constant 4 : i32
      %add3A_239 = arith.addi %add3A_237, %add3A_238 : i32
      %lt3A_240 = arith.constant 80 : i32
      %lt3A_241 = arith.cmpi slt, %add3A_239, %lt3A_240 : i32
      %convert_element_type3A_242 = arith.extui %lt3A_241 : i1 to i32
      %cond3A_243 = arith.constant 0 : i32
      %cond3A_244 = arith.cmpi ne, %convert_element_type3A_242, %cond3A_243 : i32
      scf.if %cond3A_244 {
        %add3A_295 = arith.constant 1 : i32
        %add3A_296 = arith.addi %mul3A_70, %add3A_295 : i32
        %add3A_297 = arith.constant 4 : i32
        %add3A_298 = arith.addi %add3A_296, %add3A_297 : i32
        %dma_start3A_299 = arith.constant 1 : i32
        %dma_start3A_300 = arith.constant 1 : i32
        %dma_start3A_301 = arith.constant 0 : i32
        %dma_start3A_302 = arith.constant 0 : i32
        %dma_start3A_303 = tpu.memref_slice %arg9[%dma_start3A_299, %dma_start3A_301, %dma_start3A_302] : memref<4x128x8xf32, #tpu.memory_space<vmem>> -> memref<1x128x8xf32, #tpu.memory_space<vmem>>
        %dma_start3A_304 = tpu.memref_squeeze %dma_start3A_303 : memref<1x128x8xf32, #tpu.memory_space<vmem>> -> memref<128x8xf32, #tpu.memory_space<vmem>>
        %dma_start3A_305 = arith.constant 0 : i32
        %dma_start3A_306 = tpu.memref_slice %arg7[%add3A_298, %dma_start3A_305] : memref<80x128xi32, #tpu.memory_space<vmem>> -> memref<1x128xi32, #tpu.memory_space<vmem>>
        %dma_start3A_307 = tpu.memref_squeeze %dma_start3A_306 : memref<1x128xi32, #tpu.memory_space<vmem>> -> memref<128xi32, #tpu.memory_space<vmem>>
        %dma_start3A_308 = arith.constant 0 : i32
        %dma_start3A_309 = arith.constant 0 : i32
        %dma_start3A_310 = tpu.memref_slice %arg11[%dma_start3A_308, %dma_start3A_309] : memref<10240x8xf32, #tpu.memory_space<vmem_shared>> -> memref<10240x8xf32, #tpu.memory_space<vmem_shared>>
        %dma_start3A_311 = tpu.memref_slice %arg12[%dma_start3A_300] : memref<4x!tpu.dma_semaphore, #tpu.memory_space<semaphore_mem>> -> memref<1x!tpu.dma_semaphore, #tpu.memory_space<semaphore_mem>>
        %dma_start3A_312 = tpu.memref_squeeze %dma_start3A_311 : memref<1x!tpu.dma_semaphore, #tpu.memory_space<semaphore_mem>> -> memref<!tpu.dma_semaphore, #tpu.memory_space<semaphore_mem>>
        tpu.enqueue_indirect_dma source(%dma_start3A_310 : memref<10240x8xf32, #tpu.memory_space<vmem_shared>>) target(%dma_start3A_304 : memref<128x8xf32, #tpu.memory_space<vmem>>) offsets(%dma_start3A_307 : memref<128xi32, #tpu.memory_space<vmem>>) semaphore(%dma_start3A_312 : memref<!tpu.dma_semaphore, #tpu.memory_space<semaphore_mem>>)
      } else {
      }
      %add3A_245 = arith.constant 2 : i32
      %add3A_246 = arith.addi %mul3A_70, %add3A_245 : i32
      %dma_wait3A_247 = arith.constant 2 : i32
      %dma_wait3A_248 = arith.constant 2 : i32
      %dma_wait3A_249 = arith.constant 0 : i32
      %dma_wait3A_250 = arith.constant 0 : i32
      %dma_wait3A_251 = tpu.memref_slice %arg9[%dma_wait3A_247, %dma_wait3A_249, %dma_wait3A_250] : memref<4x128x8xf32, #tpu.memory_space<vmem>> -> memref<1x128x8xf32, #tpu.memory_space<vmem>>
      %dma_wait3A_252 = tpu.memref_squeeze %dma_wait3A_251 : memref<1x128x8xf32, #tpu.memory_space<vmem>> -> memref<128x8xf32, #tpu.memory_space<vmem>>
      %dma_wait3A_253 = arith.constant 0 : i32
      %dma_wait3A_254 = tpu.memref_slice %arg8[%add3A_246, %dma_wait3A_253] : memref<80x128xi32, #tpu.memory_space<vmem>> -> memref<1x128xi32, #tpu.memory_space<vmem>>
      %dma_wait3A_255 = tpu.memref_squeeze %dma_wait3A_254 : memref<1x128xi32, #tpu.memory_space<vmem>> -> memref<128xi32, #tpu.memory_space<vmem>>
      %dma_wait3A_256 = arith.constant 0 : i32
      %dma_wait3A_257 = arith.constant 0 : i32
      %dma_wait3A_258 = tpu.memref_slice %arg10[%dma_wait3A_256, %dma_wait3A_257] : memref<10240x8xf32, #tpu.memory_space<vmem_shared>> -> memref<10240x8xf32, #tpu.memory_space<vmem_shared>>
      %dma_wait3A_259 = tpu.memref_slice %arg13[%dma_wait3A_248] : memref<4x!tpu.dma_semaphore, #tpu.memory_space<semaphore_mem>> -> memref<1x!tpu.dma_semaphore, #tpu.memory_space<semaphore_mem>>
      %dma_wait3A_260 = tpu.memref_squeeze %dma_wait3A_259 : memref<1x!tpu.dma_semaphore, #tpu.memory_space<semaphore_mem>> -> memref<!tpu.dma_semaphore, #tpu.memory_space<semaphore_mem>>
      tpu.wait_indirect_dma semaphore(%dma_wait3A_260 : memref<!tpu.dma_semaphore, #tpu.memory_space<semaphore_mem>>) src(%dma_wait3A_252 : memref<128x8xf32, #tpu.memory_space<vmem>>) dst(%dma_wait3A_258 : memref<10240x8xf32, #tpu.memory_space<vmem_shared>>)
      %add3A_261 = arith.constant 2 : i32
      %add3A_262 = arith.addi %mul3A_70, %add3A_261 : i32
      %add3A_263 = arith.constant 4 : i32
      %add3A_264 = arith.addi %add3A_262, %add3A_263 : i32
      %lt3A_265 = arith.constant 80 : i32
      %lt3A_266 = arith.cmpi slt, %add3A_264, %lt3A_265 : i32
      %convert_element_type3A_267 = arith.extui %lt3A_266 : i1 to i32
      %cond3A_268 = arith.constant 0 : i32
      %cond3A_269 = arith.cmpi ne, %convert_element_type3A_267, %cond3A_268 : i32
      scf.if %cond3A_269 {
        %add3A_295 = arith.constant 2 : i32
        %add3A_296 = arith.addi %mul3A_70, %add3A_295 : i32
        %add3A_297 = arith.constant 4 : i32
        %add3A_298 = arith.addi %add3A_296, %add3A_297 : i32
        %dma_start3A_299 = arith.constant 2 : i32
        %dma_start3A_300 = arith.constant 2 : i32
        %dma_start3A_301 = arith.constant 0 : i32
        %dma_start3A_302 = arith.constant 0 : i32
        %dma_start3A_303 = tpu.memref_slice %arg9[%dma_start3A_299, %dma_start3A_301, %dma_start3A_302] : memref<4x128x8xf32, #tpu.memory_space<vmem>> -> memref<1x128x8xf32, #tpu.memory_space<vmem>>
        %dma_start3A_304 = tpu.memref_squeeze %dma_start3A_303 : memref<1x128x8xf32, #tpu.memory_space<vmem>> -> memref<128x8xf32, #tpu.memory_space<vmem>>
        %dma_start3A_305 = arith.constant 0 : i32
        %dma_start3A_306 = tpu.memref_slice %arg7[%add3A_298, %dma_start3A_305] : memref<80x128xi32, #tpu.memory_space<vmem>> -> memref<1x128xi32, #tpu.memory_space<vmem>>
        %dma_start3A_307 = tpu.memref_squeeze %dma_start3A_306 : memref<1x128xi32, #tpu.memory_space<vmem>> -> memref<128xi32, #tpu.memory_space<vmem>>
        %dma_start3A_308 = arith.constant 0 : i32
        %dma_start3A_309 = arith.constant 0 : i32
        %dma_start3A_310 = tpu.memref_slice %arg11[%dma_start3A_308, %dma_start3A_309] : memref<10240x8xf32, #tpu.memory_space<vmem_shared>> -> memref<10240x8xf32, #tpu.memory_space<vmem_shared>>
        %dma_start3A_311 = tpu.memref_slice %arg12[%dma_start3A_300] : memref<4x!tpu.dma_semaphore, #tpu.memory_space<semaphore_mem>> -> memref<1x!tpu.dma_semaphore, #tpu.memory_space<semaphore_mem>>
        %dma_start3A_312 = tpu.memref_squeeze %dma_start3A_311 : memref<1x!tpu.dma_semaphore, #tpu.memory_space<semaphore_mem>> -> memref<!tpu.dma_semaphore, #tpu.memory_space<semaphore_mem>>
        tpu.enqueue_indirect_dma source(%dma_start3A_310 : memref<10240x8xf32, #tpu.memory_space<vmem_shared>>) target(%dma_start3A_304 : memref<128x8xf32, #tpu.memory_space<vmem>>) offsets(%dma_start3A_307 : memref<128xi32, #tpu.memory_space<vmem>>) semaphore(%dma_start3A_312 : memref<!tpu.dma_semaphore, #tpu.memory_space<semaphore_mem>>)
      } else {
      }
      %add3A_270 = arith.constant 3 : i32
      %add3A_271 = arith.addi %mul3A_70, %add3A_270 : i32
      %dma_wait3A_272 = arith.constant 3 : i32
      %dma_wait3A_273 = arith.constant 3 : i32
      %dma_wait3A_274 = arith.constant 0 : i32
      %dma_wait3A_275 = arith.constant 0 : i32
      %dma_wait3A_276 = tpu.memref_slice %arg9[%dma_wait3A_272, %dma_wait3A_274, %dma_wait3A_275] : memref<4x128x8xf32, #tpu.memory_space<vmem>> -> memref<1x128x8xf32, #tpu.memory_space<vmem>>
      %dma_wait3A_277 = tpu.memref_squeeze %dma_wait3A_276 : memref<1x128x8xf32, #tpu.memory_space<vmem>> -> memref<128x8xf32, #tpu.memory_space<vmem>>
      %dma_wait3A_278 = arith.constant 0 : i32
      %dma_wait3A_279 = tpu.memref_slice %arg8[%add3A_271, %dma_wait3A_278] : memref<80x128xi32, #tpu.memory_space<vmem>> -> memref<1x128xi32, #tpu.memory_space<vmem>>
      %dma_wait3A_280 = tpu.memref_squeeze %dma_wait3A_279 : memref<1x128xi32, #tpu.memory_space<vmem>> -> memref<128xi32, #tpu.memory_space<vmem>>
      %dma_wait3A_281 = arith.constant 0 : i32
      %dma_wait3A_282 = arith.constant 0 : i32
      %dma_wait3A_283 = tpu.memref_slice %arg10[%dma_wait3A_281, %dma_wait3A_282] : memref<10240x8xf32, #tpu.memory_space<vmem_shared>> -> memref<10240x8xf32, #tpu.memory_space<vmem_shared>>
      %dma_wait3A_284 = tpu.memref_slice %arg13[%dma_wait3A_273] : memref<4x!tpu.dma_semaphore, #tpu.memory_space<semaphore_mem>> -> memref<1x!tpu.dma_semaphore, #tpu.memory_space<semaphore_mem>>
      %dma_wait3A_285 = tpu.memref_squeeze %dma_wait3A_284 : memref<1x!tpu.dma_semaphore, #tpu.memory_space<semaphore_mem>> -> memref<!tpu.dma_semaphore, #tpu.memory_space<semaphore_mem>>
      tpu.wait_indirect_dma semaphore(%dma_wait3A_285 : memref<!tpu.dma_semaphore, #tpu.memory_space<semaphore_mem>>) src(%dma_wait3A_277 : memref<128x8xf32, #tpu.memory_space<vmem>>) dst(%dma_wait3A_283 : memref<10240x8xf32, #tpu.memory_space<vmem_shared>>)
      %add3A_286 = arith.constant 3 : i32
      %add3A_287 = arith.addi %mul3A_70, %add3A_286 : i32
      %add3A_288 = arith.constant 4 : i32
      %add3A_289 = arith.addi %add3A_287, %add3A_288 : i32
      %lt3A_290 = arith.constant 80 : i32
      %lt3A_291 = arith.cmpi slt, %add3A_289, %lt3A_290 : i32
      %convert_element_type3A_292 = arith.extui %lt3A_291 : i1 to i32
      %cond3A_293 = arith.constant 0 : i32
      %cond3A_294 = arith.cmpi ne, %convert_element_type3A_292, %cond3A_293 : i32
      scf.if %cond3A_294 {
        %add3A_295 = arith.constant 3 : i32
        %add3A_296 = arith.addi %mul3A_70, %add3A_295 : i32
        %add3A_297 = arith.constant 4 : i32
        %add3A_298 = arith.addi %add3A_296, %add3A_297 : i32
        %dma_start3A_299 = arith.constant 3 : i32
        %dma_start3A_300 = arith.constant 3 : i32
        %dma_start3A_301 = arith.constant 0 : i32
        %dma_start3A_302 = arith.constant 0 : i32
        %dma_start3A_303 = tpu.memref_slice %arg9[%dma_start3A_299, %dma_start3A_301, %dma_start3A_302] : memref<4x128x8xf32, #tpu.memory_space<vmem>> -> memref<1x128x8xf32, #tpu.memory_space<vmem>>
        %dma_start3A_304 = tpu.memref_squeeze %dma_start3A_303 : memref<1x128x8xf32, #tpu.memory_space<vmem>> -> memref<128x8xf32, #tpu.memory_space<vmem>>
        %dma_start3A_305 = arith.constant 0 : i32
        %dma_start3A_306 = tpu.memref_slice %arg7[%add3A_298, %dma_start3A_305] : memref<80x128xi32, #tpu.memory_space<vmem>> -> memref<1x128xi32, #tpu.memory_space<vmem>>
        %dma_start3A_307 = tpu.memref_squeeze %dma_start3A_306 : memref<1x128xi32, #tpu.memory_space<vmem>> -> memref<128xi32, #tpu.memory_space<vmem>>
        %dma_start3A_308 = arith.constant 0 : i32
        %dma_start3A_309 = arith.constant 0 : i32
        %dma_start3A_310 = tpu.memref_slice %arg11[%dma_start3A_308, %dma_start3A_309] : memref<10240x8xf32, #tpu.memory_space<vmem_shared>> -> memref<10240x8xf32, #tpu.memory_space<vmem_shared>>
        %dma_start3A_311 = tpu.memref_slice %arg12[%dma_start3A_300] : memref<4x!tpu.dma_semaphore, #tpu.memory_space<semaphore_mem>> -> memref<1x!tpu.dma_semaphore, #tpu.memory_space<semaphore_mem>>
        %dma_start3A_312 = tpu.memref_squeeze %dma_start3A_311 : memref<1x!tpu.dma_semaphore, #tpu.memory_space<semaphore_mem>> -> memref<!tpu.dma_semaphore, #tpu.memory_space<semaphore_mem>>
        tpu.enqueue_indirect_dma source(%dma_start3A_310 : memref<10240x8xf32, #tpu.memory_space<vmem_shared>>) target(%dma_start3A_304 : memref<128x8xf32, #tpu.memory_space<vmem>>) offsets(%dma_start3A_307 : memref<128xi32, #tpu.memory_space<vmem>>) semaphore(%dma_start3A_312 : memref<!tpu.dma_semaphore, #tpu.memory_space<semaphore_mem>>)
      } else {
      }
    }
    %scan3A_66 = arith.constant 20 : i32
    %barrier3A_67 = arith.constant 0 : index
    tpu.barrier barrier_id(%barrier3A_67)
    "tpu.region"() ({
      %run_scoped3A = tpu.sem_alloc : memref<!tpu.dma_semaphore, #tpu.memory_space<semaphore_mem>>
      %dma_start3A_68 = arith.constant 0 : i32
      %dma_start3A_69 = tpu.memref_slice %arg6[%arg0, %mul3A_2, %dma_start3A_68] : memref<2x10240x8xf32, #tpu.memory_space<hbm>> -> memref<1x640x8xf32, #tpu.memory_space<hbm>>
      %dma_start3A_70 = tpu.memref_squeeze %dma_start3A_69 : memref<1x640x8xf32, #tpu.memory_space<hbm>> -> memref<640x8xf32, #tpu.memory_space<hbm>>
      %dma_start3A_71 = arith.constant 0 : i32
      %dma_start3A_72 = tpu.memref_slice %arg10[%mul3A_2, %dma_start3A_71] : memref<10240x8xf32, #tpu.memory_space<vmem_shared>> -> memref<640x8xf32, #tpu.memory_space<vmem_shared>>
      tpu.enqueue_dma source(%dma_start3A_72 : memref<640x8xf32, #tpu.memory_space<vmem_shared>>) target(%dma_start3A_70 : memref<640x8xf32, #tpu.memory_space<hbm>>) target_semaphore(%run_scoped3A : memref<!tpu.dma_semaphore, #tpu.memory_space<semaphore_mem>>)
      %dma_wait3A = arith.constant 0 : i32
      %dma_wait3A_73 = tpu.memref_slice %arg6[%arg0, %mul3A_2, %dma_wait3A] : memref<2x10240x8xf32, #tpu.memory_space<hbm>> -> memref<1x640x8xf32, #tpu.memory_space<hbm>>
      %dma_wait3A_74 = tpu.memref_squeeze %dma_wait3A_73 : memref<1x640x8xf32, #tpu.memory_space<hbm>> -> memref<640x8xf32, #tpu.memory_space<hbm>>
      %dma_wait3A_75 = arith.constant 0 : i32
      %dma_wait3A_76 = tpu.memref_slice %arg10[%mul3A_2, %dma_wait3A_75] : memref<10240x8xf32, #tpu.memory_space<vmem_shared>> -> memref<640x8xf32, #tpu.memory_space<vmem_shared>>
      tpu.wait_dma2 semaphore(%run_scoped3A : memref<!tpu.dma_semaphore, #tpu.memory_space<semaphore_mem>>) src(%dma_wait3A_76 : memref<640x8xf32, #tpu.memory_space<vmem_shared>>) dst(%dma_wait3A_74 : memref<640x8xf32, #tpu.memory_space<hbm>>)
      tpu.yield
    }) : () -> ()
    return
  }
}

#map = affine_map<(d0, d1) -> (0, 0)>
#map1 = affine_map<(d0, d1) -> (0, 0, 0)>
module attributes {stable_mosaic.version = 14 : i64} {
  func.func @_hop_sc_body(%arg0: i32, %arg1: i32, %arg2: memref<10240x8xf32, #tpu.memory_space<hbm>>, %arg3: memref<32x80x128xi32, #tpu.memory_space<hbm>>, %arg4: memref<32x80x128xi32, #tpu.memory_space<hbm>>, %arg5: memref<10240x8xf32, #tpu.memory_space<hbm>>, %arg6: memref<2x10240x8xf32, #tpu.memory_space<hbm>>, %arg7: memref<80x128xi32, #tpu.memory_space<vmem>>, %arg8: memref<80x128xi32, #tpu.memory_space<vmem>>, %arg9: memref<4x128x8xf32, #tpu.memory_space<vmem>>, %arg10: memref<10240x8xf32, #tpu.memory_space<vmem_shared>>, %arg11: memref<10240x8xf32, #tpu.memory_space<vmem_shared>>, %arg12: memref<4x!tpu.dma_semaphore, #tpu.memory_space<semaphore_mem>>, %arg13: memref<4x!tpu.dma_semaphore, #tpu.memory_space<semaphore_mem>>) attributes {dimension_semantics = [#tpu.dimension_semantics<core_parallel>, #tpu.dimension_semantics<subcore_parallel>], iteration_bounds = array<i64: 2, 16>, scalar_prefetch = 0 : i64, scratch_operands = 7 : i64, tpu.core_type = #tpu.core_type<sc_vector_subcore>, window_params = [{transform_indices = #map}, {transform_indices = #map1}, {transform_indices = #map1}, {transform_indices = #map}, {transform_indices = #map1}]} {
    %mul3A = arith.constant 16 : i32
    %mul3A_0 = arith.muli %arg0, %mul3A : i32
    %add3A = arith.addi %mul3A_0, %arg1 : i32
    %mul3A_1 = arith.constant 640 : i32
    %mul3A_2 = arith.muli %arg1, %mul3A_1 : i32
    "tpu.region"() ({
      %run_scoped3A = tpu.sem_alloc : memref<!tpu.dma_semaphore, #tpu.memory_space<semaphore_mem>>
      %dma_start3A_68 = arith.constant 0 : i32
      %dma_start3A_69 = tpu.memref_slice %arg10[%mul3A_2, %dma_start3A_68] : memref<10240x8xf32, #tpu.memory_space<vmem_shared>> -> memref<640x8xf32, #tpu.memory_space<vmem_shared>>
      %dma_start3A_70 = arith.constant 0 : i32
      %dma_start3A_71 = tpu.memref_slice %arg5[%mul3A_2, %dma_start3A_70] : memref<10240x8xf32, #tpu.memory_space<hbm>> -> memref<640x8xf32, #tpu.memory_space<hbm>>
      tpu.enqueue_dma source(%dma_start3A_71 : memref<640x8xf32, #tpu.memory_space<hbm>>) target(%dma_start3A_69 : memref<640x8xf32, #tpu.memory_space<vmem_shared>>) target_semaphore(%run_scoped3A : memref<!tpu.dma_semaphore, #tpu.memory_space<semaphore_mem>>)
      %dma_wait3A = arith.constant 0 : i32
      %dma_wait3A_72 = tpu.memref_slice %arg10[%mul3A_2, %dma_wait3A] : memref<10240x8xf32, #tpu.memory_space<vmem_shared>> -> memref<640x8xf32, #tpu.memory_space<vmem_shared>>
      %dma_wait3A_73 = arith.constant 0 : i32
      %dma_wait3A_74 = tpu.memref_slice %arg5[%mul3A_2, %dma_wait3A_73] : memref<10240x8xf32, #tpu.memory_space<hbm>> -> memref<640x8xf32, #tpu.memory_space<hbm>>
      tpu.wait_dma2 semaphore(%run_scoped3A : memref<!tpu.dma_semaphore, #tpu.memory_space<semaphore_mem>>) src(%dma_wait3A_74 : memref<640x8xf32, #tpu.memory_space<hbm>>) dst(%dma_wait3A_72 : memref<640x8xf32, #tpu.memory_space<vmem_shared>>)
      tpu.yield
    }) : () -> ()
    "tpu.region"() ({
      %run_scoped3A = tpu.sem_alloc : memref<!tpu.dma_semaphore, #tpu.memory_space<semaphore_mem>>
      %dma_start3A_68 = arith.constant 0 : i32
      %dma_start3A_69 = tpu.memref_slice %arg11[%mul3A_2, %dma_start3A_68] : memref<10240x8xf32, #tpu.memory_space<vmem_shared>> -> memref<640x8xf32, #tpu.memory_space<vmem_shared>>
      %dma_start3A_70 = arith.constant 0 : i32
      %dma_start3A_71 = tpu.memref_slice %arg2[%mul3A_2, %dma_start3A_70] : memref<10240x8xf32, #tpu.memory_space<hbm>> -> memref<640x8xf32, #tpu.memory_space<hbm>>
      tpu.enqueue_dma source(%dma_start3A_71 : memref<640x8xf32, #tpu.memory_space<hbm>>) target(%dma_start3A_69 : memref<640x8xf32, #tpu.memory_space<vmem_shared>>) target_semaphore(%run_scoped3A : memref<!tpu.dma_semaphore, #tpu.memory_space<semaphore_mem>>)
      %dma_wait3A = arith.constant 0 : i32
      %dma_wait3A_72 = tpu.memref_slice %arg11[%mul3A_2, %dma_wait3A] : memref<10240x8xf32, #tpu.memory_space<vmem_shared>> -> memref<640x8xf32, #tpu.memory_space<vmem_shared>>
      %dma_wait3A_73 = arith.constant 0 : i32
      %dma_wait3A_74 = tpu.memref_slice %arg2[%mul3A_2, %dma_wait3A_73] : memref<10240x8xf32, #tpu.memory_space<hbm>> -> memref<640x8xf32, #tpu.memory_space<hbm>>
      tpu.wait_dma2 semaphore(%run_scoped3A : memref<!tpu.dma_semaphore, #tpu.memory_space<semaphore_mem>>) src(%dma_wait3A_74 : memref<640x8xf32, #tpu.memory_space<hbm>>) dst(%dma_wait3A_72 : memref<640x8xf32, #tpu.memory_space<vmem_shared>>)
      tpu.yield
    }) : () -> ()
    "tpu.region"() ({
      %run_scoped3A = tpu.sem_alloc : memref<!tpu.dma_semaphore, #tpu.memory_space<semaphore_mem>>
      %dma_start3A_68 = arith.constant 0 : i32
      %dma_start3A_69 = arith.constant 0 : i32
      %dma_start3A_70 = tpu.memref_slice %arg3[%add3A, %dma_start3A_68, %dma_start3A_69] : memref<32x80x128xi32, #tpu.memory_space<hbm>> -> memref<1x80x128xi32, #tpu.memory_space<hbm>>
      %dma_start3A_71 = tpu.memref_squeeze %dma_start3A_70 : memref<1x80x128xi32, #tpu.memory_space<hbm>> -> memref<80x128xi32, #tpu.memory_space<hbm>>
      %dma_start3A_72 = arith.constant 0 : i32
      %dma_start3A_73 = arith.constant 0 : i32
      %dma_start3A_74 = tpu.memref_slice %arg3[%add3A, %dma_start3A_72, %dma_start3A_73] : memref<32x80x128xi32, #tpu.memory_space<hbm>> -> memref<1x80x128xi32, #tpu.memory_space<hbm>>
      %dma_start3A_75 = tpu.memref_squeeze %dma_start3A_74 : memref<1x80x128xi32, #tpu.memory_space<hbm>> -> memref<80x128xi32, #tpu.memory_space<hbm>>
      tpu.enqueue_dma source(%dma_start3A_75 : memref<80x128xi32, #tpu.memory_space<hbm>>) target(%arg7 : memref<80x128xi32, #tpu.memory_space<vmem>>) target_semaphore(%run_scoped3A : memref<!tpu.dma_semaphore, #tpu.memory_space<semaphore_mem>>)
      %dma_wait3A = arith.constant 0 : i32
      %dma_wait3A_76 = arith.constant 0 : i32
      %dma_wait3A_77 = tpu.memref_slice %arg3[%add3A, %dma_wait3A, %dma_wait3A_76] : memref<32x80x128xi32, #tpu.memory_space<hbm>> -> memref<1x80x128xi32, #tpu.memory_space<hbm>>
      %dma_wait3A_78 = tpu.memref_squeeze %dma_wait3A_77 : memref<1x80x128xi32, #tpu.memory_space<hbm>> -> memref<80x128xi32, #tpu.memory_space<hbm>>
      %dma_wait3A_79 = arith.constant 0 : i32
      %dma_wait3A_80 = arith.constant 0 : i32
      %dma_wait3A_81 = tpu.memref_slice %arg3[%add3A, %dma_wait3A_79, %dma_wait3A_80] : memref<32x80x128xi32, #tpu.memory_space<hbm>> -> memref<1x80x128xi32, #tpu.memory_space<hbm>>
      %dma_wait3A_82 = tpu.memref_squeeze %dma_wait3A_81 : memref<1x80x128xi32, #tpu.memory_space<hbm>> -> memref<80x128xi32, #tpu.memory_space<hbm>>
      tpu.wait_dma2 semaphore(%run_scoped3A : memref<!tpu.dma_semaphore, #tpu.memory_space<semaphore_mem>>) src(%dma_wait3A_82 : memref<80x128xi32, #tpu.memory_space<hbm>>) dst(%arg7 : memref<80x128xi32, #tpu.memory_space<vmem>>)
      tpu.yield
    }) : () -> ()
    "tpu.region"() ({
      %run_scoped3A = tpu.sem_alloc : memref<!tpu.dma_semaphore, #tpu.memory_space<semaphore_mem>>
      %dma_start3A_68 = arith.constant 0 : i32
      %dma_start3A_69 = arith.constant 0 : i32
      %dma_start3A_70 = tpu.memref_slice %arg4[%add3A, %dma_start3A_68, %dma_start3A_69] : memref<32x80x128xi32, #tpu.memory_space<hbm>> -> memref<1x80x128xi32, #tpu.memory_space<hbm>>
      %dma_start3A_71 = tpu.memref_squeeze %dma_start3A_70 : memref<1x80x128xi32, #tpu.memory_space<hbm>> -> memref<80x128xi32, #tpu.memory_space<hbm>>
      %dma_start3A_72 = arith.constant 0 : i32
      %dma_start3A_73 = arith.constant 0 : i32
      %dma_start3A_74 = tpu.memref_slice %arg4[%add3A, %dma_start3A_72, %dma_start3A_73] : memref<32x80x128xi32, #tpu.memory_space<hbm>> -> memref<1x80x128xi32, #tpu.memory_space<hbm>>
      %dma_start3A_75 = tpu.memref_squeeze %dma_start3A_74 : memref<1x80x128xi32, #tpu.memory_space<hbm>> -> memref<80x128xi32, #tpu.memory_space<hbm>>
      tpu.enqueue_dma source(%dma_start3A_75 : memref<80x128xi32, #tpu.memory_space<hbm>>) target(%arg8 : memref<80x128xi32, #tpu.memory_space<vmem>>) target_semaphore(%run_scoped3A : memref<!tpu.dma_semaphore, #tpu.memory_space<semaphore_mem>>)
      %dma_wait3A = arith.constant 0 : i32
      %dma_wait3A_76 = arith.constant 0 : i32
      %dma_wait3A_77 = tpu.memref_slice %arg4[%add3A, %dma_wait3A, %dma_wait3A_76] : memref<32x80x128xi32, #tpu.memory_space<hbm>> -> memref<1x80x128xi32, #tpu.memory_space<hbm>>
      %dma_wait3A_78 = tpu.memref_squeeze %dma_wait3A_77 : memref<1x80x128xi32, #tpu.memory_space<hbm>> -> memref<80x128xi32, #tpu.memory_space<hbm>>
      %dma_wait3A_79 = arith.constant 0 : i32
      %dma_wait3A_80 = arith.constant 0 : i32
      %dma_wait3A_81 = tpu.memref_slice %arg4[%add3A, %dma_wait3A_79, %dma_wait3A_80] : memref<32x80x128xi32, #tpu.memory_space<hbm>> -> memref<1x80x128xi32, #tpu.memory_space<hbm>>
      %dma_wait3A_82 = tpu.memref_squeeze %dma_wait3A_81 : memref<1x80x128xi32, #tpu.memory_space<hbm>> -> memref<80x128xi32, #tpu.memory_space<hbm>>
      tpu.wait_dma2 semaphore(%run_scoped3A : memref<!tpu.dma_semaphore, #tpu.memory_space<semaphore_mem>>) src(%dma_wait3A_82 : memref<80x128xi32, #tpu.memory_space<hbm>>) dst(%arg8 : memref<80x128xi32, #tpu.memory_space<vmem>>)
      tpu.yield
    }) : () -> ()
    %barrier3A = arith.constant 0 : index
    tpu.barrier barrier_id(%barrier3A)
    %dma_start3A = arith.constant 0 : i32
    %dma_start3A_3 = arith.constant 0 : i32
    %dma_start3A_4 = arith.constant 0 : i32
    %dma_start3A_5 = arith.constant 0 : i32
    %dma_start3A_6 = arith.constant 0 : i32
    %dma_start3A_7 = tpu.memref_slice %arg9[%dma_start3A_3, %dma_start3A_5, %dma_start3A_6] : memref<4x128x8xf32, #tpu.memory_space<vmem>> -> memref<1x128x8xf32, #tpu.memory_space<vmem>>
    %dma_start3A_8 = tpu.memref_squeeze %dma_start3A_7 : memref<1x128x8xf32, #tpu.memory_space<vmem>> -> memref<128x8xf32, #tpu.memory_space<vmem>>
    %dma_start3A_9 = arith.constant 0 : i32
    %dma_start3A_10 = tpu.memref_slice %arg7[%dma_start3A, %dma_start3A_9] : memref<80x128xi32, #tpu.memory_space<vmem>> -> memref<1x128xi32, #tpu.memory_space<vmem>>
    %dma_start3A_11 = tpu.memref_squeeze %dma_start3A_10 : memref<1x128xi32, #tpu.memory_space<vmem>> -> memref<128xi32, #tpu.memory_space<vmem>>
    %dma_start3A_12 = arith.constant 0 : i32
    %dma_start3A_13 = arith.constant 0 : i32
    %dma_start3A_14 = tpu.memref_slice %arg11[%dma_start3A_12, %dma_start3A_13] : memref<10240x8xf32, #tpu.memory_space<vmem_shared>> -> memref<10240x8xf32, #tpu.memory_space<vmem_shared>>
    %dma_start3A_15 = tpu.memref_slice %arg12[%dma_start3A_4] : memref<4x!tpu.dma_semaphore, #tpu.memory_space<semaphore_mem>> -> memref<1x!tpu.dma_semaphore, #tpu.memory_space<semaphore_mem>>
    %dma_start3A_16 = tpu.memref_squeeze %dma_start3A_15 : memref<1x!tpu.dma_semaphore, #tpu.memory_space<semaphore_mem>> -> memref<!tpu.dma_semaphore, #tpu.memory_space<semaphore_mem>>
    tpu.enqueue_indirect_dma source(%dma_start3A_14 : memref<10240x8xf32, #tpu.memory_space<vmem_shared>>) target(%dma_start3A_8 : memref<128x8xf32, #tpu.memory_space<vmem>>) offsets(%dma_start3A_11 : memref<128xi32, #tpu.memory_space<vmem>>) semaphore(%dma_start3A_16 : memref<!tpu.dma_semaphore, #tpu.memory_space<semaphore_mem>>)
    %dma_start3A_17 = arith.constant 1 : i32
    %dma_start3A_18 = arith.constant 1 : i32
    %dma_start3A_19 = arith.constant 1 : i32
    %dma_start3A_20 = arith.constant 0 : i32
    %dma_start3A_21 = arith.constant 0 : i32
    %dma_start3A_22 = tpu.memref_slice %arg9[%dma_start3A_18, %dma_start3A_20, %dma_start3A_21] : memref<4x128x8xf32, #tpu.memory_space<vmem>> -> memref<1x128x8xf32, #tpu.memory_space<vmem>>
    %dma_start3A_23 = tpu.memref_squeeze %dma_start3A_22 : memref<1x128x8xf32, #tpu.memory_space<vmem>> -> memref<128x8xf32, #tpu.memory_space<vmem>>
    %dma_start3A_24 = arith.constant 0 : i32
    %dma_start3A_25 = tpu.memref_slice %arg7[%dma_start3A_17, %dma_start3A_24] : memref<80x128xi32, #tpu.memory_space<vmem>> -> memref<1x128xi32, #tpu.memory_space<vmem>>
    %dma_start3A_26 = tpu.memref_squeeze %dma_start3A_25 : memref<1x128xi32, #tpu.memory_space<vmem>> -> memref<128xi32, #tpu.memory_space<vmem>>
    %dma_start3A_27 = arith.constant 0 : i32
    %dma_start3A_28 = arith.constant 0 : i32
    %dma_start3A_29 = tpu.memref_slice %arg11[%dma_start3A_27, %dma_start3A_28] : memref<10240x8xf32, #tpu.memory_space<vmem_shared>> -> memref<10240x8xf32, #tpu.memory_space<vmem_shared>>
    %dma_start3A_30 = tpu.memref_slice %arg12[%dma_start3A_19] : memref<4x!tpu.dma_semaphore, #tpu.memory_space<semaphore_mem>> -> memref<1x!tpu.dma_semaphore, #tpu.memory_space<semaphore_mem>>
    %dma_start3A_31 = tpu.memref_squeeze %dma_start3A_30 : memref<1x!tpu.dma_semaphore, #tpu.memory_space<semaphore_mem>> -> memref<!tpu.dma_semaphore, #tpu.memory_space<semaphore_mem>>
    tpu.enqueue_indirect_dma source(%dma_start3A_29 : memref<10240x8xf32, #tpu.memory_space<vmem_shared>>) target(%dma_start3A_23 : memref<128x8xf32, #tpu.memory_space<vmem>>) offsets(%dma_start3A_26 : memref<128xi32, #tpu.memory_space<vmem>>) semaphore(%dma_start3A_31 : memref<!tpu.dma_semaphore, #tpu.memory_space<semaphore_mem>>)
    %dma_start3A_32 = arith.constant 2 : i32
    %dma_start3A_33 = arith.constant 2 : i32
    %dma_start3A_34 = arith.constant 2 : i32
    %dma_start3A_35 = arith.constant 0 : i32
    %dma_start3A_36 = arith.constant 0 : i32
    %dma_start3A_37 = tpu.memref_slice %arg9[%dma_start3A_33, %dma_start3A_35, %dma_start3A_36] : memref<4x128x8xf32, #tpu.memory_space<vmem>> -> memref<1x128x8xf32, #tpu.memory_space<vmem>>
    %dma_start3A_38 = tpu.memref_squeeze %dma_start3A_37 : memref<1x128x8xf32, #tpu.memory_space<vmem>> -> memref<128x8xf32, #tpu.memory_space<vmem>>
    %dma_start3A_39 = arith.constant 0 : i32
    %dma_start3A_40 = tpu.memref_slice %arg7[%dma_start3A_32, %dma_start3A_39] : memref<80x128xi32, #tpu.memory_space<vmem>> -> memref<1x128xi32, #tpu.memory_space<vmem>>
    %dma_start3A_41 = tpu.memref_squeeze %dma_start3A_40 : memref<1x128xi32, #tpu.memory_space<vmem>> -> memref<128xi32, #tpu.memory_space<vmem>>
    %dma_start3A_42 = arith.constant 0 : i32
    %dma_start3A_43 = arith.constant 0 : i32
    %dma_start3A_44 = tpu.memref_slice %arg11[%dma_start3A_42, %dma_start3A_43] : memref<10240x8xf32, #tpu.memory_space<vmem_shared>> -> memref<10240x8xf32, #tpu.memory_space<vmem_shared>>
    %dma_start3A_45 = tpu.memref_slice %arg12[%dma_start3A_34] : memref<4x!tpu.dma_semaphore, #tpu.memory_space<semaphore_mem>> -> memref<1x!tpu.dma_semaphore, #tpu.memory_space<semaphore_mem>>
    %dma_start3A_46 = tpu.memref_squeeze %dma_start3A_45 : memref<1x!tpu.dma_semaphore, #tpu.memory_space<semaphore_mem>> -> memref<!tpu.dma_semaphore, #tpu.memory_space<semaphore_mem>>
    tpu.enqueue_indirect_dma source(%dma_start3A_44 : memref<10240x8xf32, #tpu.memory_space<vmem_shared>>) target(%dma_start3A_38 : memref<128x8xf32, #tpu.memory_space<vmem>>) offsets(%dma_start3A_41 : memref<128xi32, #tpu.memory_space<vmem>>) semaphore(%dma_start3A_46 : memref<!tpu.dma_semaphore, #tpu.memory_space<semaphore_mem>>)
    %dma_start3A_47 = arith.constant 3 : i32
    %dma_start3A_48 = arith.constant 3 : i32
    %dma_start3A_49 = arith.constant 3 : i32
    %dma_start3A_50 = arith.constant 0 : i32
    %dma_start3A_51 = arith.constant 0 : i32
    %dma_start3A_52 = tpu.memref_slice %arg9[%dma_start3A_48, %dma_start3A_50, %dma_start3A_51] : memref<4x128x8xf32, #tpu.memory_space<vmem>> -> memref<1x128x8xf32, #tpu.memory_space<vmem>>
    %dma_start3A_53 = tpu.memref_squeeze %dma_start3A_52 : memref<1x128x8xf32, #tpu.memory_space<vmem>> -> memref<128x8xf32, #tpu.memory_space<vmem>>
    %dma_start3A_54 = arith.constant 0 : i32
    %dma_start3A_55 = tpu.memref_slice %arg7[%dma_start3A_47, %dma_start3A_54] : memref<80x128xi32, #tpu.memory_space<vmem>> -> memref<1x128xi32, #tpu.memory_space<vmem>>
    %dma_start3A_56 = tpu.memref_squeeze %dma_start3A_55 : memref<1x128xi32, #tpu.memory_space<vmem>> -> memref<128xi32, #tpu.memory_space<vmem>>
    %dma_start3A_57 = arith.constant 0 : i32
    %dma_start3A_58 = arith.constant 0 : i32
    %dma_start3A_59 = tpu.memref_slice %arg11[%dma_start3A_57, %dma_start3A_58] : memref<10240x8xf32, #tpu.memory_space<vmem_shared>> -> memref<10240x8xf32, #tpu.memory_space<vmem_shared>>
    %dma_start3A_60 = tpu.memref_slice %arg12[%dma_start3A_49] : memref<4x!tpu.dma_semaphore, #tpu.memory_space<semaphore_mem>> -> memref<1x!tpu.dma_semaphore, #tpu.memory_space<semaphore_mem>>
    %dma_start3A_61 = tpu.memref_squeeze %dma_start3A_60 : memref<1x!tpu.dma_semaphore, #tpu.memory_space<semaphore_mem>> -> memref<!tpu.dma_semaphore, #tpu.memory_space<semaphore_mem>>
    tpu.enqueue_indirect_dma source(%dma_start3A_59 : memref<10240x8xf32, #tpu.memory_space<vmem_shared>>) target(%dma_start3A_53 : memref<128x8xf32, #tpu.memory_space<vmem>>) offsets(%dma_start3A_56 : memref<128xi32, #tpu.memory_space<vmem>>) semaphore(%dma_start3A_61 : memref<!tpu.dma_semaphore, #tpu.memory_space<semaphore_mem>>)
    %scan3A = arith.constant 0 : i32
    %scan3A_62 = arith.constant 0 : i32
    %scan3A_63 = arith.constant 20 : i32
    %scan3A_64 = arith.addi %scan3A_62, %scan3A_63 : i32
    %scan3A_65 = arith.constant 1 : i32
    scf.for %scan3A_68 = %scan3A_62 to %scan3A_64 step %scan3A_65  : i32 {
      %mul3A_69 = arith.constant 4 : i32
      %mul3A_70 = arith.muli %mul3A_69, %scan3A_68 : i32
      %add3A_71 = arith.constant 0 : i32
      %add3A_72 = arith.addi %mul3A_70, %add3A_71 : i32
      %dma_wait3A = arith.constant 0 : i32
      %dma_wait3A_73 = arith.constant 0 : i32
      %dma_wait3A_74 = arith.constant 0 : i32
      %dma_wait3A_75 = arith.constant 0 : i32
      %dma_wait3A_76 = tpu.memref_slice %arg9[%dma_wait3A, %dma_wait3A_74, %dma_wait3A_75] : memref<4x128x8xf32, #tpu.memory_space<vmem>> -> memref<1x128x8xf32, #tpu.memory_space<vmem>>
      %dma_wait3A_77 = tpu.memref_squeeze %dma_wait3A_76 : memref<1x128x8xf32, #tpu.memory_space<vmem>> -> memref<128x8xf32, #tpu.memory_space<vmem>>
      %dma_wait3A_78 = arith.constant 0 : i32
      %dma_wait3A_79 = tpu.memref_slice %arg7[%add3A_72, %dma_wait3A_78] : memref<80x128xi32, #tpu.memory_space<vmem>> -> memref<1x128xi32, #tpu.memory_space<vmem>>
      %dma_wait3A_80 = tpu.memref_squeeze %dma_wait3A_79 : memref<1x128xi32, #tpu.memory_space<vmem>> -> memref<128xi32, #tpu.memory_space<vmem>>
      %dma_wait3A_81 = arith.constant 0 : i32
      %dma_wait3A_82 = arith.constant 0 : i32
      %dma_wait3A_83 = tpu.memref_slice %arg11[%dma_wait3A_81, %dma_wait3A_82] : memref<10240x8xf32, #tpu.memory_space<vmem_shared>> -> memref<10240x8xf32, #tpu.memory_space<vmem_shared>>
      %dma_wait3A_84 = tpu.memref_slice %arg12[%dma_wait3A_73] : memref<4x!tpu.dma_semaphore, #tpu.memory_space<semaphore_mem>> -> memref<1x!tpu.dma_semaphore, #tpu.memory_space<semaphore_mem>>
      %dma_wait3A_85 = tpu.memref_squeeze %dma_wait3A_84 : memref<1x!tpu.dma_semaphore, #tpu.memory_space<semaphore_mem>> -> memref<!tpu.dma_semaphore, #tpu.memory_space<semaphore_mem>>
      tpu.wait_indirect_dma semaphore(%dma_wait3A_85 : memref<!tpu.dma_semaphore, #tpu.memory_space<semaphore_mem>>) src(%dma_wait3A_83 : memref<10240x8xf32, #tpu.memory_space<vmem_shared>>) dst(%dma_wait3A_77 : memref<128x8xf32, #tpu.memory_space<vmem>>)
      %add3A_86 = arith.constant 0 : i32
      %add3A_87 = arith.addi %mul3A_70, %add3A_86 : i32
      %dma_start3A_88 = arith.constant 0 : i32
      %dma_start3A_89 = arith.constant 0 : i32
      %dma_start3A_90 = arith.constant 0 : i32
      %dma_start3A_91 = arith.constant 0 : i32
      %dma_start3A_92 = tpu.memref_slice %arg9[%dma_start3A_88, %dma_start3A_90, %dma_start3A_91] : memref<4x128x8xf32, #tpu.memory_space<vmem>> -> memref<1x128x8xf32, #tpu.memory_space<vmem>>
      %dma_start3A_93 = tpu.memref_squeeze %dma_start3A_92 : memref<1x128x8xf32, #tpu.memory_space<vmem>> -> memref<128x8xf32, #tpu.memory_space<vmem>>
      %dma_start3A_94 = arith.constant 0 : i32
      %dma_start3A_95 = tpu.memref_slice %arg8[%add3A_87, %dma_start3A_94] : memref<80x128xi32, #tpu.memory_space<vmem>> -> memref<1x128xi32, #tpu.memory_space<vmem>>
      %dma_start3A_96 = tpu.memref_squeeze %dma_start3A_95 : memref<1x128xi32, #tpu.memory_space<vmem>> -> memref<128xi32, #tpu.memory_space<vmem>>
      %dma_start3A_97 = arith.constant 0 : i32
      %dma_start3A_98 = arith.constant 0 : i32
      %dma_start3A_99 = tpu.memref_slice %arg10[%dma_start3A_97, %dma_start3A_98] : memref<10240x8xf32, #tpu.memory_space<vmem_shared>> -> memref<10240x8xf32, #tpu.memory_space<vmem_shared>>
      %dma_start3A_100 = tpu.memref_slice %arg13[%dma_start3A_89] : memref<4x!tpu.dma_semaphore, #tpu.memory_space<semaphore_mem>> -> memref<1x!tpu.dma_semaphore, #tpu.memory_space<semaphore_mem>>
      %dma_start3A_101 = tpu.memref_squeeze %dma_start3A_100 : memref<1x!tpu.dma_semaphore, #tpu.memory_space<semaphore_mem>> -> memref<!tpu.dma_semaphore, #tpu.memory_space<semaphore_mem>>
      tpu.enqueue_indirect_dma source(%dma_start3A_93 : memref<128x8xf32, #tpu.memory_space<vmem>>) target(%dma_start3A_99 : memref<10240x8xf32, #tpu.memory_space<vmem_shared>>) offsets(%dma_start3A_96 : memref<128xi32, #tpu.memory_space<vmem>>) semaphore(%dma_start3A_101 : memref<!tpu.dma_semaphore, #tpu.memory_space<semaphore_mem>>) {add = true}
      %add3A_102 = arith.constant 1 : i32
      %add3A_103 = arith.addi %mul3A_70, %add3A_102 : i32
      %dma_wait3A_104 = arith.constant 1 : i32
      %dma_wait3A_105 = arith.constant 1 : i32
      %dma_wait3A_106 = arith.constant 0 : i32
      %dma_wait3A_107 = arith.constant 0 : i32
      %dma_wait3A_108 = tpu.memref_slice %arg9[%dma_wait3A_104, %dma_wait3A_106, %dma_wait3A_107] : memref<4x128x8xf32, #tpu.memory_space<vmem>> -> memref<1x128x8xf32, #tpu.memory_space<vmem>>
      %dma_wait3A_109 = tpu.memref_squeeze %dma_wait3A_108 : memref<1x128x8xf32, #tpu.memory_space<vmem>> -> memref<128x8xf32, #tpu.memory_space<vmem>>
      %dma_wait3A_110 = arith.constant 0 : i32
      %dma_wait3A_111 = tpu.memref_slice %arg7[%add3A_103, %dma_wait3A_110] : memref<80x128xi32, #tpu.memory_space<vmem>> -> memref<1x128xi32, #tpu.memory_space<vmem>>
      %dma_wait3A_112 = tpu.memref_squeeze %dma_wait3A_111 : memref<1x128xi32, #tpu.memory_space<vmem>> -> memref<128xi32, #tpu.memory_space<vmem>>
      %dma_wait3A_113 = arith.constant 0 : i32
      %dma_wait3A_114 = arith.constant 0 : i32
      %dma_wait3A_115 = tpu.memref_slice %arg11[%dma_wait3A_113, %dma_wait3A_114] : memref<10240x8xf32, #tpu.memory_space<vmem_shared>> -> memref<10240x8xf32, #tpu.memory_space<vmem_shared>>
      %dma_wait3A_116 = tpu.memref_slice %arg12[%dma_wait3A_105] : memref<4x!tpu.dma_semaphore, #tpu.memory_space<semaphore_mem>> -> memref<1x!tpu.dma_semaphore, #tpu.memory_space<semaphore_mem>>
      %dma_wait3A_117 = tpu.memref_squeeze %dma_wait3A_116 : memref<1x!tpu.dma_semaphore, #tpu.memory_space<semaphore_mem>> -> memref<!tpu.dma_semaphore, #tpu.memory_space<semaphore_mem>>
      tpu.wait_indirect_dma semaphore(%dma_wait3A_117 : memref<!tpu.dma_semaphore, #tpu.memory_space<semaphore_mem>>) src(%dma_wait3A_115 : memref<10240x8xf32, #tpu.memory_space<vmem_shared>>) dst(%dma_wait3A_109 : memref<128x8xf32, #tpu.memory_space<vmem>>)
      %add3A_118 = arith.constant 1 : i32
      %add3A_119 = arith.addi %mul3A_70, %add3A_118 : i32
      %dma_start3A_120 = arith.constant 1 : i32
      %dma_start3A_121 = arith.constant 1 : i32
      %dma_start3A_122 = arith.constant 0 : i32
      %dma_start3A_123 = arith.constant 0 : i32
      %dma_start3A_124 = tpu.memref_slice %arg9[%dma_start3A_120, %dma_start3A_122, %dma_start3A_123] : memref<4x128x8xf32, #tpu.memory_space<vmem>> -> memref<1x128x8xf32, #tpu.memory_space<vmem>>
      %dma_start3A_125 = tpu.memref_squeeze %dma_start3A_124 : memref<1x128x8xf32, #tpu.memory_space<vmem>> -> memref<128x8xf32, #tpu.memory_space<vmem>>
      %dma_start3A_126 = arith.constant 0 : i32
      %dma_start3A_127 = tpu.memref_slice %arg8[%add3A_119, %dma_start3A_126] : memref<80x128xi32, #tpu.memory_space<vmem>> -> memref<1x128xi32, #tpu.memory_space<vmem>>
      %dma_start3A_128 = tpu.memref_squeeze %dma_start3A_127 : memref<1x128xi32, #tpu.memory_space<vmem>> -> memref<128xi32, #tpu.memory_space<vmem>>
      %dma_start3A_129 = arith.constant 0 : i32
      %dma_start3A_130 = arith.constant 0 : i32
      %dma_start3A_131 = tpu.memref_slice %arg10[%dma_start3A_129, %dma_start3A_130] : memref<10240x8xf32, #tpu.memory_space<vmem_shared>> -> memref<10240x8xf32, #tpu.memory_space<vmem_shared>>
      %dma_start3A_132 = tpu.memref_slice %arg13[%dma_start3A_121] : memref<4x!tpu.dma_semaphore, #tpu.memory_space<semaphore_mem>> -> memref<1x!tpu.dma_semaphore, #tpu.memory_space<semaphore_mem>>
      %dma_start3A_133 = tpu.memref_squeeze %dma_start3A_132 : memref<1x!tpu.dma_semaphore, #tpu.memory_space<semaphore_mem>> -> memref<!tpu.dma_semaphore, #tpu.memory_space<semaphore_mem>>
      tpu.enqueue_indirect_dma source(%dma_start3A_125 : memref<128x8xf32, #tpu.memory_space<vmem>>) target(%dma_start3A_131 : memref<10240x8xf32, #tpu.memory_space<vmem_shared>>) offsets(%dma_start3A_128 : memref<128xi32, #tpu.memory_space<vmem>>) semaphore(%dma_start3A_133 : memref<!tpu.dma_semaphore, #tpu.memory_space<semaphore_mem>>) {add = true}
      %add3A_134 = arith.constant 2 : i32
      %add3A_135 = arith.addi %mul3A_70, %add3A_134 : i32
      %dma_wait3A_136 = arith.constant 2 : i32
      %dma_wait3A_137 = arith.constant 2 : i32
      %dma_wait3A_138 = arith.constant 0 : i32
      %dma_wait3A_139 = arith.constant 0 : i32
      %dma_wait3A_140 = tpu.memref_slice %arg9[%dma_wait3A_136, %dma_wait3A_138, %dma_wait3A_139] : memref<4x128x8xf32, #tpu.memory_space<vmem>> -> memref<1x128x8xf32, #tpu.memory_space<vmem>>
      %dma_wait3A_141 = tpu.memref_squeeze %dma_wait3A_140 : memref<1x128x8xf32, #tpu.memory_space<vmem>> -> memref<128x8xf32, #tpu.memory_space<vmem>>
      %dma_wait3A_142 = arith.constant 0 : i32
      %dma_wait3A_143 = tpu.memref_slice %arg7[%add3A_135, %dma_wait3A_142] : memref<80x128xi32, #tpu.memory_space<vmem>> -> memref<1x128xi32, #tpu.memory_space<vmem>>
      %dma_wait3A_144 = tpu.memref_squeeze %dma_wait3A_143 : memref<1x128xi32, #tpu.memory_space<vmem>> -> memref<128xi32, #tpu.memory_space<vmem>>
      %dma_wait3A_145 = arith.constant 0 : i32
      %dma_wait3A_146 = arith.constant 0 : i32
      %dma_wait3A_147 = tpu.memref_slice %arg11[%dma_wait3A_145, %dma_wait3A_146] : memref<10240x8xf32, #tpu.memory_space<vmem_shared>> -> memref<10240x8xf32, #tpu.memory_space<vmem_shared>>
      %dma_wait3A_148 = tpu.memref_slice %arg12[%dma_wait3A_137] : memref<4x!tpu.dma_semaphore, #tpu.memory_space<semaphore_mem>> -> memref<1x!tpu.dma_semaphore, #tpu.memory_space<semaphore_mem>>
      %dma_wait3A_149 = tpu.memref_squeeze %dma_wait3A_148 : memref<1x!tpu.dma_semaphore, #tpu.memory_space<semaphore_mem>> -> memref<!tpu.dma_semaphore, #tpu.memory_space<semaphore_mem>>
      tpu.wait_indirect_dma semaphore(%dma_wait3A_149 : memref<!tpu.dma_semaphore, #tpu.memory_space<semaphore_mem>>) src(%dma_wait3A_147 : memref<10240x8xf32, #tpu.memory_space<vmem_shared>>) dst(%dma_wait3A_141 : memref<128x8xf32, #tpu.memory_space<vmem>>)
      %add3A_150 = arith.constant 2 : i32
      %add3A_151 = arith.addi %mul3A_70, %add3A_150 : i32
      %dma_start3A_152 = arith.constant 2 : i32
      %dma_start3A_153 = arith.constant 2 : i32
      %dma_start3A_154 = arith.constant 0 : i32
      %dma_start3A_155 = arith.constant 0 : i32
      %dma_start3A_156 = tpu.memref_slice %arg9[%dma_start3A_152, %dma_start3A_154, %dma_start3A_155] : memref<4x128x8xf32, #tpu.memory_space<vmem>> -> memref<1x128x8xf32, #tpu.memory_space<vmem>>
      %dma_start3A_157 = tpu.memref_squeeze %dma_start3A_156 : memref<1x128x8xf32, #tpu.memory_space<vmem>> -> memref<128x8xf32, #tpu.memory_space<vmem>>
      %dma_start3A_158 = arith.constant 0 : i32
      %dma_start3A_159 = tpu.memref_slice %arg8[%add3A_151, %dma_start3A_158] : memref<80x128xi32, #tpu.memory_space<vmem>> -> memref<1x128xi32, #tpu.memory_space<vmem>>
      %dma_start3A_160 = tpu.memref_squeeze %dma_start3A_159 : memref<1x128xi32, #tpu.memory_space<vmem>> -> memref<128xi32, #tpu.memory_space<vmem>>
      %dma_start3A_161 = arith.constant 0 : i32
      %dma_start3A_162 = arith.constant 0 : i32
      %dma_start3A_163 = tpu.memref_slice %arg10[%dma_start3A_161, %dma_start3A_162] : memref<10240x8xf32, #tpu.memory_space<vmem_shared>> -> memref<10240x8xf32, #tpu.memory_space<vmem_shared>>
      %dma_start3A_164 = tpu.memref_slice %arg13[%dma_start3A_153] : memref<4x!tpu.dma_semaphore, #tpu.memory_space<semaphore_mem>> -> memref<1x!tpu.dma_semaphore, #tpu.memory_space<semaphore_mem>>
      %dma_start3A_165 = tpu.memref_squeeze %dma_start3A_164 : memref<1x!tpu.dma_semaphore, #tpu.memory_space<semaphore_mem>> -> memref<!tpu.dma_semaphore, #tpu.memory_space<semaphore_mem>>
      tpu.enqueue_indirect_dma source(%dma_start3A_157 : memref<128x8xf32, #tpu.memory_space<vmem>>) target(%dma_start3A_163 : memref<10240x8xf32, #tpu.memory_space<vmem_shared>>) offsets(%dma_start3A_160 : memref<128xi32, #tpu.memory_space<vmem>>) semaphore(%dma_start3A_165 : memref<!tpu.dma_semaphore, #tpu.memory_space<semaphore_mem>>) {add = true}
      %add3A_166 = arith.constant 3 : i32
      %add3A_167 = arith.addi %mul3A_70, %add3A_166 : i32
      %dma_wait3A_168 = arith.constant 3 : i32
      %dma_wait3A_169 = arith.constant 3 : i32
      %dma_wait3A_170 = arith.constant 0 : i32
      %dma_wait3A_171 = arith.constant 0 : i32
      %dma_wait3A_172 = tpu.memref_slice %arg9[%dma_wait3A_168, %dma_wait3A_170, %dma_wait3A_171] : memref<4x128x8xf32, #tpu.memory_space<vmem>> -> memref<1x128x8xf32, #tpu.memory_space<vmem>>
      %dma_wait3A_173 = tpu.memref_squeeze %dma_wait3A_172 : memref<1x128x8xf32, #tpu.memory_space<vmem>> -> memref<128x8xf32, #tpu.memory_space<vmem>>
      %dma_wait3A_174 = arith.constant 0 : i32
      %dma_wait3A_175 = tpu.memref_slice %arg7[%add3A_167, %dma_wait3A_174] : memref<80x128xi32, #tpu.memory_space<vmem>> -> memref<1x128xi32, #tpu.memory_space<vmem>>
      %dma_wait3A_176 = tpu.memref_squeeze %dma_wait3A_175 : memref<1x128xi32, #tpu.memory_space<vmem>> -> memref<128xi32, #tpu.memory_space<vmem>>
      %dma_wait3A_177 = arith.constant 0 : i32
      %dma_wait3A_178 = arith.constant 0 : i32
      %dma_wait3A_179 = tpu.memref_slice %arg11[%dma_wait3A_177, %dma_wait3A_178] : memref<10240x8xf32, #tpu.memory_space<vmem_shared>> -> memref<10240x8xf32, #tpu.memory_space<vmem_shared>>
      %dma_wait3A_180 = tpu.memref_slice %arg12[%dma_wait3A_169] : memref<4x!tpu.dma_semaphore, #tpu.memory_space<semaphore_mem>> -> memref<1x!tpu.dma_semaphore, #tpu.memory_space<semaphore_mem>>
      %dma_wait3A_181 = tpu.memref_squeeze %dma_wait3A_180 : memref<1x!tpu.dma_semaphore, #tpu.memory_space<semaphore_mem>> -> memref<!tpu.dma_semaphore, #tpu.memory_space<semaphore_mem>>
      tpu.wait_indirect_dma semaphore(%dma_wait3A_181 : memref<!tpu.dma_semaphore, #tpu.memory_space<semaphore_mem>>) src(%dma_wait3A_179 : memref<10240x8xf32, #tpu.memory_space<vmem_shared>>) dst(%dma_wait3A_173 : memref<128x8xf32, #tpu.memory_space<vmem>>)
      %add3A_182 = arith.constant 3 : i32
      %add3A_183 = arith.addi %mul3A_70, %add3A_182 : i32
      %dma_start3A_184 = arith.constant 3 : i32
      %dma_start3A_185 = arith.constant 3 : i32
      %dma_start3A_186 = arith.constant 0 : i32
      %dma_start3A_187 = arith.constant 0 : i32
      %dma_start3A_188 = tpu.memref_slice %arg9[%dma_start3A_184, %dma_start3A_186, %dma_start3A_187] : memref<4x128x8xf32, #tpu.memory_space<vmem>> -> memref<1x128x8xf32, #tpu.memory_space<vmem>>
      %dma_start3A_189 = tpu.memref_squeeze %dma_start3A_188 : memref<1x128x8xf32, #tpu.memory_space<vmem>> -> memref<128x8xf32, #tpu.memory_space<vmem>>
      %dma_start3A_190 = arith.constant 0 : i32
      %dma_start3A_191 = tpu.memref_slice %arg8[%add3A_183, %dma_start3A_190] : memref<80x128xi32, #tpu.memory_space<vmem>> -> memref<1x128xi32, #tpu.memory_space<vmem>>
      %dma_start3A_192 = tpu.memref_squeeze %dma_start3A_191 : memref<1x128xi32, #tpu.memory_space<vmem>> -> memref<128xi32, #tpu.memory_space<vmem>>
      %dma_start3A_193 = arith.constant 0 : i32
      %dma_start3A_194 = arith.constant 0 : i32
      %dma_start3A_195 = tpu.memref_slice %arg10[%dma_start3A_193, %dma_start3A_194] : memref<10240x8xf32, #tpu.memory_space<vmem_shared>> -> memref<10240x8xf32, #tpu.memory_space<vmem_shared>>
      %dma_start3A_196 = tpu.memref_slice %arg13[%dma_start3A_185] : memref<4x!tpu.dma_semaphore, #tpu.memory_space<semaphore_mem>> -> memref<1x!tpu.dma_semaphore, #tpu.memory_space<semaphore_mem>>
      %dma_start3A_197 = tpu.memref_squeeze %dma_start3A_196 : memref<1x!tpu.dma_semaphore, #tpu.memory_space<semaphore_mem>> -> memref<!tpu.dma_semaphore, #tpu.memory_space<semaphore_mem>>
      tpu.enqueue_indirect_dma source(%dma_start3A_189 : memref<128x8xf32, #tpu.memory_space<vmem>>) target(%dma_start3A_195 : memref<10240x8xf32, #tpu.memory_space<vmem_shared>>) offsets(%dma_start3A_192 : memref<128xi32, #tpu.memory_space<vmem>>) semaphore(%dma_start3A_197 : memref<!tpu.dma_semaphore, #tpu.memory_space<semaphore_mem>>) {add = true}
      %add3A_198 = arith.constant 0 : i32
      %add3A_199 = arith.addi %mul3A_70, %add3A_198 : i32
      %dma_wait3A_200 = arith.constant 0 : i32
      %dma_wait3A_201 = arith.constant 0 : i32
      %dma_wait3A_202 = arith.constant 0 : i32
      %dma_wait3A_203 = arith.constant 0 : i32
      %dma_wait3A_204 = tpu.memref_slice %arg9[%dma_wait3A_200, %dma_wait3A_202, %dma_wait3A_203] : memref<4x128x8xf32, #tpu.memory_space<vmem>> -> memref<1x128x8xf32, #tpu.memory_space<vmem>>
      %dma_wait3A_205 = tpu.memref_squeeze %dma_wait3A_204 : memref<1x128x8xf32, #tpu.memory_space<vmem>> -> memref<128x8xf32, #tpu.memory_space<vmem>>
      %dma_wait3A_206 = arith.constant 0 : i32
      %dma_wait3A_207 = tpu.memref_slice %arg8[%add3A_199, %dma_wait3A_206] : memref<80x128xi32, #tpu.memory_space<vmem>> -> memref<1x128xi32, #tpu.memory_space<vmem>>
      %dma_wait3A_208 = tpu.memref_squeeze %dma_wait3A_207 : memref<1x128xi32, #tpu.memory_space<vmem>> -> memref<128xi32, #tpu.memory_space<vmem>>
      %dma_wait3A_209 = arith.constant 0 : i32
      %dma_wait3A_210 = arith.constant 0 : i32
      %dma_wait3A_211 = tpu.memref_slice %arg10[%dma_wait3A_209, %dma_wait3A_210] : memref<10240x8xf32, #tpu.memory_space<vmem_shared>> -> memref<10240x8xf32, #tpu.memory_space<vmem_shared>>
      %dma_wait3A_212 = tpu.memref_slice %arg13[%dma_wait3A_201] : memref<4x!tpu.dma_semaphore, #tpu.memory_space<semaphore_mem>> -> memref<1x!tpu.dma_semaphore, #tpu.memory_space<semaphore_mem>>
      %dma_wait3A_213 = tpu.memref_squeeze %dma_wait3A_212 : memref<1x!tpu.dma_semaphore, #tpu.memory_space<semaphore_mem>> -> memref<!tpu.dma_semaphore, #tpu.memory_space<semaphore_mem>>
      tpu.wait_indirect_dma semaphore(%dma_wait3A_213 : memref<!tpu.dma_semaphore, #tpu.memory_space<semaphore_mem>>) src(%dma_wait3A_205 : memref<128x8xf32, #tpu.memory_space<vmem>>) dst(%dma_wait3A_211 : memref<10240x8xf32, #tpu.memory_space<vmem_shared>>)
      %add3A_214 = arith.constant 0 : i32
      %add3A_215 = arith.addi %mul3A_70, %add3A_214 : i32
      %add3A_216 = arith.constant 4 : i32
      %add3A_217 = arith.addi %add3A_215, %add3A_216 : i32
      %lt3A = arith.constant 80 : i32
      %lt3A_218 = arith.cmpi slt, %add3A_217, %lt3A : i32
      %convert_element_type3A = arith.extui %lt3A_218 : i1 to i32
      %cond3A = arith.constant 0 : i32
      %cond3A_219 = arith.cmpi ne, %convert_element_type3A, %cond3A : i32
      scf.if %cond3A_219 {
        %add3A_295 = arith.constant 0 : i32
        %add3A_296 = arith.addi %mul3A_70, %add3A_295 : i32
        %add3A_297 = arith.constant 4 : i32
        %add3A_298 = arith.addi %add3A_296, %add3A_297 : i32
        %dma_start3A_299 = arith.constant 0 : i32
        %dma_start3A_300 = arith.constant 0 : i32
        %dma_start3A_301 = arith.constant 0 : i32
        %dma_start3A_302 = arith.constant 0 : i32
        %dma_start3A_303 = tpu.memref_slice %arg9[%dma_start3A_299, %dma_start3A_301, %dma_start3A_302] : memref<4x128x8xf32, #tpu.memory_space<vmem>> -> memref<1x128x8xf32, #tpu.memory_space<vmem>>
        %dma_start3A_304 = tpu.memref_squeeze %dma_start3A_303 : memref<1x128x8xf32, #tpu.memory_space<vmem>> -> memref<128x8xf32, #tpu.memory_space<vmem>>
        %dma_start3A_305 = arith.constant 0 : i32
        %dma_start3A_306 = tpu.memref_slice %arg7[%add3A_298, %dma_start3A_305] : memref<80x128xi32, #tpu.memory_space<vmem>> -> memref<1x128xi32, #tpu.memory_space<vmem>>
        %dma_start3A_307 = tpu.memref_squeeze %dma_start3A_306 : memref<1x128xi32, #tpu.memory_space<vmem>> -> memref<128xi32, #tpu.memory_space<vmem>>
        %dma_start3A_308 = arith.constant 0 : i32
        %dma_start3A_309 = arith.constant 0 : i32
        %dma_start3A_310 = tpu.memref_slice %arg11[%dma_start3A_308, %dma_start3A_309] : memref<10240x8xf32, #tpu.memory_space<vmem_shared>> -> memref<10240x8xf32, #tpu.memory_space<vmem_shared>>
        %dma_start3A_311 = tpu.memref_slice %arg12[%dma_start3A_300] : memref<4x!tpu.dma_semaphore, #tpu.memory_space<semaphore_mem>> -> memref<1x!tpu.dma_semaphore, #tpu.memory_space<semaphore_mem>>
        %dma_start3A_312 = tpu.memref_squeeze %dma_start3A_311 : memref<1x!tpu.dma_semaphore, #tpu.memory_space<semaphore_mem>> -> memref<!tpu.dma_semaphore, #tpu.memory_space<semaphore_mem>>
        tpu.enqueue_indirect_dma source(%dma_start3A_310 : memref<10240x8xf32, #tpu.memory_space<vmem_shared>>) target(%dma_start3A_304 : memref<128x8xf32, #tpu.memory_space<vmem>>) offsets(%dma_start3A_307 : memref<128xi32, #tpu.memory_space<vmem>>) semaphore(%dma_start3A_312 : memref<!tpu.dma_semaphore, #tpu.memory_space<semaphore_mem>>)
      } else {
      }
      %add3A_220 = arith.constant 1 : i32
      %add3A_221 = arith.addi %mul3A_70, %add3A_220 : i32
      %dma_wait3A_222 = arith.constant 1 : i32
      %dma_wait3A_223 = arith.constant 1 : i32
      %dma_wait3A_224 = arith.constant 0 : i32
      %dma_wait3A_225 = arith.constant 0 : i32
      %dma_wait3A_226 = tpu.memref_slice %arg9[%dma_wait3A_222, %dma_wait3A_224, %dma_wait3A_225] : memref<4x128x8xf32, #tpu.memory_space<vmem>> -> memref<1x128x8xf32, #tpu.memory_space<vmem>>
      %dma_wait3A_227 = tpu.memref_squeeze %dma_wait3A_226 : memref<1x128x8xf32, #tpu.memory_space<vmem>> -> memref<128x8xf32, #tpu.memory_space<vmem>>
      %dma_wait3A_228 = arith.constant 0 : i32
      %dma_wait3A_229 = tpu.memref_slice %arg8[%add3A_221, %dma_wait3A_228] : memref<80x128xi32, #tpu.memory_space<vmem>> -> memref<1x128xi32, #tpu.memory_space<vmem>>
      %dma_wait3A_230 = tpu.memref_squeeze %dma_wait3A_229 : memref<1x128xi32, #tpu.memory_space<vmem>> -> memref<128xi32, #tpu.memory_space<vmem>>
      %dma_wait3A_231 = arith.constant 0 : i32
      %dma_wait3A_232 = arith.constant 0 : i32
      %dma_wait3A_233 = tpu.memref_slice %arg10[%dma_wait3A_231, %dma_wait3A_232] : memref<10240x8xf32, #tpu.memory_space<vmem_shared>> -> memref<10240x8xf32, #tpu.memory_space<vmem_shared>>
      %dma_wait3A_234 = tpu.memref_slice %arg13[%dma_wait3A_223] : memref<4x!tpu.dma_semaphore, #tpu.memory_space<semaphore_mem>> -> memref<1x!tpu.dma_semaphore, #tpu.memory_space<semaphore_mem>>
      %dma_wait3A_235 = tpu.memref_squeeze %dma_wait3A_234 : memref<1x!tpu.dma_semaphore, #tpu.memory_space<semaphore_mem>> -> memref<!tpu.dma_semaphore, #tpu.memory_space<semaphore_mem>>
      tpu.wait_indirect_dma semaphore(%dma_wait3A_235 : memref<!tpu.dma_semaphore, #tpu.memory_space<semaphore_mem>>) src(%dma_wait3A_227 : memref<128x8xf32, #tpu.memory_space<vmem>>) dst(%dma_wait3A_233 : memref<10240x8xf32, #tpu.memory_space<vmem_shared>>)
      %add3A_236 = arith.constant 1 : i32
      %add3A_237 = arith.addi %mul3A_70, %add3A_236 : i32
      %add3A_238 = arith.constant 4 : i32
      %add3A_239 = arith.addi %add3A_237, %add3A_238 : i32
      %lt3A_240 = arith.constant 80 : i32
      %lt3A_241 = arith.cmpi slt, %add3A_239, %lt3A_240 : i32
      %convert_element_type3A_242 = arith.extui %lt3A_241 : i1 to i32
      %cond3A_243 = arith.constant 0 : i32
      %cond3A_244 = arith.cmpi ne, %convert_element_type3A_242, %cond3A_243 : i32
      scf.if %cond3A_244 {
        %add3A_295 = arith.constant 1 : i32
        %add3A_296 = arith.addi %mul3A_70, %add3A_295 : i32
        %add3A_297 = arith.constant 4 : i32
        %add3A_298 = arith.addi %add3A_296, %add3A_297 : i32
        %dma_start3A_299 = arith.constant 1 : i32
        %dma_start3A_300 = arith.constant 1 : i32
        %dma_start3A_301 = arith.constant 0 : i32
        %dma_start3A_302 = arith.constant 0 : i32
        %dma_start3A_303 = tpu.memref_slice %arg9[%dma_start3A_299, %dma_start3A_301, %dma_start3A_302] : memref<4x128x8xf32, #tpu.memory_space<vmem>> -> memref<1x128x8xf32, #tpu.memory_space<vmem>>
        %dma_start3A_304 = tpu.memref_squeeze %dma_start3A_303 : memref<1x128x8xf32, #tpu.memory_space<vmem>> -> memref<128x8xf32, #tpu.memory_space<vmem>>
        %dma_start3A_305 = arith.constant 0 : i32
        %dma_start3A_306 = tpu.memref_slice %arg7[%add3A_298, %dma_start3A_305] : memref<80x128xi32, #tpu.memory_space<vmem>> -> memref<1x128xi32, #tpu.memory_space<vmem>>
        %dma_start3A_307 = tpu.memref_squeeze %dma_start3A_306 : memref<1x128xi32, #tpu.memory_space<vmem>> -> memref<128xi32, #tpu.memory_space<vmem>>
        %dma_start3A_308 = arith.constant 0 : i32
        %dma_start3A_309 = arith.constant 0 : i32
        %dma_start3A_310 = tpu.memref_slice %arg11[%dma_start3A_308, %dma_start3A_309] : memref<10240x8xf32, #tpu.memory_space<vmem_shared>> -> memref<10240x8xf32, #tpu.memory_space<vmem_shared>>
        %dma_start3A_311 = tpu.memref_slice %arg12[%dma_start3A_300] : memref<4x!tpu.dma_semaphore, #tpu.memory_space<semaphore_mem>> -> memref<1x!tpu.dma_semaphore, #tpu.memory_space<semaphore_mem>>
        %dma_start3A_312 = tpu.memref_squeeze %dma_start3A_311 : memref<1x!tpu.dma_semaphore, #tpu.memory_space<semaphore_mem>> -> memref<!tpu.dma_semaphore, #tpu.memory_space<semaphore_mem>>
        tpu.enqueue_indirect_dma source(%dma_start3A_310 : memref<10240x8xf32, #tpu.memory_space<vmem_shared>>) target(%dma_start3A_304 : memref<128x8xf32, #tpu.memory_space<vmem>>) offsets(%dma_start3A_307 : memref<128xi32, #tpu.memory_space<vmem>>) semaphore(%dma_start3A_312 : memref<!tpu.dma_semaphore, #tpu.memory_space<semaphore_mem>>)
      } else {
      }
      %add3A_245 = arith.constant 2 : i32
      %add3A_246 = arith.addi %mul3A_70, %add3A_245 : i32
      %dma_wait3A_247 = arith.constant 2 : i32
      %dma_wait3A_248 = arith.constant 2 : i32
      %dma_wait3A_249 = arith.constant 0 : i32
      %dma_wait3A_250 = arith.constant 0 : i32
      %dma_wait3A_251 = tpu.memref_slice %arg9[%dma_wait3A_247, %dma_wait3A_249, %dma_wait3A_250] : memref<4x128x8xf32, #tpu.memory_space<vmem>> -> memref<1x128x8xf32, #tpu.memory_space<vmem>>
      %dma_wait3A_252 = tpu.memref_squeeze %dma_wait3A_251 : memref<1x128x8xf32, #tpu.memory_space<vmem>> -> memref<128x8xf32, #tpu.memory_space<vmem>>
      %dma_wait3A_253 = arith.constant 0 : i32
      %dma_wait3A_254 = tpu.memref_slice %arg8[%add3A_246, %dma_wait3A_253] : memref<80x128xi32, #tpu.memory_space<vmem>> -> memref<1x128xi32, #tpu.memory_space<vmem>>
      %dma_wait3A_255 = tpu.memref_squeeze %dma_wait3A_254 : memref<1x128xi32, #tpu.memory_space<vmem>> -> memref<128xi32, #tpu.memory_space<vmem>>
      %dma_wait3A_256 = arith.constant 0 : i32
      %dma_wait3A_257 = arith.constant 0 : i32
      %dma_wait3A_258 = tpu.memref_slice %arg10[%dma_wait3A_256, %dma_wait3A_257] : memref<10240x8xf32, #tpu.memory_space<vmem_shared>> -> memref<10240x8xf32, #tpu.memory_space<vmem_shared>>
      %dma_wait3A_259 = tpu.memref_slice %arg13[%dma_wait3A_248] : memref<4x!tpu.dma_semaphore, #tpu.memory_space<semaphore_mem>> -> memref<1x!tpu.dma_semaphore, #tpu.memory_space<semaphore_mem>>
      %dma_wait3A_260 = tpu.memref_squeeze %dma_wait3A_259 : memref<1x!tpu.dma_semaphore, #tpu.memory_space<semaphore_mem>> -> memref<!tpu.dma_semaphore, #tpu.memory_space<semaphore_mem>>
      tpu.wait_indirect_dma semaphore(%dma_wait3A_260 : memref<!tpu.dma_semaphore, #tpu.memory_space<semaphore_mem>>) src(%dma_wait3A_252 : memref<128x8xf32, #tpu.memory_space<vmem>>) dst(%dma_wait3A_258 : memref<10240x8xf32, #tpu.memory_space<vmem_shared>>)
      %add3A_261 = arith.constant 2 : i32
      %add3A_262 = arith.addi %mul3A_70, %add3A_261 : i32
      %add3A_263 = arith.constant 4 : i32
      %add3A_264 = arith.addi %add3A_262, %add3A_263 : i32
      %lt3A_265 = arith.constant 80 : i32
      %lt3A_266 = arith.cmpi slt, %add3A_264, %lt3A_265 : i32
      %convert_element_type3A_267 = arith.extui %lt3A_266 : i1 to i32
      %cond3A_268 = arith.constant 0 : i32
      %cond3A_269 = arith.cmpi ne, %convert_element_type3A_267, %cond3A_268 : i32
      scf.if %cond3A_269 {
        %add3A_295 = arith.constant 2 : i32
        %add3A_296 = arith.addi %mul3A_70, %add3A_295 : i32
        %add3A_297 = arith.constant 4 : i32
        %add3A_298 = arith.addi %add3A_296, %add3A_297 : i32
        %dma_start3A_299 = arith.constant 2 : i32
        %dma_start3A_300 = arith.constant 2 : i32
        %dma_start3A_301 = arith.constant 0 : i32
        %dma_start3A_302 = arith.constant 0 : i32
        %dma_start3A_303 = tpu.memref_slice %arg9[%dma_start3A_299, %dma_start3A_301, %dma_start3A_302] : memref<4x128x8xf32, #tpu.memory_space<vmem>> -> memref<1x128x8xf32, #tpu.memory_space<vmem>>
        %dma_start3A_304 = tpu.memref_squeeze %dma_start3A_303 : memref<1x128x8xf32, #tpu.memory_space<vmem>> -> memref<128x8xf32, #tpu.memory_space<vmem>>
        %dma_start3A_305 = arith.constant 0 : i32
        %dma_start3A_306 = tpu.memref_slice %arg7[%add3A_298, %dma_start3A_305] : memref<80x128xi32, #tpu.memory_space<vmem>> -> memref<1x128xi32, #tpu.memory_space<vmem>>
        %dma_start3A_307 = tpu.memref_squeeze %dma_start3A_306 : memref<1x128xi32, #tpu.memory_space<vmem>> -> memref<128xi32, #tpu.memory_space<vmem>>
        %dma_start3A_308 = arith.constant 0 : i32
        %dma_start3A_309 = arith.constant 0 : i32
        %dma_start3A_310 = tpu.memref_slice %arg11[%dma_start3A_308, %dma_start3A_309] : memref<10240x8xf32, #tpu.memory_space<vmem_shared>> -> memref<10240x8xf32, #tpu.memory_space<vmem_shared>>
        %dma_start3A_311 = tpu.memref_slice %arg12[%dma_start3A_300] : memref<4x!tpu.dma_semaphore, #tpu.memory_space<semaphore_mem>> -> memref<1x!tpu.dma_semaphore, #tpu.memory_space<semaphore_mem>>
        %dma_start3A_312 = tpu.memref_squeeze %dma_start3A_311 : memref<1x!tpu.dma_semaphore, #tpu.memory_space<semaphore_mem>> -> memref<!tpu.dma_semaphore, #tpu.memory_space<semaphore_mem>>
        tpu.enqueue_indirect_dma source(%dma_start3A_310 : memref<10240x8xf32, #tpu.memory_space<vmem_shared>>) target(%dma_start3A_304 : memref<128x8xf32, #tpu.memory_space<vmem>>) offsets(%dma_start3A_307 : memref<128xi32, #tpu.memory_space<vmem>>) semaphore(%dma_start3A_312 : memref<!tpu.dma_semaphore, #tpu.memory_space<semaphore_mem>>)
      } else {
      }
      %add3A_270 = arith.constant 3 : i32
      %add3A_271 = arith.addi %mul3A_70, %add3A_270 : i32
      %dma_wait3A_272 = arith.constant 3 : i32
      %dma_wait3A_273 = arith.constant 3 : i32
      %dma_wait3A_274 = arith.constant 0 : i32
      %dma_wait3A_275 = arith.constant 0 : i32
      %dma_wait3A_276 = tpu.memref_slice %arg9[%dma_wait3A_272, %dma_wait3A_274, %dma_wait3A_275] : memref<4x128x8xf32, #tpu.memory_space<vmem>> -> memref<1x128x8xf32, #tpu.memory_space<vmem>>
      %dma_wait3A_277 = tpu.memref_squeeze %dma_wait3A_276 : memref<1x128x8xf32, #tpu.memory_space<vmem>> -> memref<128x8xf32, #tpu.memory_space<vmem>>
      %dma_wait3A_278 = arith.constant 0 : i32
      %dma_wait3A_279 = tpu.memref_slice %arg8[%add3A_271, %dma_wait3A_278] : memref<80x128xi32, #tpu.memory_space<vmem>> -> memref<1x128xi32, #tpu.memory_space<vmem>>
      %dma_wait3A_280 = tpu.memref_squeeze %dma_wait3A_279 : memref<1x128xi32, #tpu.memory_space<vmem>> -> memref<128xi32, #tpu.memory_space<vmem>>
      %dma_wait3A_281 = arith.constant 0 : i32
      %dma_wait3A_282 = arith.constant 0 : i32
      %dma_wait3A_283 = tpu.memref_slice %arg10[%dma_wait3A_281, %dma_wait3A_282] : memref<10240x8xf32, #tpu.memory_space<vmem_shared>> -> memref<10240x8xf32, #tpu.memory_space<vmem_shared>>
      %dma_wait3A_284 = tpu.memref_slice %arg13[%dma_wait3A_273] : memref<4x!tpu.dma_semaphore, #tpu.memory_space<semaphore_mem>> -> memref<1x!tpu.dma_semaphore, #tpu.memory_space<semaphore_mem>>
      %dma_wait3A_285 = tpu.memref_squeeze %dma_wait3A_284 : memref<1x!tpu.dma_semaphore, #tpu.memory_space<semaphore_mem>> -> memref<!tpu.dma_semaphore, #tpu.memory_space<semaphore_mem>>
      tpu.wait_indirect_dma semaphore(%dma_wait3A_285 : memref<!tpu.dma_semaphore, #tpu.memory_space<semaphore_mem>>) src(%dma_wait3A_277 : memref<128x8xf32, #tpu.memory_space<vmem>>) dst(%dma_wait3A_283 : memref<10240x8xf32, #tpu.memory_space<vmem_shared>>)
      %add3A_286 = arith.constant 3 : i32
      %add3A_287 = arith.addi %mul3A_70, %add3A_286 : i32
      %add3A_288 = arith.constant 4 : i32
      %add3A_289 = arith.addi %add3A_287, %add3A_288 : i32
      %lt3A_290 = arith.constant 80 : i32
      %lt3A_291 = arith.cmpi slt, %add3A_289, %lt3A_290 : i32
      %convert_element_type3A_292 = arith.extui %lt3A_291 : i1 to i32
      %cond3A_293 = arith.constant 0 : i32
      %cond3A_294 = arith.cmpi ne, %convert_element_type3A_292, %cond3A_293 : i32
      scf.if %cond3A_294 {
        %add3A_295 = arith.constant 3 : i32
        %add3A_296 = arith.addi %mul3A_70, %add3A_295 : i32
        %add3A_297 = arith.constant 4 : i32
        %add3A_298 = arith.addi %add3A_296, %add3A_297 : i32
        %dma_start3A_299 = arith.constant 3 : i32
        %dma_start3A_300 = arith.constant 3 : i32
        %dma_start3A_301 = arith.constant 0 : i32
        %dma_start3A_302 = arith.constant 0 : i32
        %dma_start3A_303 = tpu.memref_slice %arg9[%dma_start3A_299, %dma_start3A_301, %dma_start3A_302] : memref<4x128x8xf32, #tpu.memory_space<vmem>> -> memref<1x128x8xf32, #tpu.memory_space<vmem>>
        %dma_start3A_304 = tpu.memref_squeeze %dma_start3A_303 : memref<1x128x8xf32, #tpu.memory_space<vmem>> -> memref<128x8xf32, #tpu.memory_space<vmem>>
        %dma_start3A_305 = arith.constant 0 : i32
        %dma_start3A_306 = tpu.memref_slice %arg7[%add3A_298, %dma_start3A_305] : memref<80x128xi32, #tpu.memory_space<vmem>> -> memref<1x128xi32, #tpu.memory_space<vmem>>
        %dma_start3A_307 = tpu.memref_squeeze %dma_start3A_306 : memref<1x128xi32, #tpu.memory_space<vmem>> -> memref<128xi32, #tpu.memory_space<vmem>>
        %dma_start3A_308 = arith.constant 0 : i32
        %dma_start3A_309 = arith.constant 0 : i32
        %dma_start3A_310 = tpu.memref_slice %arg11[%dma_start3A_308, %dma_start3A_309] : memref<10240x8xf32, #tpu.memory_space<vmem_shared>> -> memref<10240x8xf32, #tpu.memory_space<vmem_shared>>
        %dma_start3A_311 = tpu.memref_slice %arg12[%dma_start3A_300] : memref<4x!tpu.dma_semaphore, #tpu.memory_space<semaphore_mem>> -> memref<1x!tpu.dma_semaphore, #tpu.memory_space<semaphore_mem>>
        %dma_start3A_312 = tpu.memref_squeeze %dma_start3A_311 : memref<1x!tpu.dma_semaphore, #tpu.memory_space<semaphore_mem>> -> memref<!tpu.dma_semaphore, #tpu.memory_space<semaphore_mem>>
        tpu.enqueue_indirect_dma source(%dma_start3A_310 : memref<10240x8xf32, #tpu.memory_space<vmem_shared>>) target(%dma_start3A_304 : memref<128x8xf32, #tpu.memory_space<vmem>>) offsets(%dma_start3A_307 : memref<128xi32, #tpu.memory_space<vmem>>) semaphore(%dma_start3A_312 : memref<!tpu.dma_semaphore, #tpu.memory_space<semaphore_mem>>)
      } else {
      }
    }
    %scan3A_66 = arith.constant 20 : i32
    %barrier3A_67 = arith.constant 0 : index
    tpu.barrier barrier_id(%barrier3A_67)
    "tpu.region"() ({
      %run_scoped3A = tpu.sem_alloc : memref<!tpu.dma_semaphore, #tpu.memory_space<semaphore_mem>>
      %dma_start3A_68 = arith.constant 0 : i32
      %dma_start3A_69 = tpu.memref_slice %arg6[%arg0, %mul3A_2, %dma_start3A_68] : memref<2x10240x8xf32, #tpu.memory_space<hbm>> -> memref<1x640x8xf32, #tpu.memory_space<hbm>>
      %dma_start3A_70 = tpu.memref_squeeze %dma_start3A_69 : memref<1x640x8xf32, #tpu.memory_space<hbm>> -> memref<640x8xf32, #tpu.memory_space<hbm>>
      %dma_start3A_71 = arith.constant 0 : i32
      %dma_start3A_72 = tpu.memref_slice %arg10[%mul3A_2, %dma_start3A_71] : memref<10240x8xf32, #tpu.memory_space<vmem_shared>> -> memref<640x8xf32, #tpu.memory_space<vmem_shared>>
      tpu.enqueue_dma source(%dma_start3A_72 : memref<640x8xf32, #tpu.memory_space<vmem_shared>>) target(%dma_start3A_70 : memref<640x8xf32, #tpu.memory_space<hbm>>) target_semaphore(%run_scoped3A : memref<!tpu.dma_semaphore, #tpu.memory_space<semaphore_mem>>)
      %dma_wait3A = arith.constant 0 : i32
      %dma_wait3A_73 = tpu.memref_slice %arg6[%arg0, %mul3A_2, %dma_wait3A] : memref<2x10240x8xf32, #tpu.memory_space<hbm>> -> memref<1x640x8xf32, #tpu.memory_space<hbm>>
      %dma_wait3A_74 = tpu.memref_squeeze %dma_wait3A_73 : memref<1x640x8xf32, #tpu.memory_space<hbm>> -> memref<640x8xf32, #tpu.memory_space<hbm>>
      %dma_wait3A_75 = arith.constant 0 : i32
      %dma_wait3A_76 = tpu.memref_slice %arg10[%mul3A_2, %dma_wait3A_75] : memref<10240x8xf32, #tpu.memory_space<vmem_shared>> -> memref<640x8xf32, #tpu.memory_space<vmem_shared>>
      tpu.wait_dma2 semaphore(%run_scoped3A : memref<!tpu.dma_semaphore, #tpu.memory_space<semaphore_mem>>) src(%dma_wait3A_76 : memref<640x8xf32, #tpu.memory_space<vmem_shared>>) dst(%dma_wait3A_74 : memref<640x8xf32, #tpu.memory_space<hbm>>)
      tpu.yield
    }) : () -> ()
    return
  }
}

module attributes {stable_mosaic.version = 14 : i64} {
  func.func @_tc_pre_body(%arg0: memref<10000x128xf32, #tpu.memory_space<vmem>>, %arg1: memref<128x8xf32, #tpu.memory_space<vmem>>, %arg2: memref<2x10240x8xf32, #tpu.memory_space<vmem>>, %arg3: memref<10240x8xf32, #tpu.memory_space<vmem>>, %arg4: memref<10240x8xf32, #tpu.memory_space<vmem>>) attributes {dimension_semantics = [], scalar_prefetch = 0 : i64, scratch_operands = 0 : i64, tpu.core_type = #tpu.core_type<tc>} {
    %get3A = arith.constant 0 : index
    %get3A_0 = arith.constant 0 : index
    %get3A_1 = vector.load %arg0[%get3A, %get3A_0] : memref<10000x128xf32, #tpu.memory_space<vmem>>, vector<10000x128xf32>
    %get3A_2 = arith.constant 0 : index
    %get3A_3 = arith.constant 0 : index
    %get3A_4 = vector.load %arg1[%get3A_2, %get3A_3] : memref<128x8xf32, #tpu.memory_space<vmem>>, vector<128x8xf32>
    %dot_general3A = arith.constant dense<0.000000e+00> : vector<10000x8xf32>
    %dot_general3A_5 = tpu.matmul %get3A_1, %get3A_4, %dot_general3A {dimension_numbers = #tpu.dot_dimension_numbers<[1], [0], [0], [1], [0, 0, 1, 1], [], []>, transpose_lhs_hint = false} : vector<10000x128xf32>, vector<128x8xf32>, vector<10000x8xf32> -> vector<10000x8xf32>
    %get3A_6 = arith.constant 0 : index
    %get3A_7 = arith.constant 0 : index
    %get3A_8 = arith.constant 0 : index
    %get3A_9 = vector.load %arg2[%get3A_6, %get3A_7, %get3A_8] : memref<2x10240x8xf32, #tpu.memory_space<vmem>>, vector<1x10240x8xf32>
    %get3A_10 = vector.shape_cast %get3A_9 : vector<1x10240x8xf32> to vector<10240x8xf32>
    %get3A_11 = arith.constant 1 : index
    %get3A_12 = arith.constant 0 : index
    %get3A_13 = arith.constant 0 : index
    %get3A_14 = vector.load %arg2[%get3A_11, %get3A_12, %get3A_13] : memref<2x10240x8xf32, #tpu.memory_space<vmem>>, vector<1x10240x8xf32>
    %get3A_15 = vector.shape_cast %get3A_14 : vector<1x10240x8xf32> to vector<10240x8xf32>
    %add3A = arith.addf %get3A_10, %get3A_15 : vector<10240x8xf32>
    %add3A_16 = arith.constant 1.000000e+00 : f32
    %add3A_17 = vector.broadcast %add3A_16 : f32 to vector<10240x8xf32>
    %add3A_18 = arith.addf %add3A, %add3A_17 : vector<10240x8xf32>
    %rsqrt3A = math.rsqrt %add3A_18 : vector<10240x8xf32>
    %swap3A = arith.constant 0 : index
    %swap3A_19 = arith.constant 0 : index
    %swap3A_20 = vector.load %arg4[%swap3A, %swap3A_19] : memref<10240x8xf32, #tpu.memory_space<vmem>>, vector<10240x8xf32>
    tpu.vector_store %arg4[%swap3A, %swap3A_19], %rsqrt3A {strides = array<i32>} : memref<10240x8xf32, #tpu.memory_space<vmem>>, vector<10240x8xf32>,
    %broadcast_in_dim3A = arith.constant 0.000000e+00 : f32
    %broadcast_in_dim3A_21 = vector.broadcast %broadcast_in_dim3A : f32 to vector<10240x8xf32>
    %swap3A_22 = arith.constant 0 : index
    %swap3A_23 = arith.constant 0 : index
    %swap3A_24 = vector.load %arg3[%swap3A_22, %swap3A_23] : memref<10240x8xf32, #tpu.memory_space<vmem>>, vector<10240x8xf32>
    tpu.vector_store %arg3[%swap3A_22, %swap3A_23], %broadcast_in_dim3A_21 {strides = array<i32>} : memref<10240x8xf32, #tpu.memory_space<vmem>>, vector<10240x8xf32>,
    %slice3A = vector.extract_strided_slice %rsqrt3A {offsets = [0, 0], sizes = [10000, 8], strides = [1, 1]} : vector<10240x8xf32> to vector<10000x8xf32>
    %mul3A = arith.mulf %slice3A, %dot_general3A_5 : vector<10000x8xf32>
    %swap3A_25 = arith.constant 0 : index
    %swap3A_26 = arith.constant 0 : index
    %swap3A_27 = vector.load %arg3[%swap3A_25, %swap3A_26] : memref<10240x8xf32, #tpu.memory_space<vmem>>, vector<10000x8xf32>
    tpu.vector_store %arg3[%swap3A_25, %swap3A_26], %mul3A {strides = array<i32>} : memref<10240x8xf32, #tpu.memory_space<vmem>>, vector<10000x8xf32>,
    return
  }
}

module attributes {stable_mosaic.version = 14 : i64} {
  func.func @_tc_mid_body(%arg0: memref<2x10240x8xf32, #tpu.memory_space<vmem>>, %arg1: memref<10240x8xf32, #tpu.memory_space<vmem>>, %arg2: memref<10240x8xf32, #tpu.memory_space<vmem>>, %arg3: memref<10240x8xf32, #tpu.memory_space<vmem>>) attributes {dimension_semantics = [], scalar_prefetch = 0 : i64, scratch_operands = 0 : i64, tpu.core_type = #tpu.core_type<tc>} {
    %get3A = arith.constant 0 : index
    %get3A_0 = arith.constant 0 : index
    %get3A_1 = vector.load %arg2[%get3A, %get3A_0] : memref<10240x8xf32, #tpu.memory_space<vmem>>, vector<10240x8xf32>
    %mul3A = arith.mulf %get3A_1, %get3A_1 : vector<10240x8xf32>
    %get3A_2 = arith.constant 0 : index
    %get3A_3 = arith.constant 0 : index
    %get3A_4 = arith.constant 0 : index
    %get3A_5 = vector.load %arg0[%get3A_2, %get3A_3, %get3A_4] : memref<2x10240x8xf32, #tpu.memory_space<vmem>>, vector<1x10240x8xf32>
    %get3A_6 = vector.shape_cast %get3A_5 : vector<1x10240x8xf32> to vector<10240x8xf32>
    %get3A_7 = arith.constant 1 : index
    %get3A_8 = arith.constant 0 : index
    %get3A_9 = arith.constant 0 : index
    %get3A_10 = vector.load %arg0[%get3A_7, %get3A_8, %get3A_9] : memref<2x10240x8xf32, #tpu.memory_space<vmem>>, vector<1x10240x8xf32>
    %get3A_11 = vector.shape_cast %get3A_10 : vector<1x10240x8xf32> to vector<10240x8xf32>
    %add3A = arith.addf %get3A_6, %get3A_11 : vector<10240x8xf32>
    %get3A_12 = arith.constant 0 : index
    %get3A_13 = arith.constant 0 : index
    %get3A_14 = vector.load %arg1[%get3A_12, %get3A_13] : memref<10240x8xf32, #tpu.memory_space<vmem>>, vector<10240x8xf32>
    %add3A_15 = arith.addf %add3A, %get3A_14 : vector<10240x8xf32>
    %mul3A_16 = arith.mulf %mul3A, %add3A_15 : vector<10240x8xf32>
    %swap3A = arith.constant 0 : index
    %swap3A_17 = arith.constant 0 : index
    %swap3A_18 = vector.load %arg3[%swap3A, %swap3A_17] : memref<10240x8xf32, #tpu.memory_space<vmem>>, vector<10240x8xf32>
    tpu.vector_store %arg3[%swap3A, %swap3A_17], %mul3A_16 {strides = array<i32>} : memref<10240x8xf32, #tpu.memory_space<vmem>>, vector<10240x8xf32>,
    return
  }
}

module attributes {stable_mosaic.version = 14 : i64} {
  func.func @_tc_post_body(%arg0: memref<2x10240x8xf32, #tpu.memory_space<vmem>>, %arg1: memref<10240x8xf32, #tpu.memory_space<vmem>>, %arg2: memref<10240x8xf32, #tpu.memory_space<vmem>>, %arg3: memref<1x8xf32, #tpu.memory_space<vmem>>, %arg4: memref<10240x8xf32, #tpu.memory_space<vmem>>) attributes {dimension_semantics = [], scalar_prefetch = 0 : i64, scratch_operands = 0 : i64, tpu.core_type = #tpu.core_type<tc>} {
    %get3A = arith.constant 0 : index
    %get3A_0 = arith.constant 0 : index
    %get3A_1 = vector.load %arg2[%get3A, %get3A_0] : memref<10240x8xf32, #tpu.memory_space<vmem>>, vector<10240x8xf32>
    %get3A_2 = arith.constant 0 : index
    %get3A_3 = arith.constant 0 : index
    %get3A_4 = arith.constant 0 : index
    %get3A_5 = vector.load %arg0[%get3A_2, %get3A_3, %get3A_4] : memref<2x10240x8xf32, #tpu.memory_space<vmem>>, vector<1x10240x8xf32>
    %get3A_6 = vector.shape_cast %get3A_5 : vector<1x10240x8xf32> to vector<10240x8xf32>
    %get3A_7 = arith.constant 1 : index
    %get3A_8 = arith.constant 0 : index
    %get3A_9 = arith.constant 0 : index
    %get3A_10 = vector.load %arg0[%get3A_7, %get3A_8, %get3A_9] : memref<2x10240x8xf32, #tpu.memory_space<vmem>>, vector<1x10240x8xf32>
    %get3A_11 = vector.shape_cast %get3A_10 : vector<1x10240x8xf32> to vector<10240x8xf32>
    %add3A = arith.addf %get3A_6, %get3A_11 : vector<10240x8xf32>
    %get3A_12 = arith.constant 0 : index
    %get3A_13 = arith.constant 0 : index
    %get3A_14 = vector.load %arg1[%get3A_12, %get3A_13] : memref<10240x8xf32, #tpu.memory_space<vmem>>, vector<10240x8xf32>
    %add3A_15 = arith.addf %add3A, %get3A_14 : vector<10240x8xf32>
    %mul3A = arith.mulf %get3A_1, %add3A_15 : vector<10240x8xf32>
    %get3A_16 = arith.constant 0 : index
    %get3A_17 = arith.constant 0 : index
    %get3A_18 = vector.load %arg3[%get3A_16, %get3A_17] : memref<1x8xf32, #tpu.memory_space<vmem>>, vector<1x8xf32>
    %add3A_19 = vector.broadcast %get3A_18 : vector<1x8xf32> to vector<10240x8xf32>
    %add3A_20 = arith.addf %mul3A, %add3A_19 : vector<10240x8xf32>
    %iota3A = tpu.iota {dimensions = array<i32: 1>} : vector<10240x8xi32>
    %ge3A = arith.constant 7 : i32
    %ge3A_21 = vector.broadcast %ge3A : i32 to vector<10240x8xi32>
    %ge3A_22 = arith.cmpi sge, %iota3A, %ge3A_21 : vector<10240x8xi32>
    %jit3A = arith.constant 0xFF800000 : f32
    %broadcast_in_dim3A = vector.broadcast %jit3A : f32 to vector<10240x8xf32>
    %select_n3A = arith.select %ge3A_22, %broadcast_in_dim3A, %add3A_20 : vector<10240x8xi1>, vector<10240x8xf32>
    %reduce_max3A = arith.constant dense<0xFF800000> : vector<10240xf32>
    %reduce_max3A_23 = vector.multi_reduction <maximumf>, %select_n3A, %reduce_max3A [1] : vector<10240x8xf32> to vector<10240xf32>
    %broadcast_in_dim3A_24 = vector.shape_cast %reduce_max3A_23 : vector<10240xf32> to vector<10240x1xf32>
    %sub3A = vector.broadcast %broadcast_in_dim3A_24 : vector<10240x1xf32> to vector<10240x8xf32>
    %sub3A_25 = arith.subf %add3A_20, %sub3A : vector<10240x8xf32>
    %exp3A = math.exp %sub3A_25 : vector<10240x8xf32>
    %jit3A_26 = arith.constant 0.000000e+00 : f32
    %broadcast_in_dim3A_27 = vector.broadcast %jit3A_26 : f32 to vector<10240x8xf32>
    %select_n3A_28 = arith.select %ge3A_22, %broadcast_in_dim3A_27, %exp3A : vector<10240x8xi1>, vector<10240x8xf32>
    %reduce_sum3A = arith.constant dense<0.000000e+00> : vector<10240xf32>
    %reduce_sum3A_29 = vector.multi_reduction <add>, %select_n3A_28, %reduce_sum3A [1] : vector<10240x8xf32> to vector<10240xf32>
    %broadcast_in_dim3A_30 = vector.shape_cast %reduce_sum3A_29 : vector<10240xf32> to vector<10240x1xf32>
    %sub3A_31 = vector.broadcast %broadcast_in_dim3A_24 : vector<10240x1xf32> to vector<10240x8xf32>
    %sub3A_32 = arith.subf %add3A_20, %sub3A_31 : vector<10240x8xf32>
    %log3A = math.log %broadcast_in_dim3A_30 : vector<10240x1xf32>
    %sub3A_33 = vector.broadcast %log3A : vector<10240x1xf32> to vector<10240x8xf32>
    %sub3A_34 = arith.subf %sub3A_32, %sub3A_33 : vector<10240x8xf32>
    %swap3A = arith.constant 0 : index
    %swap3A_35 = arith.constant 0 : index
    %swap3A_36 = vector.load %arg4[%swap3A, %swap3A_35] : memref<10240x8xf32, #tpu.memory_space<vmem>>, vector<10240x8xf32>
    tpu.vector_store %arg4[%swap3A, %swap3A_35], %sub3A_34 {strides = array<i32>} : memref<10240x8xf32, #tpu.memory_space<vmem>>, vector<10240x8xf32>,
    return
  }
}

</mosaic_0001>

<sc_bundles>
// kernel: kernel.11.cloned.1.call-start
scs
__scs_entry_jumppad:
0x0: {  	(pc) =	sbr.rel $0x88, $3  }
0x1: {  	(tag) =	ssettag $0x0;
	lr =	simm.s32 $0x1  }
0x2: {  	[smem:$0x3F9D] =	sst lr;
	_ =	strace $0xD0000000  }
0x3: {  	_ = 	snop  }
0x4: {  	_ = 	snop  }
0x5: {  	_ = 	snop  }
0x6: {  	_ = 	snop  }
0x7: {  	_ = 	snop  }
__scs_overlays_trampoline_lowered:
0x8: {  	[smem:$0x3FAC] =	sst s0  }
0x9: {  	[smem:$0x3FAD] =	sst s1  }
0xa: {  	[smem:$0x3FAE] =	sst s2  }
0xb: {  	[smem:$0x3FAF] =	sst s3  }
0xc: {  	[smem:$0x3FB0] =	sst s4  }
0xd: {  	[smem:$0x3FB1] =	sst s5  }
0xe: {  	[smem:$0x3FB2] =	sst s6  }
0xf: {  	[smem:$0x3FB3] =	sst s7  }
0x10: {  	[smem:$0x3FB4] =	sst s8  }
0x11: {  	[smem:$0x3FB5] =	sst s9;
	s0 =	simm.s32 @!p0 $0x0  }
0x12: {  	s1 =	sld [smem:$0x3F9B];
	s0 =	simm.s32 @p0 $0x1  }
0x13: {  	[smem:$0x3FB6] =	sst s0;
	s0 =	simm.s32 @!p1 $0x0  }
0x14: {  	s2 =	sld [smem:$0x3F9A];
	s0 =	simm.s32 @p1 $0x1  }
0x15: {  	[smem:$0x3FB7] =	sst s0;
	s0 =	simm.s32 @!p2 $0x0  }
0x16: {  	s3 =	sld [smem:$0x3FDB];
	s0 =	simm.s32 @p2 $0x1  }
0x17: {  	s4 =	simm.s32 $0x1BF5;
	[smem:$0x3FB9] =	sst s0  }
0x18: {  	s0 =	sld [smem:$0x3F9C];
	_ =	swait.ge [sflag:s4], $0x0  }
0x19: {  	s7 =	sld [smem:$0x3F9D]  }
0x1a: {  	s8 =	sadd.s32 $0xFFFFE003, lr  }
0x1b: {  	s9 =	sadd.s32 $0xFFFFFEF7, lr;
	s5 =	simm.s32 $0xFFFFFFFF;
	p2 =	slt.u32 s8, $0xFFFFF086  }
0x1c: {  	p1 =	slt.u32 s9, $0xF7A;
	s5 =	simm.s32 @!p2 $0x0  }
0x1d: {  	s5 =	simm.s32 @p1 $0x1;
	p0 =	seq.s32 s7, s2  }
0x1e: {  	s7 =	smul.u32 @!p0 $0xF7A, s2;
	p2 =	seq.s32 @!p0 s5, $0x0  }
0x1f: {  	s9 =	smul.u32 $0xF7A, s1;
	s8 =	simm.s32 @!p0 $0x1BF5;
	p2 =	por !p2, p0  }
0x20: {  	[sflag:s8] =	ssyncset.s32 @!p0 $0xFFFFF086;
	s6 =	sadd.s32 @!p0 s3, s7;
	s7 =	simm.s32 @!p0 $0x108  }
0x21: {  	s3 =	sadd.s32 s3, s9;
	s6 =	sadd.s32 @!p0 $0x88, s6;
	s7 =	simm.s32 @p2 $0x1082  }
0x22: {  	[simem:s7], [sflag:s8] =	dma.local @!p0 [hbm:s6], $0xF7A  }
0x23: {  	s9 =	sor.u32 $0xD0000000, s2;
	s6 =	simm.s32 $0x108;
	_ =	swait.ge @!p0 [sflag:s8], $0x0  }
0x24: {  	s3 =	sadd.s32 $0x88, s3;
	s6 =	simm.s32 @!p1 $0x1082;
	[sflag:s4] =	ssyncset.s32 $0xFFFFF086  }
0x25: {  	[simem:s6], [sflag:s4] =	dma.local [hbm:s3], $0xF7A  }
0x26: {  	[smem:$0x3F9D] =	sst s1;
	(tag) =	ssettag s2;
	_ =	strace s9  }
0x27: {  	s1 =	sld [smem:$0x3FAD]  }
0x28: {  	s2 =	sld [smem:$0x3FAE]  }
0x29: {  	s4 =	sld [smem:$0x3FB0]  }
0x2a: {  	p0 =	seq.s32 s5, $0x0;
	s5 =	sld [smem:$0x3FB1]  }
0x2b: {  	s6 =	sld [smem:$0x3FB2]  }
0x2c: {  	s7 =	sld [smem:$0x3FB3]  }
0x2d: {  	s3 =	simm.s32 $0x108;
	s8 =	sld [smem:$0x3FB4]  }
0x2e: {  	s3 =	simm.s32 @!p0 $0x1082;
	s9 =	sld [smem:$0x3FB5]  }
0x2f: {  	lr =	sadd.s32 s0, s3;
	s0 =	sld [smem:$0x3FAC]  }
0x30: {  	s3 =	sld [smem:$0x3FAF]  }
0x31: {  	[smem:$0x3FB8] =	sst s10  }
0x32: {  	s10 =	sld [smem:$0x3FB6];
	_ =	sdelay $0x3  }
0x33: {  	p0 =	seq.s32 s10, $0x1;
	s10 =	sld [smem:$0x3FB8];
	_ =	sdelay $0x3  }
0x34: {  	[smem:$0x3FB8] =	sst s10  }
0x35: {  	s10 =	sld [smem:$0x3FB7];
	_ =	sdelay $0x3  }
0x36: {  	p1 =	seq.s32 s10, $0x1;
	s10 =	sld [smem:$0x3FB8];
	_ =	sdelay $0x3  }
0x37: {  	[smem:$0x3FB8] =	sst s10  }
0x38: {  	s10 =	sld [smem:$0x3FB9]  }
0x39: {  	_ = 	snop;
	(pc) =	sbr.ind lr, $3  }
0x3a: {  	_ = 	snop  }
0x3b: {  	_ = 	snop  }
0x3c: {  	p2 =	seq.s32 s10, $0x1;
	s10 =	sld [smem:$0x3FB8]  }
0x3d: {  	_ =	shalt  }
0x3e: {  	_ =	shalt  }
0x3f: {  	_ =	shalt  }
0x40: {  	_ =	shalt  }
0x41: {  	_ =	shalt  }
0x42: {  	_ =	shalt  }
0x43: {  	_ =	shalt  }
0x44: {  	_ =	shalt  }
0x45: {  	_ =	shalt  }
0x46: {  	_ =	shalt  }
0x47: {  	_ =	shalt  }
0x48: {  	_ =	shalt  }
0x49: {  	_ =	shalt  }
0x4a: {  	_ =	shalt  }
0x4b: {  	_ =	shalt  }
0x4c: {  	_ =	shalt  }
0x4d: {  	_ =	shalt  }
0x4e: {  	_ =	shalt  }
0x4f: {  	_ =	shalt  }
0x50: {  	_ =	shalt  }
0x51: {  	_ =	shalt  }
0x52: {  	_ =	shalt  }
0x53: {  	_ =	shalt  }
0x54: {  	_ =	shalt  }
0x55: {  	_ =	shalt  }
0x56: {  	_ =	shalt  }
0x57: {  	_ =	shalt  }
0x58: {  	_ =	shalt  }
0x59: {  	_ =	shalt  }
0x5a: {  	_ =	shalt  }
0x5b: {  	_ =	shalt  }
0x5c: {  	_ =	shalt  }
0x5d: {  	_ =	shalt  }
0x5e: {  	_ =	shalt  }
0x5f: {  	_ =	shalt  }
0x60: {  	_ =	shalt  }
0x61: {  	_ =	shalt  }
0x62: {  	_ =	shalt  }
0x63: {  	_ =	shalt  }
0x64: {  	_ =	shalt  }
0x65: {  	_ =	shalt  }
0x66: {  	_ =	shalt  }
0x67: {  	_ =	shalt  }
0x68: {  	_ =	shalt  }
0x69: {  	_ =	shalt  }
0x6a: {  	_ =	shalt  }
0x6b: {  	_ =	shalt  }
0x6c: {  	_ =	shalt  }
0x6d: {  	_ =	shalt  }
0x6e: {  	_ =	shalt  }
0x6f: {  	_ =	shalt  }
0x70: {  	_ =	shalt  }
0x71: {  	_ =	shalt  }
0x72: {  	_ =	shalt  }
0x73: {  	_ =	shalt  }
0x74: {  	_ =	shalt  }
0x75: {  	_ =	shalt  }
0x76: {  	_ =	shalt  }
0x77: {  	_ =	shalt  }
0x78: {  	_ =	shalt  }
0x79: {  	_ =	shalt  }
0x7a: {  	_ =	shalt  }
0x7b: {  	_ =	shalt  }
0x7c: {  	_ =	shalt  }
0x7d: {  	_ =	shalt  }
0x7e: {  	_ =	shalt  }
0x7f: {  	_ =	shalt  }
0x80: {  	_ =	shalt  }
0x81: {  	_ =	shalt  }
0x82: {  	_ =	shalt  }
0x83: {  	_ =	shalt  }
0x84: {  	_ =	shalt  }
0x85: {  	_ =	shalt  }
0x86: {  	_ =	shalt  }
0x87: {  	_ =	shalt  }
.Lfunc_end0:
.L_simem_size_0:
called_computation.1_lowered:
.L_overlay_start_0:
0x88: {  	s2 =	sld [smem:$0x3FD9]  }
0x89: {  	s3 =	sld [smem:$0x3FFE];
	_ =	sdelay $0x1  }
0x8a: {  	s1 =	srdreg.scid  }
0x8b: {  	s0 =	sand.u32 $0x1, s1  }
0x8c: {  	s16 =	sshll.u32 s0, $0xA;
	s2 =	sadd.s32 s3, s2  }
0x8d: {  	s2 =	sadd.s32 s2, s16  }
0x8e: {  	[smem:$0x3FC4] =	sst s2  }
0x8f: {  	_ = 	snop  }
0x90: {  	(tm) =	ssettm $0x1  }
0x91: {  	s17 =	sld [smem:$0x3FFB];
	_ =	sdelay $0x3  }
0x92: {  	_ =	strace s17  }
0x93: {  	s2 =	sld [smem:$0x3FFC];
	_ =	sdelay $0x3  }
0x94: {  	_ =	strace s2  }
0x95: {  	s2 =	sld [smem:$0x3FFD];
	_ =	sdelay $0x3  }
0x96: {  	_ =	strace s2  }
0x97: {  	_ =	strace $0x8FFFFFFF  }
0x98: {  	s18 =	sld [smem:$0x3FDB];
	_ =	sdelay $0x1  }
0x99: {  	s19 =	simm.s32 $_scs_section_size  }
0x9a: {  	s4 =	simm.s32 $_size__tile_overlayer_lowered;
	s5 =	simm.s32 $_tile_overlayer_lowered  }
0x9b: {  	s22 =	simm.s32 $0x1BFF;
	s21 =	sshll.u32 s5, $0x1;
	s2 =	sadd.s32 s19, s18  }
0x9c: {  	s6 =	simm.s32 $0x0;
	s20 =	sshll.u32 s4, $0x1;
	s4 =	sadd.s32 s21, s2  }
0x9d: {  	[timem:s6], [sflag:s22] =	dma.local [hbm:s4], s20  }
0x9e: {  	_ =	swait.ge [sflag:s22], s20  }
0x9f: {  	s3 =	ssub.s32 $0x0, s20;
	[sflag:s22] =	ssyncset.done $0x0  }
0xa0: {  	[sflag:s22] =	ssyncadd.s32 s3;
	_ =	sdelay $0x1  }
0xa1: {  	s23 =	simm.s32 $0x1B8B  }
0xa2: {  	_ =	swait.ge [sflag:s23], $0x1  }
0xa3: {  	[sflag:s23] =	ssyncset.done $0x0  }
0xa4: {  	s25 =	simm.s32 $0x1B8E;
	s24 =	sld [smem:$0x3FFE];
	[sflag:s23] =	ssyncadd.s32 $0xFFFFFFFF  }
0xa5: {  	s26 =	simm.s32 $execute0_lowered;
	[smem:$0x3FD2] =	sst s25  }
0xa6: {  	s4 =	sshll.u32 s26, $0x1;
	_ =	strace $0x80000049;
	[dreg:$0x1] =	wrdreg $0xFFFFFFFF  }
0xa7: {  	s28 =	simm.s32 $_size_execute0_lowered;
	s2 =	sadd.s32 s2, s4;
	[dreg:$0x0] =	wrdreg $0x0  }
0xa8: {  	s4 =	sshll.u32 s28, $0x1;
	[dreg:$0x2] =	wrdreg s2  }
0xa9: {  	[dreg:$0x3] =	wrdreg s4  }
0xaa: {  	[dreg:$0x4] =	wrdreg $0xC0  }
0xab: {  	_ =	task [dreg:s6], $0x5FFFF  }
0xac: {  	[dreg:$0x1] =	wrdreg $0xFFFFFFFF  }
0xad: {  	[dreg:$0x0] =	wrdreg $0x60  }
0xae: {  	[dreg:$0x2] =	wrdreg s24  }
0xaf: {  	[dreg:$0x3] =	wrdreg $0x60000  }
0xb0: {  	[dreg:$0x4] =	wrdreg $0x74000  }
0xb1: {  	[dreg:$0x5] =	wrdreg $0x9  }
0xb2: {  	_ =	task.clear_ibuf [dreg:s6], $0x6FFFF;
	_ =	strace $0x90000049  }
0xb3: {  	s29 =	simm.s32 $0x9;
	_ =	strace $0x8000004B  }
0xb4: {  	_ =	swait.ge [sflag:s29], $0x1  }
0xb5: {  	[sflag:s29] =	ssyncadd.s32 $0xFFFFFFFF  }
0xb6: {  	_ =	strace $0x9000004B  }
0xb7: {  	_ =	sfence  }
0xb8: {  	s30 =	sld [smem:$0x0];
	_ =	sdelay $0x2  }
0xb9: {  	s31 =	sshll.u32 s1, $0xD;
	s1 =	sshrl.u32 s1, $0x2  }
0xba: {  	s3 =	sand.u32 $0x4000, s31;
	s1 =	sadd.s32 s1, s30  }
0xbb: {  	s0 =	sor.u32 s3, s0;
	s1 =	sshll.u32 s1, $0x11  }
0xbc: {  	s0 =	sor.u32 s1, s0  }
0xbd: {  	s0 =	sadd.s32 $0x8F2B, s0  }
0xbe: {  	[sflag:s0] =	ssyncadd.remote.s32 $0x1  }
0xbf: {  	_ =	sfence.sel $0xFFFF  }
0xc0: {  	[dreg:$0x0] =	wrdreg $0xFFFFFFFF;
	(pc) =	sbr.abs _section_cstart, $3  }
0xc1: {  	[dreg:$0x1] =	wrdreg $0xFFFFFFFF  }
0xc2: {  	_ =	task.clear_ibuf [dreg:s6], $0x2FFFF;
	_ =	strace $0x9FFFFFFF  }
0xc3: {  	(tm) =	ssettm $0x7FFFFFFF  }
tec
execute0_lowered:
.L_overlay_start_1:
0x0: {  	(tag) =	ssettag $0x1  }
0x1: {  	s0 =	rddreg [dreg:$0x0]  }
0x2: {  	s2 =	rddreg [dreg:$0x1]  }
0x3: {  	s3 =	rddreg [dreg:$0x2]  }
0x4: {  	s1 =	srdreg.scid;
	s10 =	stileid.u32;
	s4 =	simm.s32 $0x0  }
0x5: {  	s13 =	simm.s32 $0x9;
	s16 =	simm.s32 $0x80;
	s17 =	simm.s32 $0x5000  }
0x6: {  	s18 =	simm.s32 $0x5400;
	s20 =	simm.s32 $0x5800;
	s22 =	simm.s32 $0x5C00  }
0x7: {  	s23 =	simm.s32 $0x1;
	s28 =	simm.s32 $0x5;
	s29 =	simm.s32 $0x6  }
0x8: {  	s30 =	simm.s32 $0x7;
	s31 =	simm.s32 $0x8;
	s19 =	simm.s32 $0x4F80  }
0x9: {  	s21 =	simm.s32 $0x0;
	s1 =	sand.u32 $0x1, s1;
	s7 =	smul.u32 $0x1400, s10  }
0xa: {  	[smem:$0x7FF] =	sst s4;
	s26 =	sshll.u32 s10, $0x6;
	s5 =	sshll.u32 s1, $0x4  }
0xb: {  	s6 =	smul.u32 $0x14000, s1;
	_ =	strace $0x8000004A;
	s1 =	ssub.s32 $0x2, s1  }
0xc: {  	s5 =	sor.u32 s10, s5;
	s8 =	sshrl.u32 s7, $0x3;
	s25 =	sshrl.u32 s1, $0x1  }
0xd: {  	s12 =	sadd.s32 s7, s2;
	s14 =	sadd.s32 s7, s3;
	s5 =	smul.u32 $0x500, s5  }
0xe: {  	s8 =	sadd.s32 s8, s0;
	s6 =	sadd.s32 s7, s6;
	s1 =	ssub.s32 s1, s25  }
0xf: {  	s12 =	sshrl.u32 s12, $0x3;
	s14 =	sshrl.u32 s14, $0x3;
	s25 =	simm.s32 $0x3  }
0x10: {  	s24 =	sshrl.u32 s6, $0x3;
	s6 =	sor.u32 $0x1C09, s26;
	s7 =	sadd.s32 $0xDA00, s8  }
0x11: {  	s11 =	smax.u32 s1, $0x1;
	s26 =	simm.s32 $0x4;
	s9 =	sadd.s32 s5, s0  }
0x12: {  	s0 =	sadd.s32 s24, s0;
	s5 =	sadd.s32 $0xB200, s8;
	s24 =	simm.s32 $0x2  }
0x13: {  	s8 =	sadd.s32 $0x12A00, s9;
	s9 =	sadd.s32 $0x1200, s9;
	s10 =	sadd.s32 $0x1CA00, s0  }
.LBB2_1:
0x14: {  	[spmem:s12], [sflag:s6] =	dma.local [hbm:s5], $0x280  }
0x15: {  	_ =	swait.ge [sflag:s13], $0x280  }
0x16: {  	[sflag:s13] =	ssyncset.done $0x0  }
0x17: {  	[sflag:s13] =	ssyncadd.s32 $0xFFFFFD80  }
0x18: {  	[spmem:s14], [sflag:s6] =	dma.local [hbm:s7], $0x280  }
0x19: {  	_ =	swait.ge [sflag:s13], $0x280  }
0x1a: {  	[sflag:s13] =	ssyncset.done $0x0  }
0x1b: {  	[sflag:s13] =	ssyncadd.s32 $0xFFFFFD80  }
0x1c: {  	[tilespmem:s4], [sflag:$0x9] =	stream.linear.gather [hbm4b:s8+s4], $0x2800, $0x38;
	[tilespmem:$0x8800] =	vst v63  }
0x1d: {  	_ =	swait.ge [sflag:s13], $0x2800  }
0x1e: {  	[sflag:s13] =	ssyncset.done $0x0  }
0x1f: {  	s0 =	simm.s32 $0x2800;
	[sflag:s13] =	ssyncadd.s32 $0xFFFFD800  }
0x20: {  	[tilespmem:s0], [sflag:$0x9] =	stream.linear.gather [hbm4b:s9+s4], $0x2800, $0x38;
	[tilespmem:$0x8800] =	vst v63  }
0x21: {  	_ =	swait.ge [sflag:s13], $0x2800  }
0x22: {  	[sflag:s13] =	ssyncset.done $0x0  }
0x23: {  	[sflag:s13] =	ssyncadd.s32 $0xFFFFD800  }
0x24: {  	[bflag:$0x0] =	sbarrier.arrive $0xFFFF  }
0x25: {  	[tilespmem:s17], [sflag:$0x1] =	stream.indirect.gather [spmem:s3], $0x8, s4, s16, $0xb8;
	[tilespmem:$0x8800] =	vst v63  }
0x26: {  	_ = 	snop  }
0x27: {  	[tilespmem:s18], [sflag:$0x2] =	stream.indirect.gather [spmem:s3], $0x8, s16, s16, $0xb8;
	[tilespmem:$0x8800] =	vst v63  }
0x28: {  	s15 =	simm.s32 $0x100  }
0x29: {  	[tilespmem:s20], [sflag:$0x3] =	stream.indirect.gather [spmem:s3], $0x8, s15, s16, $0xb8;
	[tilespmem:$0x8800] =	vst v63  }
0x2a: {  	s1 =	simm.s32 $0x180  }
0x2b: {  	[tilespmem:s22], [sflag:$0x4] =	stream.indirect.gather [spmem:s3], $0x8, s1, s16, $0xb8;
	[tilespmem:$0x8800] =	vst v63  }
0x2c: {  	_ =	swait.ge [sflag:s23], $0x400  }
0x2d: {  	[sflag:s23] =	ssyncset.done $0x0  }
0x2e: {  	s15 =	simm.s32 $0x2800;
	[sflag:s23] =	ssyncadd.s32 $0xFFFFFC00  }
0x2f: {  	[spmem:s2] =	stream.indirect.scatter.add.f32 [tilespmem:s17], [sflag:$0x5], $0x8, s15, s16, $0xb8;
	[tilespmem:$0x8800] =	vst v63  }
0x30: {  	_ =	swait.ge [sflag:s24], $0x400  }
0x31: {  	[sflag:s24] =	ssyncset.done $0x0  }
0x32: {  	s1 =	simm.s32 $0x2880;
	[sflag:s24] =	ssyncadd.s32 $0xFFFFFC00  }
0x33: {  	[spmem:s2] =	stream.indirect.scatter.add.f32 [tilespmem:s18], [sflag:$0x6], $0x8, s1, s16, $0xb8;
	[tilespmem:$0x8800] =	vst v63  }
0x34: {  	_ =	swait.ge [sflag:s25], $0x400  }
0x35: {  	[sflag:s25] =	ssyncset.done $0x0  }
0x36: {  	s15 =	simm.s32 $0x2900;
	[sflag:s25] =	ssyncadd.s32 $0xFFFFFC00  }
0x37: {  	[spmem:s2] =	stream.indirect.scatter.add.f32 [tilespmem:s20], [sflag:$0x7], $0x8, s15, s16, $0xb8;
	[tilespmem:$0x8800] =	vst v63  }
0x38: {  	_ =	swait.ge [sflag:s26], $0x400  }
0x39: {  	[sflag:s26] =	ssyncset.done $0x0  }
0x3a: {  	s1 =	simm.s32 $0x2980;
	[sflag:s26] =	ssyncadd.s32 $0xFFFFFC00  }
0x3b: {  	[spmem:s2] =	stream.indirect.scatter.add.f32 [tilespmem:s22], [sflag:$0x8], $0x8, s1, s16, $0xb8;
	[tilespmem:$0x8800] =	vst v63  }
0x3c: {  	_ =	swait.ge [sflag:s28], $0x400  }
0x3d: {  	[sflag:s28] =	ssyncset.done $0x0  }
0x3e: {  	s15 =	simm.s32 $0x200;
	[sflag:s28] =	ssyncadd.s32 $0xFFFFFC00  }
0x3f: {  	[tilespmem:s17], [sflag:$0x1] =	stream.indirect.gather [spmem:s3], $0x8, s15, s16, $0xb8;
	[tilespmem:$0x8800] =	vst v63  }
0x40: {  	_ =	swait.ge [sflag:s29], $0x400  }
0x41: {  	[sflag:s29] =	ssyncset.done $0x0  }
0x42: {  	s1 =	simm.s32 $0x280;
	[sflag:s29] =	ssyncadd.s32 $0xFFFFFC00  }
0x43: {  	[tilespmem:s18], [sflag:$0x2] =	stream.indirect.gather [spmem:s3], $0x8, s1, s16, $0xb8;
	[tilespmem:$0x8800] =	vst v63  }
0x44: {  	_ =	swait.ge [sflag:s30], $0x400  }
0x45: {  	[sflag:s30] =	ssyncset.done $0x0  }
0x46: {  	s15 =	simm.s32 $0x300;
	[sflag:s30] =	ssyncadd.s32 $0xFFFFFC00  }
0x47: {  	[tilespmem:s20], [sflag:$0x3] =	stream.indirect.gather [spmem:s3], $0x8, s15, s16, $0xb8;
	[tilespmem:$0x8800] =	vst v63  }
0x48: {  	_ =	swait.ge [sflag:s31], $0x400  }
0x49: {  	[sflag:s31] =	ssyncset.done $0x0  }
0x4a: {  	s0 =	simm.s32 $0x800;
	s1 =	simm.s32 $0x380;
	[sflag:s31] =	ssyncadd.s32 $0xFFFFFC00  }
.LBB2_2:
0x4b: {  	[tilespmem:s22], [sflag:$0x4] =	stream.indirect.gather [spmem:s3], $0x8, s1, s16, $0xb8;
	[tilespmem:$0x8800] =	vst v63  }
0x4c: {  	s1 =	smov.u32 s0  }
0x4d: {  	p0 =	sne.s32 s0, $0x9000;
	s0 =	sadd.s32 $0x800, s0;
	_ =	swait.ge [sflag:s23], $0x400  }
0x4e: {  	s1 =	sshra.s32 s1, $0x2;
	[sflag:s23] =	ssyncset.done $0x0  }
0x4f: {  	s15 =	sadd.s32 $0x2800, s1;
	[sflag:s23] =	ssyncadd.s32 $0xFFFFFC00  }
0x50: {  	[spmem:s2] =	stream.indirect.scatter.add.f32 [tilespmem:s17], [sflag:$0x5], $0x8, s15, s16, $0xb8;
	[tilespmem:$0x8800] =	vst v63  }
0x51: {  	_ =	swait.ge [sflag:s24], $0x400  }
0x52: {  	[sflag:s24] =	ssyncset.done $0x0  }
0x53: {  	s15 =	sadd.s32 $0x2880, s1;
	[sflag:s24] =	ssyncadd.s32 $0xFFFFFC00  }
0x54: {  	[spmem:s2] =	stream.indirect.scatter.add.f32 [tilespmem:s18], [sflag:$0x6], $0x8, s15, s16, $0xb8;
	[tilespmem:$0x8800] =	vst v63  }
0x55: {  	_ =	swait.ge [sflag:s25], $0x400  }
0x56: {  	[sflag:s25] =	ssyncset.done $0x0  }
0x57: {  	s15 =	sadd.s32 $0x2900, s1;
	[sflag:s25] =	ssyncadd.s32 $0xFFFFFC00  }
0x58: {  	[spmem:s2] =	stream.indirect.scatter.add.f32 [tilespmem:s20], [sflag:$0x7], $0x8, s15, s16, $0xb8;
	[tilespmem:$0x8800] =	vst v63  }
0x59: {  	_ =	swait.ge [sflag:s26], $0x400  }
0x5a: {  	[sflag:s26] =	ssyncset.done $0x0  }
0x5b: {  	s15 =	sadd.s32 $0x2980, s1;
	[sflag:s26] =	ssyncadd.s32 $0xFFFFFC00  }
0x5c: {  	[spmem:s2] =	stream.indirect.scatter.add.f32 [tilespmem:s22], [sflag:$0x8], $0x8, s15, s16, $0xb8;
	[tilespmem:$0x8800] =	vst v63  }
0x5d: {  	_ =	swait.ge [sflag:s28], $0x400  }
0x5e: {  	[sflag:s28] =	ssyncset.done $0x0  }
0x5f: {  	s15 =	sadd.s32 $0x200, s1;
	[sflag:s28] =	ssyncadd.s32 $0xFFFFFC00  }
0x60: {  	[tilespmem:s17], [sflag:$0x1] =	stream.indirect.gather [spmem:s3], $0x8, s15, s16, $0xb8;
	[tilespmem:$0x8800] =	vst v63  }
0x61: {  	_ =	swait.ge [sflag:s29], $0x400  }
0x62: {  	[sflag:s29] =	ssyncset.done $0x0  }
0x63: {  	s15 =	sadd.s32 $0x280, s1;
	[sflag:s29] =	ssyncadd.s32 $0xFFFFFC00  }
0x64: {  	[tilespmem:s18], [sflag:$0x2] =	stream.indirect.gather [spmem:s3], $0x8, s15, s16, $0xb8;
	[tilespmem:$0x8800] =	vst v63  }
0x65: {  	_ =	swait.ge [sflag:s30], $0x400  }
0x66: {  	[sflag:s30] =	ssyncset.done $0x0  }
.Ltmp0:
0x67: {  	s15 =	sadd.s32 $0x300, s1;
	[sflag:s30] =	ssyncadd.s32 $0xFFFFFC00;
	(pc) =	sbr.rel @p0 .LBB2_2-.Ltmp0, $4  }
0x68: {  	[tilespmem:s20], [sflag:$0x3] =	stream.indirect.gather [spmem:s3], $0x8, s15, s16, $0xb8;
	[tilespmem:$0x8800] =	vst v63  }
0x69: {  	_ =	swait.ge [sflag:s31], $0x400  }
0x6a: {  	[sflag:s31] =	ssyncset.done $0x0  }
0x6b: {  	s1 =	sadd.s32 $0x380, s1;
	[sflag:s31] =	ssyncadd.s32 $0xFFFFFC00  }
0x6c: {  	[tilespmem:s22], [sflag:$0x4] =	stream.indirect.gather [spmem:s3], $0x8, s1, s16, $0xb8;
	[tilespmem:$0x8800] =	vst v63  }
0x6d: {  	_ =	swait.ge [sflag:s23], $0x400  }
0x6e: {  	[sflag:s23] =	ssyncset.done $0x0  }
0x6f: {  	s0 =	simm.s32 $0x4E00;
	[sflag:s23] =	ssyncadd.s32 $0xFFFFFC00  }
0x70: {  	[spmem:s2] =	stream.indirect.scatter.add.f32 [tilespmem:s17], [sflag:$0x5], $0x8, s0, s16, $0xb8;
	[tilespmem:$0x8800] =	vst v63  }
0x71: {  	_ =	swait.ge [sflag:s24], $0x400  }
0x72: {  	[sflag:s24] =	ssyncset.done $0x0  }
0x73: {  	s1 =	simm.s32 $0x4E80;
	[sflag:s24] =	ssyncadd.s32 $0xFFFFFC00  }
0x74: {  	[spmem:s2] =	stream.indirect.scatter.add.f32 [tilespmem:s18], [sflag:$0x6], $0x8, s1, s16, $0xb8;
	[tilespmem:$0x8800] =	vst v63  }
0x75: {  	_ =	swait.ge [sflag:s25], $0x400  }
0x76: {  	[sflag:s25] =	ssyncset.done $0x0  }
0x77: {  	s15 =	simm.s32 $0x4F00;
	[sflag:s25] =	ssyncadd.s32 $0xFFFFFC00  }
0x78: {  	[spmem:s2] =	stream.indirect.scatter.add.f32 [tilespmem:s20], [sflag:$0x7], $0x8, s15, s16, $0xb8;
	[tilespmem:$0x8800] =	vst v63  }
0x79: {  	_ =	swait.ge [sflag:s26], $0x400  }
0x7a: {  	[sflag:s26] =	ssyncset.done $0x0  }
0x7b: {  	[sflag:s26] =	ssyncadd.s32 $0xFFFFFC00  }
0x7c: {  	[spmem:s2] =	stream.indirect.scatter.add.f32 [tilespmem:s22], [sflag:$0x8], $0x8, s19, s16, $0xb8;
	[tilespmem:$0x8800] =	vst v63  }
0x7d: {  	_ =	swait.ge [sflag:s28], $0x400  }
0x7e: {  	[sflag:s28] =	ssyncset.done $0x0  }
0x7f: {  	[sflag:s28] =	ssyncadd.s32 $0xFFFFFC00  }
0x80: {  	_ =	swait.ge [sflag:s29], $0x400  }
0x81: {  	[sflag:s29] =	ssyncset.done $0x0  }
0x82: {  	[sflag:s29] =	ssyncadd.s32 $0xFFFFFC00  }
0x83: {  	_ =	swait.ge [sflag:s30], $0x400  }
0x84: {  	[sflag:s30] =	ssyncset.done $0x0  }
0x85: {  	[sflag:s30] =	ssyncadd.s32 $0xFFFFFC00  }
0x86: {  	_ =	swait.ge [sflag:s31], $0x400  }
0x87: {  	s21 =	sadd.s32 $0x1, s21;
	[sflag:s31] =	ssyncset.done $0x0  }
0x88: {  	p0 =	sne.s32 s21, s11;
	[sflag:s31] =	ssyncadd.s32 $0xFFFFFC00  }
.Ltmp1:
0x89: {  	[bflag:$0x0] =	sbarrier.arrive $0xFFFF;
	(pc) =	sbr.rel @p0 .LBB2_1-.Ltmp1, $4  }
0x8a: {  	[hbm:s10], [sflag:s6] =	dma.local [spmem:s12], $0x280  }
0x8b: {  	_ =	swait.ge [sflag:s13], $0x280  }
0x8c: {  	[sflag:s13] =	ssyncset.done $0x0  }
0x8d: {  	[sflag:s13] =	ssyncadd.s32 $0xFFFFFD80  }
0x8e: {  	_ =	sfence.sel $0x180000  }
0x8f: {  	[bflag:$0x0] =	sbarrier.arrive $0xFFFF  }
0x90: {  	_ =	strace $0x9000004A  }
0x91: {  	s0 =	stileid.u32;
	[bflag:$0x2] =	sbarrier.arrive $0xFFFF  }
0x92: {  	p0 =	sne.s32 s0, $0x0;
	s0 =	rddreg [dreg:$0x3]  }
0x93: {  	s0 =	sadd.s32 @!p0 $0x100000, s0  }
0x94: {  	[sflag:s0] =	ssyncadd.tile.s32 @!p0 $0x1;
	_ =	shalt  }
.Lfunc_end2:
_tile_overlayer_lowered:
.L_overlay_start_2:
0x95: {  	(tag) =	ssettag $0x2  }
0x96: {  	s0 =	rddreg [dreg:$0x0];
	s2 =	stileid.u32  }
0x97: {  	s1 =	rddreg [dreg:$0x1];
	p0 =	sne.s32 s2, $0x0  }
0x98: {  	s3 =	rddreg [dreg:$0x2];
	[bflag:$0x3] =	sbarrier.arrive $0xFFFF;
	s2 =	simm.s32 @!p0 $0x1C09  }
0x99: {  	[timem:s3], [sflag:s2] =	dma.local @!p0 [hbm:s0], s1  }
0x9a: {  	s0 =	simm.s32 @!p0 $0x9  }
0x9b: {  	_ =	swait.ge @!p0 [sflag:s0], s1  }
0x9c: {  	s1 =	ssub.s32 @!p0 $0x0, s1;
	[sflag:s0] =	ssyncset.done @!p0 $0x0  }
0x9d: {  	[sflag:s0] =	ssyncadd.s32 @!p0 s1  }
0x9e: {  	[bflag:$0x3] =	sbarrier.arrive $0xFFFF  }
0x9f: {  	_ =	shalt  }

// kernel: kernel.14.cloned.1.call-start
scs
__scs_entry_jumppad:
0x0: {  	(pc) =	sbr.rel $0x88, $3  }
0x1: {  	(tag) =	ssettag $0x0;
	lr =	simm.s32 $0x1  }
0x2: {  	[smem:$0x3F9D] =	sst lr;
	_ =	strace $0xD0000000  }
0x3: {  	_ = 	snop  }
0x4: {  	_ = 	snop  }
0x5: {  	_ = 	snop  }
0x6: {  	_ = 	snop  }
0x7: {  	_ = 	snop  }
__scs_overlays_trampoline_lowered:
0x8: {  	[smem:$0x3FAC] =	sst s0  }
0x9: {  	[smem:$0x3FAD] =	sst s1  }
0xa: {  	[smem:$0x3FAE] =	sst s2  }
0xb: {  	[smem:$0x3FAF] =	sst s3  }
0xc: {  	[smem:$0x3FB0] =	sst s4  }
0xd: {  	[smem:$0x3FB1] =	sst s5  }
0xe: {  	[smem:$0x3FB2] =	sst s6  }
0xf: {  	[smem:$0x3FB3] =	sst s7  }
0x10: {  	[smem:$0x3FB4] =	sst s8  }
0x11: {  	[smem:$0x3FB5] =	sst s9;
	s0 =	simm.s32 @!p0 $0x0  }
0x12: {  	s1 =	sld [smem:$0x3F9B];
	s0 =	simm.s32 @p0 $0x1  }
0x13: {  	[smem:$0x3FB6] =	sst s0;
	s0 =	simm.s32 @!p1 $0x0  }
0x14: {  	s2 =	sld [smem:$0x3F9A];
	s0 =	simm.s32 @p1 $0x1  }
0x15: {  	[smem:$0x3FB7] =	sst s0;
	s0 =	simm.s32 @!p2 $0x0  }
0x16: {  	s3 =	sld [smem:$0x3FDB];
	s0 =	simm.s32 @p2 $0x1  }
0x17: {  	s4 =	simm.s32 $0x1BF5;
	[smem:$0x3FB9] =	sst s0  }
0x18: {  	s0 =	sld [smem:$0x3F9C];
	_ =	swait.ge [sflag:s4], $0x0  }
0x19: {  	s7 =	sld [smem:$0x3F9D]  }
0x1a: {  	s8 =	sadd.s32 $0xFFFFE003, lr  }
0x1b: {  	s9 =	sadd.s32 $0xFFFFFEF7, lr;
	s5 =	simm.s32 $0xFFFFFFFF;
	p2 =	slt.u32 s8, $0xFFFFF086  }
0x1c: {  	p1 =	slt.u32 s9, $0xF7A;
	s5 =	simm.s32 @!p2 $0x0  }
0x1d: {  	s5 =	simm.s32 @p1 $0x1;
	p0 =	seq.s32 s7, s2  }
0x1e: {  	s7 =	smul.u32 @!p0 $0xF7A, s2;
	p2 =	seq.s32 @!p0 s5, $0x0  }
0x1f: {  	s9 =	smul.u32 $0xF7A, s1;
	s8 =	simm.s32 @!p0 $0x1BF5;
	p2 =	por !p2, p0  }
0x20: {  	[sflag:s8] =	ssyncset.s32 @!p0 $0xFFFFF086;
	s6 =	sadd.s32 @!p0 s3, s7;
	s7 =	simm.s32 @!p0 $0x108  }
0x21: {  	s3 =	sadd.s32 s3, s9;
	s6 =	sadd.s32 @!p0 $0x88, s6;
	s7 =	simm.s32 @p2 $0x1082  }
0x22: {  	[simem:s7], [sflag:s8] =	dma.local @!p0 [hbm:s6], $0xF7A  }
0x23: {  	s9 =	sor.u32 $0xD0000000, s2;
	s6 =	simm.s32 $0x108;
	_ =	swait.ge @!p0 [sflag:s8], $0x0  }
0x24: {  	s3 =	sadd.s32 $0x88, s3;
	s6 =	simm.s32 @!p1 $0x1082;
	[sflag:s4] =	ssyncset.s32 $0xFFFFF086  }
0x25: {  	[simem:s6], [sflag:s4] =	dma.local [hbm:s3], $0xF7A  }
0x26: {  	[smem:$0x3F9D] =	sst s1;
	(tag) =	ssettag s2;
	_ =	strace s9  }
0x27: {  	s1 =	sld [smem:$0x3FAD]  }
0x28: {  	s2 =	sld [smem:$0x3FAE]  }
0x29: {  	s4 =	sld [smem:$0x3FB0]  }
0x2a: {  	p0 =	seq.s32 s5, $0x0;
	s5 =	sld [smem:$0x3FB1]  }
0x2b: {  	s6 =	sld [smem:$0x3FB2]  }
0x2c: {  	s7 =	sld [smem:$0x3FB3]  }
0x2d: {  	s3 =	simm.s32 $0x108;
	s8 =	sld [smem:$0x3FB4]  }
0x2e: {  	s3 =	simm.s32 @!p0 $0x1082;
	s9 =	sld [smem:$0x3FB5]  }
0x2f: {  	lr =	sadd.s32 s0, s3;
	s0 =	sld [smem:$0x3FAC]  }
0x30: {  	s3 =	sld [smem:$0x3FAF]  }
0x31: {  	[smem:$0x3FB8] =	sst s10  }
0x32: {  	s10 =	sld [smem:$0x3FB6];
	_ =	sdelay $0x3  }
0x33: {  	p0 =	seq.s32 s10, $0x1;
	s10 =	sld [smem:$0x3FB8];
	_ =	sdelay $0x3  }
0x34: {  	[smem:$0x3FB8] =	sst s10  }
0x35: {  	s10 =	sld [smem:$0x3FB7];
	_ =	sdelay $0x3  }
0x36: {  	p1 =	seq.s32 s10, $0x1;
	s10 =	sld [smem:$0x3FB8];
	_ =	sdelay $0x3  }
0x37: {  	[smem:$0x3FB8] =	sst s10  }
0x38: {  	s10 =	sld [smem:$0x3FB9]  }
0x39: {  	_ = 	snop;
	(pc) =	sbr.ind lr, $3  }
0x3a: {  	_ = 	snop  }
0x3b: {  	_ = 	snop  }
0x3c: {  	p2 =	seq.s32 s10, $0x1;
	s10 =	sld [smem:$0x3FB8]  }
0x3d: {  	_ =	shalt  }
0x3e: {  	_ =	shalt  }
0x3f: {  	_ =	shalt  }
0x40: {  	_ =	shalt  }
0x41: {  	_ =	shalt  }
0x42: {  	_ =	shalt  }
0x43: {  	_ =	shalt  }
0x44: {  	_ =	shalt  }
0x45: {  	_ =	shalt  }
0x46: {  	_ =	shalt  }
0x47: {  	_ =	shalt  }
0x48: {  	_ =	shalt  }
0x49: {  	_ =	shalt  }
0x4a: {  	_ =	shalt  }
0x4b: {  	_ =	shalt  }
0x4c: {  	_ =	shalt  }
0x4d: {  	_ =	shalt  }
0x4e: {  	_ =	shalt  }
0x4f: {  	_ =	shalt  }
0x50: {  	_ =	shalt  }
0x51: {  	_ =	shalt  }
0x52: {  	_ =	shalt  }
0x53: {  	_ =	shalt  }
0x54: {  	_ =	shalt  }
0x55: {  	_ =	shalt  }
0x56: {  	_ =	shalt  }
0x57: {  	_ =	shalt  }
0x58: {  	_ =	shalt  }
0x59: {  	_ =	shalt  }
0x5a: {  	_ =	shalt  }
0x5b: {  	_ =	shalt  }
0x5c: {  	_ =	shalt  }
0x5d: {  	_ =	shalt  }
0x5e: {  	_ =	shalt  }
0x5f: {  	_ =	shalt  }
0x60: {  	_ =	shalt  }
0x61: {  	_ =	shalt  }
0x62: {  	_ =	shalt  }
0x63: {  	_ =	shalt  }
0x64: {  	_ =	shalt  }
0x65: {  	_ =	shalt  }
0x66: {  	_ =	shalt  }
0x67: {  	_ =	shalt  }
0x68: {  	_ =	shalt  }
0x69: {  	_ =	shalt  }
0x6a: {  	_ =	shalt  }
0x6b: {  	_ =	shalt  }
0x6c: {  	_ =	shalt  }
0x6d: {  	_ =	shalt  }
0x6e: {  	_ =	shalt  }
0x6f: {  	_ =	shalt  }
0x70: {  	_ =	shalt  }
0x71: {  	_ =	shalt  }
0x72: {  	_ =	shalt  }
0x73: {  	_ =	shalt  }
0x74: {  	_ =	shalt  }
0x75: {  	_ =	shalt  }
0x76: {  	_ =	shalt  }
0x77: {  	_ =	shalt  }
0x78: {  	_ =	shalt  }
0x79: {  	_ =	shalt  }
0x7a: {  	_ =	shalt  }
0x7b: {  	_ =	shalt  }
0x7c: {  	_ =	shalt  }
0x7d: {  	_ =	shalt  }
0x7e: {  	_ =	shalt  }
0x7f: {  	_ =	shalt  }
0x80: {  	_ =	shalt  }
0x81: {  	_ =	shalt  }
0x82: {  	_ =	shalt  }
0x83: {  	_ =	shalt  }
0x84: {  	_ =	shalt  }
0x85: {  	_ =	shalt  }
0x86: {  	_ =	shalt  }
0x87: {  	_ =	shalt  }
.Lfunc_end0:
.L_simem_size_0:
called_computation.2_lowered:
.L_overlay_start_0:
0x88: {  	s2 =	sld [smem:$0x3FD9]  }
0x89: {  	s3 =	sld [smem:$0x3FFE];
	_ =	sdelay $0x1  }
0x8a: {  	s1 =	srdreg.scid  }
0x8b: {  	s0 =	sand.u32 $0x1, s1  }
0x8c: {  	s16 =	sshll.u32 s0, $0xA;
	s2 =	sadd.s32 s3, s2  }
0x8d: {  	s2 =	sadd.s32 s2, s16  }
0x8e: {  	[smem:$0x3FC4] =	sst s2  }
0x8f: {  	_ = 	snop  }
0x90: {  	(tm) =	ssettm $0x1  }
0x91: {  	s17 =	sld [smem:$0x3FFB];
	_ =	sdelay $0x3  }
0x92: {  	_ =	strace s17  }
0x93: {  	s2 =	sld [smem:$0x3FFC];
	_ =	sdelay $0x3  }
0x94: {  	_ =	strace s2  }
0x95: {  	s2 =	sld [smem:$0x3FFD];
	_ =	sdelay $0x3  }
0x96: {  	_ =	strace s2  }
0x97: {  	_ =	strace $0x8FFFFFFF  }
0x98: {  	s18 =	sld [smem:$0x3FDB];
	_ =	sdelay $0x1  }
0x99: {  	s19 =	simm.s32 $_scs_section_size  }
0x9a: {  	s4 =	simm.s32 $_size__tile_overlayer_lowered;
	s5 =	simm.s32 $_tile_overlayer_lowered  }
0x9b: {  	s22 =	simm.s32 $0x1BFF;
	s21 =	sshll.u32 s5, $0x1;
	s2 =	sadd.s32 s19, s18  }
0x9c: {  	s6 =	simm.s32 $0x0;
	s20 =	sshll.u32 s4, $0x1;
	s4 =	sadd.s32 s21, s2  }
0x9d: {  	[timem:s6], [sflag:s22] =	dma.local [hbm:s4], s20  }
0x9e: {  	_ =	swait.ge [sflag:s22], s20  }
0x9f: {  	s3 =	ssub.s32 $0x0, s20;
	[sflag:s22] =	ssyncset.done $0x0  }
0xa0: {  	[sflag:s22] =	ssyncadd.s32 s3;
	_ =	sdelay $0x1  }
0xa1: {  	s23 =	simm.s32 $0x1B8B  }
0xa2: {  	_ =	swait.ge [sflag:s23], $0x1  }
0xa3: {  	[sflag:s23] =	ssyncset.done $0x0  }
0xa4: {  	s25 =	simm.s32 $0x1B8E;
	s24 =	sld [smem:$0x3FFE];
	[sflag:s23] =	ssyncadd.s32 $0xFFFFFFFF  }
0xa5: {  	s26 =	simm.s32 $execute0_lowered;
	[smem:$0x3FD2] =	sst s25  }
0xa6: {  	s4 =	sshll.u32 s26, $0x1;
	_ =	strace $0x8000004C;
	[dreg:$0x1] =	wrdreg $0xFFFFFFFF  }
0xa7: {  	s28 =	simm.s32 $_size_execute0_lowered;
	s2 =	sadd.s32 s2, s4;
	[dreg:$0x0] =	wrdreg $0x0  }
0xa8: {  	s4 =	sshll.u32 s28, $0x1;
	[dreg:$0x2] =	wrdreg s2  }
0xa9: {  	[dreg:$0x3] =	wrdreg s4  }
0xaa: {  	[dreg:$0x4] =	wrdreg $0xC0  }
0xab: {  	_ =	task [dreg:s6], $0x5FFFF  }
0xac: {  	[dreg:$0x1] =	wrdreg $0xFFFFFFFF  }
0xad: {  	[dreg:$0x0] =	wrdreg $0x60  }
0xae: {  	[dreg:$0x2] =	wrdreg s24  }
0xaf: {  	[dreg:$0x3] =	wrdreg $0x60000  }
0xb0: {  	[dreg:$0x4] =	wrdreg $0x74000  }
0xb1: {  	[dreg:$0x5] =	wrdreg $0x9  }
0xb2: {  	_ =	task.clear_ibuf [dreg:s6], $0x6FFFF;
	_ =	strace $0x9000004C  }
0xb3: {  	s29 =	simm.s32 $0x9;
	_ =	strace $0x8000004E  }
0xb4: {  	_ =	swait.ge [sflag:s29], $0x1  }
0xb5: {  	[sflag:s29] =	ssyncadd.s32 $0xFFFFFFFF  }
0xb6: {  	_ =	strace $0x9000004E  }
0xb7: {  	_ =	sfence  }
0xb8: {  	s30 =	sld [smem:$0x0];
	_ =	sdelay $0x2  }
0xb9: {  	s31 =	sshll.u32 s1, $0xD;
	s1 =	sshrl.u32 s1, $0x2  }
0xba: {  	s3 =	sand.u32 $0x4000, s31;
	s1 =	sadd.s32 s1, s30  }
0xbb: {  	s0 =	sor.u32 s3, s0;
	s1 =	sshll.u32 s1, $0x11  }
0xbc: {  	s0 =	sor.u32 s1, s0  }
0xbd: {  	s0 =	sadd.s32 $0x8F2B, s0  }
0xbe: {  	[sflag:s0] =	ssyncadd.remote.s32 $0x1  }
0xbf: {  	_ =	sfence.sel $0xFFFF  }
0xc0: {  	[dreg:$0x0] =	wrdreg $0xFFFFFFFF;
	(pc) =	sbr.abs _section_cstart, $3  }
0xc1: {  	[dreg:$0x1] =	wrdreg $0xFFFFFFFF  }
0xc2: {  	_ =	task.clear_ibuf [dreg:s6], $0x2FFFF;
	_ =	strace $0x9FFFFFFF  }
0xc3: {  	(tm) =	ssettm $0x7FFFFFFF  }
tec
execute0_lowered:
.L_overlay_start_1:
0x0: {  	(tag) =	ssettag $0x1  }
0x1: {  	s0 =	rddreg [dreg:$0x0]  }
0x2: {  	s2 =	rddreg [dreg:$0x1]  }
0x3: {  	s3 =	rddreg [dreg:$0x2]  }
0x4: {  	s1 =	srdreg.scid;
	s10 =	stileid.u32;
	s4 =	simm.s32 $0x0  }
0x5: {  	s13 =	simm.s32 $0x9;
	s16 =	simm.s32 $0x80;
	s17 =	simm.s32 $0x5000  }
0x6: {  	s18 =	simm.s32 $0x5400;
	s20 =	simm.s32 $0x5800;
	s22 =	simm.s32 $0x5C00  }
0x7: {  	s23 =	simm.s32 $0x1;
	s28 =	simm.s32 $0x5;
	s29 =	simm.s32 $0x6  }
0x8: {  	s30 =	simm.s32 $0x7;
	s31 =	simm.s32 $0x8;
	s19 =	simm.s32 $0x4F80  }
0x9: {  	s21 =	simm.s32 $0x0;
	s1 =	sand.u32 $0x1, s1;
	s7 =	smul.u32 $0x1400, s10  }
0xa: {  	[smem:$0x7FF] =	sst s4;
	s26 =	sshll.u32 s10, $0x6;
	s5 =	sshll.u32 s1, $0x4  }
0xb: {  	s6 =	smul.u32 $0x14000, s1;
	_ =	strace $0x8000004D;
	s1 =	ssub.s32 $0x2, s1  }
0xc: {  	s5 =	sor.u32 s10, s5;
	s8 =	sshrl.u32 s7, $0x3;
	s25 =	sshrl.u32 s1, $0x1  }
0xd: {  	s12 =	sadd.s32 s7, s2;
	s14 =	sadd.s32 s7, s3;
	s5 =	smul.u32 $0x500, s5  }
0xe: {  	s8 =	sadd.s32 s8, s0;
	s6 =	sadd.s32 s7, s6;
	s1 =	ssub.s32 s1, s25  }
0xf: {  	s12 =	sshrl.u32 s12, $0x3;
	s14 =	sshrl.u32 s14, $0x3;
	s25 =	simm.s32 $0x3  }
0x10: {  	s24 =	sshrl.u32 s6, $0x3;
	s6 =	sor.u32 $0x1C09, s26;
	s7 =	sadd.s32 $0xDA00, s8  }
0x11: {  	s11 =	smax.u32 s1, $0x1;
	s26 =	simm.s32 $0x4;
	s9 =	sadd.s32 s5, s0  }
0x12: {  	s0 =	sadd.s32 s24, s0;
	s5 =	sadd.s32 $0xB200, s8;
	s24 =	simm.s32 $0x2  }
0x13: {  	s8 =	sadd.s32 $0x12A00, s9;
	s9 =	sadd.s32 $0x1200, s9;
	s10 =	sadd.s32 $0x1CA00, s0  }
.LBB2_1:
0x14: {  	[spmem:s12], [sflag:s6] =	dma.local [hbm:s5], $0x280  }
0x15: {  	_ =	swait.ge [sflag:s13], $0x280  }
0x16: {  	[sflag:s13] =	ssyncset.done $0x0  }
0x17: {  	[sflag:s13] =	ssyncadd.s32 $0xFFFFFD80  }
0x18: {  	[spmem:s14], [sflag:s6] =	dma.local [hbm:s7], $0x280  }
0x19: {  	_ =	swait.ge [sflag:s13], $0x280  }
0x1a: {  	[sflag:s13] =	ssyncset.done $0x0  }
0x1b: {  	[sflag:s13] =	ssyncadd.s32 $0xFFFFFD80  }
0x1c: {  	[tilespmem:s4], [sflag:$0x9] =	stream.linear.gather [hbm4b:s8+s4], $0x2800, $0x38;
	[tilespmem:$0x8800] =	vst v63  }
0x1d: {  	_ =	swait.ge [sflag:s13], $0x2800  }
0x1e: {  	[sflag:s13] =	ssyncset.done $0x0  }
0x1f: {  	s0 =	simm.s32 $0x2800;
	[sflag:s13] =	ssyncadd.s32 $0xFFFFD800  }
0x20: {  	[tilespmem:s0], [sflag:$0x9] =	stream.linear.gather [hbm4b:s9+s4], $0x2800, $0x38;
	[tilespmem:$0x8800] =	vst v63  }
0x21: {  	_ =	swait.ge [sflag:s13], $0x2800  }
0x22: {  	[sflag:s13] =	ssyncset.done $0x0  }
0x23: {  	[sflag:s13] =	ssyncadd.s32 $0xFFFFD800  }
0x24: {  	[bflag:$0x0] =	sbarrier.arrive $0xFFFF  }
0x25: {  	[tilespmem:s17], [sflag:$0x1] =	stream.indirect.gather [spmem:s3], $0x8, s4, s16, $0xb8;
	[tilespmem:$0x8800] =	vst v63  }
0x26: {  	_ = 	snop  }
0x27: {  	[tilespmem:s18], [sflag:$0x2] =	stream.indirect.gather [spmem:s3], $0x8, s16, s16, $0xb8;
	[tilespmem:$0x8800] =	vst v63  }
0x28: {  	s15 =	simm.s32 $0x100  }
0x29: {  	[tilespmem:s20], [sflag:$0x3] =	stream.indirect.gather [spmem:s3], $0x8, s15, s16, $0xb8;
	[tilespmem:$0x8800] =	vst v63  }
0x2a: {  	s1 =	simm.s32 $0x180  }
0x2b: {  	[tilespmem:s22], [sflag:$0x4] =	stream.indirect.gather [spmem:s3], $0x8, s1, s16, $0xb8;
	[tilespmem:$0x8800] =	vst v63  }
0x2c: {  	_ =	swait.ge [sflag:s23], $0x400  }
0x2d: {  	[sflag:s23] =	ssyncset.done $0x0  }
0x2e: {  	s15 =	simm.s32 $0x2800;
	[sflag:s23] =	ssyncadd.s32 $0xFFFFFC00  }
0x2f: {  	[spmem:s2] =	stream.indirect.scatter.add.f32 [tilespmem:s17], [sflag:$0x5], $0x8, s15, s16, $0xb8;
	[tilespmem:$0x8800] =	vst v63  }
0x30: {  	_ =	swait.ge [sflag:s24], $0x400  }
0x31: {  	[sflag:s24] =	ssyncset.done $0x0  }
0x32: {  	s1 =	simm.s32 $0x2880;
	[sflag:s24] =	ssyncadd.s32 $0xFFFFFC00  }
0x33: {  	[spmem:s2] =	stream.indirect.scatter.add.f32 [tilespmem:s18], [sflag:$0x6], $0x8, s1, s16, $0xb8;
	[tilespmem:$0x8800] =	vst v63  }
0x34: {  	_ =	swait.ge [sflag:s25], $0x400  }
0x35: {  	[sflag:s25] =	ssyncset.done $0x0  }
0x36: {  	s15 =	simm.s32 $0x2900;
	[sflag:s25] =	ssyncadd.s32 $0xFFFFFC00  }
0x37: {  	[spmem:s2] =	stream.indirect.scatter.add.f32 [tilespmem:s20], [sflag:$0x7], $0x8, s15, s16, $0xb8;
	[tilespmem:$0x8800] =	vst v63  }
0x38: {  	_ =	swait.ge [sflag:s26], $0x400  }
0x39: {  	[sflag:s26] =	ssyncset.done $0x0  }
0x3a: {  	s1 =	simm.s32 $0x2980;
	[sflag:s26] =	ssyncadd.s32 $0xFFFFFC00  }
0x3b: {  	[spmem:s2] =	stream.indirect.scatter.add.f32 [tilespmem:s22], [sflag:$0x8], $0x8, s1, s16, $0xb8;
	[tilespmem:$0x8800] =	vst v63  }
0x3c: {  	_ =	swait.ge [sflag:s28], $0x400  }
0x3d: {  	[sflag:s28] =	ssyncset.done $0x0  }
0x3e: {  	s15 =	simm.s32 $0x200;
	[sflag:s28] =	ssyncadd.s32 $0xFFFFFC00  }
0x3f: {  	[tilespmem:s17], [sflag:$0x1] =	stream.indirect.gather [spmem:s3], $0x8, s15, s16, $0xb8;
	[tilespmem:$0x8800] =	vst v63  }
0x40: {  	_ =	swait.ge [sflag:s29], $0x400  }
0x41: {  	[sflag:s29] =	ssyncset.done $0x0  }
0x42: {  	s1 =	simm.s32 $0x280;
	[sflag:s29] =	ssyncadd.s32 $0xFFFFFC00  }
0x43: {  	[tilespmem:s18], [sflag:$0x2] =	stream.indirect.gather [spmem:s3], $0x8, s1, s16, $0xb8;
	[tilespmem:$0x8800] =	vst v63  }
0x44: {  	_ =	swait.ge [sflag:s30], $0x400  }
0x45: {  	[sflag:s30] =	ssyncset.done $0x0  }
0x46: {  	s15 =	simm.s32 $0x300;
	[sflag:s30] =	ssyncadd.s32 $0xFFFFFC00  }
0x47: {  	[tilespmem:s20], [sflag:$0x3] =	stream.indirect.gather [spmem:s3], $0x8, s15, s16, $0xb8;
	[tilespmem:$0x8800] =	vst v63  }
0x48: {  	_ =	swait.ge [sflag:s31], $0x400  }
0x49: {  	[sflag:s31] =	ssyncset.done $0x0  }
0x4a: {  	s0 =	simm.s32 $0x800;
	s1 =	simm.s32 $0x380;
	[sflag:s31] =	ssyncadd.s32 $0xFFFFFC00  }
.LBB2_2:
0x4b: {  	[tilespmem:s22], [sflag:$0x4] =	stream.indirect.gather [spmem:s3], $0x8, s1, s16, $0xb8;
	[tilespmem:$0x8800] =	vst v63  }
0x4c: {  	s1 =	smov.u32 s0  }
0x4d: {  	p0 =	sne.s32 s0, $0x9000;
	s0 =	sadd.s32 $0x800, s0;
	_ =	swait.ge [sflag:s23], $0x400  }
0x4e: {  	s1 =	sshra.s32 s1, $0x2;
	[sflag:s23] =	ssyncset.done $0x0  }
0x4f: {  	s15 =	sadd.s32 $0x2800, s1;
	[sflag:s23] =	ssyncadd.s32 $0xFFFFFC00  }
0x50: {  	[spmem:s2] =	stream.indirect.scatter.add.f32 [tilespmem:s17], [sflag:$0x5], $0x8, s15, s16, $0xb8;
	[tilespmem:$0x8800] =	vst v63  }
0x51: {  	_ =	swait.ge [sflag:s24], $0x400  }
0x52: {  	[sflag:s24] =	ssyncset.done $0x0  }
0x53: {  	s15 =	sadd.s32 $0x2880, s1;
	[sflag:s24] =	ssyncadd.s32 $0xFFFFFC00  }
0x54: {  	[spmem:s2] =	stream.indirect.scatter.add.f32 [tilespmem:s18], [sflag:$0x6], $0x8, s15, s16, $0xb8;
	[tilespmem:$0x8800] =	vst v63  }
0x55: {  	_ =	swait.ge [sflag:s25], $0x400  }
0x56: {  	[sflag:s25] =	ssyncset.done $0x0  }
0x57: {  	s15 =	sadd.s32 $0x2900, s1;
	[sflag:s25] =	ssyncadd.s32 $0xFFFFFC00  }
0x58: {  	[spmem:s2] =	stream.indirect.scatter.add.f32 [tilespmem:s20], [sflag:$0x7], $0x8, s15, s16, $0xb8;
	[tilespmem:$0x8800] =	vst v63  }
0x59: {  	_ =	swait.ge [sflag:s26], $0x400  }
0x5a: {  	[sflag:s26] =	ssyncset.done $0x0  }
0x5b: {  	s15 =	sadd.s32 $0x2980, s1;
	[sflag:s26] =	ssyncadd.s32 $0xFFFFFC00  }
0x5c: {  	[spmem:s2] =	stream.indirect.scatter.add.f32 [tilespmem:s22], [sflag:$0x8], $0x8, s15, s16, $0xb8;
	[tilespmem:$0x8800] =	vst v63  }
0x5d: {  	_ =	swait.ge [sflag:s28], $0x400  }
0x5e: {  	[sflag:s28] =	ssyncset.done $0x0  }
0x5f: {  	s15 =	sadd.s32 $0x200, s1;
	[sflag:s28] =	ssyncadd.s32 $0xFFFFFC00  }
0x60: {  	[tilespmem:s17], [sflag:$0x1] =	stream.indirect.gather [spmem:s3], $0x8, s15, s16, $0xb8;
	[tilespmem:$0x8800] =	vst v63  }
0x61: {  	_ =	swait.ge [sflag:s29], $0x400  }
0x62: {  	[sflag:s29] =	ssyncset.done $0x0  }
0x63: {  	s15 =	sadd.s32 $0x280, s1;
	[sflag:s29] =	ssyncadd.s32 $0xFFFFFC00  }
0x64: {  	[tilespmem:s18], [sflag:$0x2] =	stream.indirect.gather [spmem:s3], $0x8, s15, s16, $0xb8;
	[tilespmem:$0x8800] =	vst v63  }
0x65: {  	_ =	swait.ge [sflag:s30], $0x400  }
0x66: {  	[sflag:s30] =	ssyncset.done $0x0  }
.Ltmp0:
0x67: {  	s15 =	sadd.s32 $0x300, s1;
	[sflag:s30] =	ssyncadd.s32 $0xFFFFFC00;
	(pc) =	sbr.rel @p0 .LBB2_2-.Ltmp0, $4  }
0x68: {  	[tilespmem:s20], [sflag:$0x3] =	stream.indirect.gather [spmem:s3], $0x8, s15, s16, $0xb8;
	[tilespmem:$0x8800] =	vst v63  }
0x69: {  	_ =	swait.ge [sflag:s31], $0x400  }
0x6a: {  	[sflag:s31] =	ssyncset.done $0x0  }
0x6b: {  	s1 =	sadd.s32 $0x380, s1;
	[sflag:s31] =	ssyncadd.s32 $0xFFFFFC00  }
0x6c: {  	[tilespmem:s22], [sflag:$0x4] =	stream.indirect.gather [spmem:s3], $0x8, s1, s16, $0xb8;
	[tilespmem:$0x8800] =	vst v63  }
0x6d: {  	_ =	swait.ge [sflag:s23], $0x400  }
0x6e: {  	[sflag:s23] =	ssyncset.done $0x0  }
0x6f: {  	s0 =	simm.s32 $0x4E00;
	[sflag:s23] =	ssyncadd.s32 $0xFFFFFC00  }
0x70: {  	[spmem:s2] =	stream.indirect.scatter.add.f32 [tilespmem:s17], [sflag:$0x5], $0x8, s0, s16, $0xb8;
	[tilespmem:$0x8800] =	vst v63  }
0x71: {  	_ =	swait.ge [sflag:s24], $0x400  }
0x72: {  	[sflag:s24] =	ssyncset.done $0x0  }
0x73: {  	s1 =	simm.s32 $0x4E80;
	[sflag:s24] =	ssyncadd.s32 $0xFFFFFC00  }
0x74: {  	[spmem:s2] =	stream.indirect.scatter.add.f32 [tilespmem:s18], [sflag:$0x6], $0x8, s1, s16, $0xb8;
	[tilespmem:$0x8800] =	vst v63  }
0x75: {  	_ =	swait.ge [sflag:s25], $0x400  }
0x76: {  	[sflag:s25] =	ssyncset.done $0x0  }
0x77: {  	s15 =	simm.s32 $0x4F00;
	[sflag:s25] =	ssyncadd.s32 $0xFFFFFC00  }
0x78: {  	[spmem:s2] =	stream.indirect.scatter.add.f32 [tilespmem:s20], [sflag:$0x7], $0x8, s15, s16, $0xb8;
	[tilespmem:$0x8800] =	vst v63  }
0x79: {  	_ =	swait.ge [sflag:s26], $0x400  }
0x7a: {  	[sflag:s26] =	ssyncset.done $0x0  }
0x7b: {  	[sflag:s26] =	ssyncadd.s32 $0xFFFFFC00  }
0x7c: {  	[spmem:s2] =	stream.indirect.scatter.add.f32 [tilespmem:s22], [sflag:$0x8], $0x8, s19, s16, $0xb8;
	[tilespmem:$0x8800] =	vst v63  }
0x7d: {  	_ =	swait.ge [sflag:s28], $0x400  }
0x7e: {  	[sflag:s28] =	ssyncset.done $0x0  }
0x7f: {  	[sflag:s28] =	ssyncadd.s32 $0xFFFFFC00  }
0x80: {  	_ =	swait.ge [sflag:s29], $0x400  }
0x81: {  	[sflag:s29] =	ssyncset.done $0x0  }
0x82: {  	[sflag:s29] =	ssyncadd.s32 $0xFFFFFC00  }
0x83: {  	_ =	swait.ge [sflag:s30], $0x400  }
0x84: {  	[sflag:s30] =	ssyncset.done $0x0  }
0x85: {  	[sflag:s30] =	ssyncadd.s32 $0xFFFFFC00  }
0x86: {  	_ =	swait.ge [sflag:s31], $0x400  }
0x87: {  	s21 =	sadd.s32 $0x1, s21;
	[sflag:s31] =	ssyncset.done $0x0  }
0x88: {  	p0 =	sne.s32 s21, s11;
	[sflag:s31] =	ssyncadd.s32 $0xFFFFFC00  }
.Ltmp1:
0x89: {  	[bflag:$0x0] =	sbarrier.arrive $0xFFFF;
	(pc) =	sbr.rel @p0 .LBB2_1-.Ltmp1, $4  }
0x8a: {  	[hbm:s10], [sflag:s6] =	dma.local [spmem:s12], $0x280  }
0x8b: {  	_ =	swait.ge [sflag:s13], $0x280  }
0x8c: {  	[sflag:s13] =	ssyncset.done $0x0  }
0x8d: {  	[sflag:s13] =	ssyncadd.s32 $0xFFFFFD80  }
0x8e: {  	_ =	sfence.sel $0x180000  }
0x8f: {  	[bflag:$0x0] =	sbarrier.arrive $0xFFFF  }
0x90: {  	_ =	strace $0x9000004D  }
0x91: {  	s0 =	stileid.u32;
	[bflag:$0x2] =	sbarrier.arrive $0xFFFF  }
0x92: {  	p0 =	sne.s32 s0, $0x0;
	s0 =	rddreg [dreg:$0x3]  }
0x93: {  	s0 =	sadd.s32 @!p0 $0x100000, s0  }
0x94: {  	[sflag:s0] =	ssyncadd.tile.s32 @!p0 $0x1;
	_ =	shalt  }
.Lfunc_end2:
_tile_overlayer_lowered:
.L_overlay_start_2:
0x95: {  	(tag) =	ssettag $0x2  }
0x96: {  	s0 =	rddreg [dreg:$0x0];
	s2 =	stileid.u32  }
0x97: {  	s1 =	rddreg [dreg:$0x1];
	p0 =	sne.s32 s2, $0x0  }
0x98: {  	s3 =	rddreg [dreg:$0x2];
	[bflag:$0x3] =	sbarrier.arrive $0xFFFF;
	s2 =	simm.s32 @!p0 $0x1C09  }
0x99: {  	[timem:s3], [sflag:s2] =	dma.local @!p0 [hbm:s0], s1  }
0x9a: {  	s0 =	simm.s32 @!p0 $0x9  }
0x9b: {  	_ =	swait.ge @!p0 [sflag:s0], s1  }
0x9c: {  	s1 =	ssub.s32 @!p0 $0x0, s1;
	[sflag:s0] =	ssyncset.done @!p0 $0x0  }
0x9d: {  	[sflag:s0] =	ssyncadd.s32 @!p0 s1  }
0x9e: {  	[bflag:$0x3] =	sbarrier.arrive $0xFFFF  }
0x9f: {  	_ =	shalt  }

// kernel: kernel.8.cloned.1.call-start
scs
__scs_entry_jumppad:
0x0: {  	(pc) =	sbr.rel $0x88, $3  }
0x1: {  	(tag) =	ssettag $0x0;
	lr =	simm.s32 $0x1  }
0x2: {  	[smem:$0x3F9D] =	sst lr;
	_ =	strace $0xD0000000  }
0x3: {  	_ = 	snop  }
0x4: {  	_ = 	snop  }
0x5: {  	_ = 	snop  }
0x6: {  	_ = 	snop  }
0x7: {  	_ = 	snop  }
__scs_overlays_trampoline_lowered:
0x8: {  	[smem:$0x3FAC] =	sst s0  }
0x9: {  	[smem:$0x3FAD] =	sst s1  }
0xa: {  	[smem:$0x3FAE] =	sst s2  }
0xb: {  	[smem:$0x3FAF] =	sst s3  }
0xc: {  	[smem:$0x3FB0] =	sst s4  }
0xd: {  	[smem:$0x3FB1] =	sst s5  }
0xe: {  	[smem:$0x3FB2] =	sst s6  }
0xf: {  	[smem:$0x3FB3] =	sst s7  }
0x10: {  	[smem:$0x3FB4] =	sst s8  }
0x11: {  	[smem:$0x3FB5] =	sst s9;
	s0 =	simm.s32 @!p0 $0x0  }
0x12: {  	s1 =	sld [smem:$0x3F9B];
	s0 =	simm.s32 @p0 $0x1  }
0x13: {  	[smem:$0x3FB6] =	sst s0;
	s0 =	simm.s32 @!p1 $0x0  }
0x14: {  	s2 =	sld [smem:$0x3F9A];
	s0 =	simm.s32 @p1 $0x1  }
0x15: {  	[smem:$0x3FB7] =	sst s0;
	s0 =	simm.s32 @!p2 $0x0  }
0x16: {  	s3 =	sld [smem:$0x3FDB];
	s0 =	simm.s32 @p2 $0x1  }
0x17: {  	s4 =	simm.s32 $0x1BF5;
	[smem:$0x3FB9] =	sst s0  }
0x18: {  	s0 =	sld [smem:$0x3F9C];
	_ =	swait.ge [sflag:s4], $0x0  }
0x19: {  	s7 =	sld [smem:$0x3F9D]  }
0x1a: {  	s8 =	sadd.s32 $0xFFFFE003, lr  }
0x1b: {  	s9 =	sadd.s32 $0xFFFFFEF7, lr;
	s5 =	simm.s32 $0xFFFFFFFF;
	p2 =	slt.u32 s8, $0xFFFFF086  }
0x1c: {  	p1 =	slt.u32 s9, $0xF7A;
	s5 =	simm.s32 @!p2 $0x0  }
0x1d: {  	s5 =	simm.s32 @p1 $0x1;
	p0 =	seq.s32 s7, s2  }
0x1e: {  	s7 =	smul.u32 @!p0 $0xF7A, s2;
	p2 =	seq.s32 @!p0 s5, $0x0  }
0x1f: {  	s9 =	smul.u32 $0xF7A, s1;
	s8 =	simm.s32 @!p0 $0x1BF5;
	p2 =	por !p2, p0  }
0x20: {  	[sflag:s8] =	ssyncset.s32 @!p0 $0xFFFFF086;
	s6 =	sadd.s32 @!p0 s3, s7;
	s7 =	simm.s32 @!p0 $0x108  }
0x21: {  	s3 =	sadd.s32 s3, s9;
	s6 =	sadd.s32 @!p0 $0x88, s6;
	s7 =	simm.s32 @p2 $0x1082  }
0x22: {  	[simem:s7], [sflag:s8] =	dma.local @!p0 [hbm:s6], $0xF7A  }
0x23: {  	s9 =	sor.u32 $0xD0000000, s2;
	s6 =	simm.s32 $0x108;
	_ =	swait.ge @!p0 [sflag:s8], $0x0  }
0x24: {  	s3 =	sadd.s32 $0x88, s3;
	s6 =	simm.s32 @!p1 $0x1082;
	[sflag:s4] =	ssyncset.s32 $0xFFFFF086  }
0x25: {  	[simem:s6], [sflag:s4] =	dma.local [hbm:s3], $0xF7A  }
0x26: {  	[smem:$0x3F9D] =	sst s1;
	(tag) =	ssettag s2;
	_ =	strace s9  }
0x27: {  	s1 =	sld [smem:$0x3FAD]  }
0x28: {  	s2 =	sld [smem:$0x3FAE]  }
0x29: {  	s4 =	sld [smem:$0x3FB0]  }
0x2a: {  	p0 =	seq.s32 s5, $0x0;
	s5 =	sld [smem:$0x3FB1]  }
0x2b: {  	s6 =	sld [smem:$0x3FB2]  }
0x2c: {  	s7 =	sld [smem:$0x3FB3]  }
0x2d: {  	s3 =	simm.s32 $0x108;
	s8 =	sld [smem:$0x3FB4]  }
0x2e: {  	s3 =	simm.s32 @!p0 $0x1082;
	s9 =	sld [smem:$0x3FB5]  }
0x2f: {  	lr =	sadd.s32 s0, s3;
	s0 =	sld [smem:$0x3FAC]  }
0x30: {  	s3 =	sld [smem:$0x3FAF]  }
0x31: {  	[smem:$0x3FB8] =	sst s10  }
0x32: {  	s10 =	sld [smem:$0x3FB6];
	_ =	sdelay $0x3  }
0x33: {  	p0 =	seq.s32 s10, $0x1;
	s10 =	sld [smem:$0x3FB8];
	_ =	sdelay $0x3  }
0x34: {  	[smem:$0x3FB8] =	sst s10  }
0x35: {  	s10 =	sld [smem:$0x3FB7];
	_ =	sdelay $0x3  }
0x36: {  	p1 =	seq.s32 s10, $0x1;
	s10 =	sld [smem:$0x3FB8];
	_ =	sdelay $0x3  }
0x37: {  	[smem:$0x3FB8] =	sst s10  }
0x38: {  	s10 =	sld [smem:$0x3FB9]  }
0x39: {  	_ = 	snop;
	(pc) =	sbr.ind lr, $3  }
0x3a: {  	_ = 	snop  }
0x3b: {  	_ = 	snop  }
0x3c: {  	p2 =	seq.s32 s10, $0x1;
	s10 =	sld [smem:$0x3FB8]  }
0x3d: {  	_ =	shalt  }
0x3e: {  	_ =	shalt  }
0x3f: {  	_ =	shalt  }
0x40: {  	_ =	shalt  }
0x41: {  	_ =	shalt  }
0x42: {  	_ =	shalt  }
0x43: {  	_ =	shalt  }
0x44: {  	_ =	shalt  }
0x45: {  	_ =	shalt  }
0x46: {  	_ =	shalt  }
0x47: {  	_ =	shalt  }
0x48: {  	_ =	shalt  }
0x49: {  	_ =	shalt  }
0x4a: {  	_ =	shalt  }
0x4b: {  	_ =	shalt  }
0x4c: {  	_ =	shalt  }
0x4d: {  	_ =	shalt  }
0x4e: {  	_ =	shalt  }
0x4f: {  	_ =	shalt  }
0x50: {  	_ =	shalt  }
0x51: {  	_ =	shalt  }
0x52: {  	_ =	shalt  }
0x53: {  	_ =	shalt  }
0x54: {  	_ =	shalt  }
0x55: {  	_ =	shalt  }
0x56: {  	_ =	shalt  }
0x57: {  	_ =	shalt  }
0x58: {  	_ =	shalt  }
0x59: {  	_ =	shalt  }
0x5a: {  	_ =	shalt  }
0x5b: {  	_ =	shalt  }
0x5c: {  	_ =	shalt  }
0x5d: {  	_ =	shalt  }
0x5e: {  	_ =	shalt  }
0x5f: {  	_ =	shalt  }
0x60: {  	_ =	shalt  }
0x61: {  	_ =	shalt  }
0x62: {  	_ =	shalt  }
0x63: {  	_ =	shalt  }
0x64: {  	_ =	shalt  }
0x65: {  	_ =	shalt  }
0x66: {  	_ =	shalt  }
0x67: {  	_ =	shalt  }
0x68: {  	_ =	shalt  }
0x69: {  	_ =	shalt  }
0x6a: {  	_ =	shalt  }
0x6b: {  	_ =	shalt  }
0x6c: {  	_ =	shalt  }
0x6d: {  	_ =	shalt  }
0x6e: {  	_ =	shalt  }
0x6f: {  	_ =	shalt  }
0x70: {  	_ =	shalt  }
0x71: {  	_ =	shalt  }
0x72: {  	_ =	shalt  }
0x73: {  	_ =	shalt  }
0x74: {  	_ =	shalt  }
0x75: {  	_ =	shalt  }
0x76: {  	_ =	shalt  }
0x77: {  	_ =	shalt  }
0x78: {  	_ =	shalt  }
0x79: {  	_ =	shalt  }
0x7a: {  	_ =	shalt  }
0x7b: {  	_ =	shalt  }
0x7c: {  	_ =	shalt  }
0x7d: {  	_ =	shalt  }
0x7e: {  	_ =	shalt  }
0x7f: {  	_ =	shalt  }
0x80: {  	_ =	shalt  }
0x81: {  	_ =	shalt  }
0x82: {  	_ =	shalt  }
0x83: {  	_ =	shalt  }
0x84: {  	_ =	shalt  }
0x85: {  	_ =	shalt  }
0x86: {  	_ =	shalt  }
0x87: {  	_ =	shalt  }
.Lfunc_end0:
.L_simem_size_0:
called_computation_lowered:
.L_overlay_start_0:
0x88: {  	s2 =	sld [smem:$0x3FD9]  }
0x89: {  	s3 =	sld [smem:$0x3FFE];
	_ =	sdelay $0x1  }
0x8a: {  	s1 =	srdreg.scid  }
0x8b: {  	s0 =	sand.u32 $0x1, s1  }
0x8c: {  	s17 =	sshll.u32 s0, $0xA;
	s2 =	sadd.s32 s3, s2  }
0x8d: {  	s2 =	sadd.s32 s2, s17  }
0x8e: {  	[smem:$0x3FC4] =	sst s2  }
0x8f: {  	_ = 	snop  }
0x90: {  	s2 =	sld [smem:$0x3FD0];
	(tm) =	ssettm $0x1  }
0x91: {  	s18 =	sld [smem:$0x3FFB];
	_ =	sdelay $0x3  }
0x92: {  	_ =	strace s18  }
0x93: {  	s3 =	sld [smem:$0x3FFC];
	_ =	sdelay $0x3  }
0x94: {  	_ =	strace s3  }
0x95: {  	s3 =	sld [smem:$0x3FFD];
	_ =	sdelay $0x3  }
0x96: {  	_ =	strace s3  }
0x97: {  	_ =	strace $0x8FFFFFFF  }
0x98: {  	s19 =	sld [smem:$0x3FDB];
	_ =	sdelay $0x1  }
0x99: {  	s4 =	simm.s32 $_scs_section_size  }
0x9a: {  	s5 =	simm.s32 $_size__tile_overlayer_lowered;
	s6 =	simm.s32 $_tile_overlayer_lowered  }
0x9b: {  	s22 =	simm.s32 $0x1BFF;
	s21 =	sshll.u32 s6, $0x1;
	s3 =	sadd.s32 s4, s19  }
0x9c: {  	s7 =	simm.s32 $0x0;
	s20 =	sshll.u32 s5, $0x1;
	s5 =	sadd.s32 s21, s3  }
0x9d: {  	[timem:s7], [sflag:s22] =	dma.local [hbm:s5], s20  }
0x9e: {  	_ =	swait.ge [sflag:s22], s20  }
0x9f: {  	s4 =	ssub.s32 $0x0, s20;
	[sflag:s22] =	ssyncset.done $0x0  }
0xa0: {  	[sflag:s22] =	ssyncadd.s32 s4;
	_ =	sdelay $0x1  }
0xa1: {  	s23 =	simm.s32 $0x1B8B  }
0xa2: {  	_ =	swait.ge [sflag:s23], $0x1  }
0xa3: {  	[sflag:s23] =	ssyncset.done $0x0  }
0xa4: {  	s25 =	simm.s32 $0x1B8E;
	s24 =	sld [smem:$0x3FFE];
	[sflag:s23] =	ssyncadd.s32 $0xFFFFFFFF  }
0xa5: {  	s26 =	simm.s32 $execute0_lowered;
	[smem:$0x3FD2] =	sst s25  }
0xa6: {  	s5 =	sshll.u32 s26, $0x1;
	_ =	strace $0x80000046;
	[dreg:$0x1] =	wrdreg $0xFFFFFFFF  }
0xa7: {  	s28 =	simm.s32 $_size_execute0_lowered;
	s3 =	sadd.s32 s3, s5;
	[dreg:$0x0] =	wrdreg $0x0  }
0xa8: {  	s5 =	sshll.u32 s28, $0x1;
	[dreg:$0x2] =	wrdreg s3  }
0xa9: {  	[dreg:$0x3] =	wrdreg s5  }
0xaa: {  	[dreg:$0x4] =	wrdreg $0xC0  }
0xab: {  	_ =	task [dreg:s7], $0x5FFFF  }
0xac: {  	[dreg:$0x1] =	wrdreg $0xFFFFFFFF  }
0xad: {  	[dreg:$0x0] =	wrdreg $0x60  }
0xae: {  	[dreg:$0x2] =	wrdreg s24  }
0xaf: {  	[dreg:$0x3] =	wrdreg s2  }
0xb0: {  	[dreg:$0x4] =	wrdreg $0x2C000  }
0xb1: {  	[dreg:$0x5] =	wrdreg $0x9  }
0xb2: {  	_ =	task.clear_ibuf [dreg:s7], $0x6FFFF;
	_ =	strace $0x90000046  }
0xb3: {  	s29 =	simm.s32 $0x9;
	_ =	strace $0x80000048  }
0xb4: {  	_ =	swait.ge [sflag:s29], $0x1  }
0xb5: {  	[sflag:s29] =	ssyncadd.s32 $0xFFFFFFFF  }
0xb6: {  	_ =	strace $0x90000048  }
0xb7: {  	_ =	sfence  }
0xb8: {  	s30 =	sld [smem:$0x0];
	_ =	sdelay $0x2  }
0xb9: {  	s31 =	sshll.u32 s1, $0xD;
	s1 =	sshrl.u32 s1, $0x2  }
0xba: {  	s3 =	sand.u32 $0x4000, s31;
	s1 =	sadd.s32 s1, s30  }
0xbb: {  	s0 =	sor.u32 s3, s0;
	s1 =	sshll.u32 s1, $0x11  }
0xbc: {  	s0 =	sor.u32 s1, s0  }
0xbd: {  	s0 =	sadd.s32 $0x8F2B, s0  }
0xbe: {  	[sflag:s0] =	ssyncadd.remote.s32 $0x1  }
0xbf: {  	_ =	sfence.sel $0xFFFF  }
0xc0: {  	[dreg:$0x0] =	wrdreg $0xFFFFFFFF;
	(pc) =	sbr.abs _section_cstart, $3  }
0xc1: {  	[dreg:$0x1] =	wrdreg $0xFFFFFFFF  }
0xc2: {  	_ =	task.clear_ibuf [dreg:s7], $0x2FFFF;
	_ =	strace $0x9FFFFFFF  }
0xc3: {  	(tm) =	ssettm $0x7FFFFFFF  }
tec
execute0_lowered:
.L_overlay_start_1:
0x0: {  	(tag) =	ssettag $0x1  }
0x1: {  	s6 =	rddreg [dreg:$0x0]  }
0x2: {  	s2 =	rddreg [dreg:$0x1]  }
0x3: {  	s0 =	srdreg.scid;
	s3 =	rddreg [dreg:$0x2]  }
0x4: {  	s4 =	simm.s32 $0x0;
	s13 =	simm.s32 $0x80;
	s14 =	simm.s32 $0x1  }
0x5: {  	s15 =	simm.s32 $0x0;
	s5 =	sand.u32 $0x1, s0;
	s0 =	stileid.u32  }
0x6: {  	[smem:$0x7FF] =	sst s4;
	s1 =	sshll.u32 s5, $0x4;
	s8 =	smul.u32 $0x1400, s0  }
0x7: {  	s9 =	smul.u32 $0x14000, s5;
	s5 =	ssub.s32 $0x2, s5;
	s1 =	sor.u32 s0, s1  }
0x8: {  	s31 =	sshll.u32 s0, $0x6;
	s11 =	sshrl.u32 s5, $0x1;
	s7 =	smul.u32 $0x500, s1  }
0x9: {  	s1 =	rddreg [dreg:$0x3];
	_ =	strace $0x80000047;
	s10 =	sshrl.u32 s8, $0x3  }
0xa: {  	s9 =	sadd.s32 s8, s9;
	s11 =	ssub.s32 s5, s11;
	s12 =	sadd.s32 s8, s3  }
0xb: {  	s10 =	sadd.s32 s10, s6;
	s9 =	sshrl.u32 s9, $0x3;
	s7 =	sadd.s32 s7, s6  }
0xc: {  	s9 =	sadd.s32 s9, s6;
	s5 =	sadd.s32 $0xB200, s10;
	s6 =	sor.u32 $0x1C02, s31  }
0xd: {  	s10 =	sshrl.u32 s12, $0x3;
	s12 =	simm.s32 $0x2800;
	s7 =	sadd.s32 $0x1200, s7  }
0xe: {  	s8 =	sadd.s32 $0xDA00, s9;
	s9 =	smax.u32 s11, $0x1;
	s11 =	simm.s32 $0x2  }
.LBB2_1:
0xf: {  	[spmem:s10], [sflag:s6] =	dma.local [hbm:s5], $0x280  }
0x10: {  	_ =	swait.ge [sflag:s11], $0x280  }
0x11: {  	[sflag:s11] =	ssyncset.done $0x0  }
0x12: {  	[sflag:s11] =	ssyncadd.s32 $0xFFFFFD80  }
0x13: {  	[tilespmem:s12], [sflag:$0x2] =	stream.linear.gather [hbm4b:s2+s4], $0x400, $0x38;
	[tilespmem:$0x4000] =	vst v63  }
0x14: {  	_ =	swait.ge [sflag:s11], $0x400  }
0x15: {  	[sflag:s11] =	ssyncset.done $0x0  }
0x16: {  	[sflag:s11] =	ssyncadd.s32 $0xFFFFFC00  }
0x17: {  	[tilespmem:s4], [sflag:$0x2] =	stream.linear.gather [hbm4b:s7+s4], $0x2800, $0x38;
	[tilespmem:$0x4000] =	vst v63  }
0x18: {  	_ =	swait.ge [sflag:s11], $0x2800  }
0x19: {  	[sflag:s11] =	ssyncset.done $0x0  }
0x1a: {  	[sflag:s11] =	ssyncadd.s32 $0xFFFFD800  }
0x1b: {  	s16 =	simm.s32 $0x0;
	[bflag:$0x0] =	sbarrier.arrive $0xFFFF  }
0x1c: {  	[spmem:s3] =	stream.indirect.scatter.add.f32 [tilespmem:s12], [sflag:$0x1], $0x8, s16, s13, $0xb8;
	[tilespmem:$0x4000] =	vst v63  }
0x1d: {  	s24 =	simm.s32 $0x80  }
0x1e: {  	[spmem:s3] =	stream.indirect.scatter.add.f32 [tilespmem:s12], [sflag:$0x1], $0x8, s24, s13, $0xb8;
	[tilespmem:$0x4000] =	vst v63  }
0x1f: {  	s25 =	simm.s32 $0x100  }
0x20: {  	[spmem:s3] =	stream.indirect.scatter.add.f32 [tilespmem:s12], [sflag:$0x1], $0x8, s25, s13, $0xb8;
	[tilespmem:$0x4000] =	vst v63  }
0x21: {  	s26 =	simm.s32 $0x180  }
0x22: {  	[spmem:s3] =	stream.indirect.scatter.add.f32 [tilespmem:s12], [sflag:$0x1], $0x8, s26, s13, $0xb8;
	[tilespmem:$0x4000] =	vst v63  }
0x23: {  	s28 =	simm.s32 $0x200  }
0x24: {  	[spmem:s3] =	stream.indirect.scatter.add.f32 [tilespmem:s12], [sflag:$0x1], $0x8, s28, s13, $0xb8;
	[tilespmem:$0x4000] =	vst v63  }
0x25: {  	s29 =	simm.s32 $0x280  }
0x26: {  	[spmem:s3] =	stream.indirect.scatter.add.f32 [tilespmem:s12], [sflag:$0x1], $0x8, s29, s13, $0xb8;
	[tilespmem:$0x4000] =	vst v63  }
0x27: {  	s30 =	simm.s32 $0x300  }
0x28: {  	[spmem:s3] =	stream.indirect.scatter.add.f32 [tilespmem:s12], [sflag:$0x1], $0x8, s30, s13, $0xb8;
	[tilespmem:$0x4000] =	vst v63  }
0x29: {  	s31 =	simm.s32 $0x380  }
0x2a: {  	[spmem:s3] =	stream.indirect.scatter.add.f32 [tilespmem:s12], [sflag:$0x1], $0x8, s31, s13, $0xb8;
	[tilespmem:$0x4000] =	vst v63  }
0x2b: {  	_ =	swait.ge [sflag:s14], $0x400  }
0x2c: {  	[sflag:s14] =	ssyncset.done $0x0  }
0x2d: {  	[sflag:s14] =	ssyncadd.s32 $0xFFFFFC00  }
0x2e: {  	_ =	swait.ge [sflag:s14], $0x400  }
0x2f: {  	[sflag:s14] =	ssyncset.done $0x0  }
0x30: {  	[sflag:s14] =	ssyncadd.s32 $0xFFFFFC00  }
0x31: {  	_ =	swait.ge [sflag:s14], $0x400  }
0x32: {  	[sflag:s14] =	ssyncset.done $0x0  }
0x33: {  	[sflag:s14] =	ssyncadd.s32 $0xFFFFFC00  }
0x34: {  	_ =	swait.ge [sflag:s14], $0x400  }
0x35: {  	[sflag:s14] =	ssyncset.done $0x0  }
0x36: {  	[sflag:s14] =	ssyncadd.s32 $0xFFFFFC00  }
0x37: {  	_ =	swait.ge [sflag:s14], $0x400  }
0x38: {  	[sflag:s14] =	ssyncset.done $0x0  }
0x39: {  	[sflag:s14] =	ssyncadd.s32 $0xFFFFFC00  }
0x3a: {  	_ =	swait.ge [sflag:s14], $0x400  }
0x3b: {  	[sflag:s14] =	ssyncset.done $0x0  }
0x3c: {  	[sflag:s14] =	ssyncadd.s32 $0xFFFFFC00  }
0x3d: {  	_ =	swait.ge [sflag:s14], $0x400  }
0x3e: {  	[sflag:s14] =	ssyncset.done $0x0  }
0x3f: {  	[sflag:s14] =	ssyncadd.s32 $0xFFFFFC00  }
0x40: {  	_ =	swait.ge [sflag:s14], $0x400  }
0x41: {  	s18 =	simm.s32 $0x2000;
	s16 =	simm.s32 $0x1000;
	[sflag:s14] =	ssyncset.done $0x0  }
.LBB2_2:
0x42: {  	s19 =	sshra.s32 s16, $0x2  }
0x43: {  	[sflag:s14] =	ssyncadd.s32 $0xFFFFFC00;
	s16 =	smov.u32 s18;
	s17 =	sadd.s32 $0x1000, s18  }
0x44: {  	[spmem:s3] =	stream.indirect.scatter.add.f32 [tilespmem:s12], [sflag:$0x1], $0x8, s19, s13, $0xb8;
	[tilespmem:$0x4000] =	vst v63  }
0x45: {  	p0 =	sne.s32 s18, $0x9000;
	s18 =	sadd.s32 $0x80, s19  }
0x46: {  	[spmem:s3] =	stream.indirect.scatter.add.f32 [tilespmem:s12], [sflag:$0x1], $0x8, s18, s13, $0xb8;
	[tilespmem:$0x4000] =	vst v63  }
0x47: {  	s18 =	sadd.s32 $0x100, s19  }
0x48: {  	[spmem:s3] =	stream.indirect.scatter.add.f32 [tilespmem:s12], [sflag:$0x1], $0x8, s18, s13, $0xb8;
	[tilespmem:$0x4000] =	vst v63  }
0x49: {  	s18 =	sadd.s32 $0x180, s19  }
0x4a: {  	[spmem:s3] =	stream.indirect.scatter.add.f32 [tilespmem:s12], [sflag:$0x1], $0x8, s18, s13, $0xb8;
	[tilespmem:$0x4000] =	vst v63  }
0x4b: {  	s18 =	sadd.s32 $0x200, s19  }
0x4c: {  	[spmem:s3] =	stream.indirect.scatter.add.f32 [tilespmem:s12], [sflag:$0x1], $0x8, s18, s13, $0xb8;
	[tilespmem:$0x4000] =	vst v63  }
0x4d: {  	s18 =	sadd.s32 $0x280, s19  }
0x4e: {  	[spmem:s3] =	stream.indirect.scatter.add.f32 [tilespmem:s12], [sflag:$0x1], $0x8, s18, s13, $0xb8;
	[tilespmem:$0x4000] =	vst v63  }
0x4f: {  	s18 =	sadd.s32 $0x300, s19  }
0x50: {  	[spmem:s3] =	stream.indirect.scatter.add.f32 [tilespmem:s12], [sflag:$0x1], $0x8, s18, s13, $0xb8;
	[tilespmem:$0x4000] =	vst v63  }
0x51: {  	s18 =	sadd.s32 $0x380, s19  }
0x52: {  	[spmem:s3] =	stream.indirect.scatter.add.f32 [tilespmem:s12], [sflag:$0x1], $0x8, s18, s13, $0xb8;
	[tilespmem:$0x4000] =	vst v63  }
0x53: {  	_ =	swait.ge [sflag:s14], $0x400  }
0x54: {  	[sflag:s14] =	ssyncset.done $0x0  }
0x55: {  	[sflag:s14] =	ssyncadd.s32 $0xFFFFFC00  }
0x56: {  	_ =	swait.ge [sflag:s14], $0x400  }
0x57: {  	[sflag:s14] =	ssyncset.done $0x0  }
0x58: {  	[sflag:s14] =	ssyncadd.s32 $0xFFFFFC00  }
0x59: {  	_ =	swait.ge [sflag:s14], $0x400  }
0x5a: {  	[sflag:s14] =	ssyncset.done $0x0  }
0x5b: {  	[sflag:s14] =	ssyncadd.s32 $0xFFFFFC00  }
0x5c: {  	_ =	swait.ge [sflag:s14], $0x400  }
0x5d: {  	[sflag:s14] =	ssyncset.done $0x0  }
0x5e: {  	[sflag:s14] =	ssyncadd.s32 $0xFFFFFC00  }
0x5f: {  	_ =	swait.ge [sflag:s14], $0x400  }
0x60: {  	[sflag:s14] =	ssyncset.done $0x0  }
0x61: {  	[sflag:s14] =	ssyncadd.s32 $0xFFFFFC00  }
0x62: {  	_ =	swait.ge [sflag:s14], $0x400  }
0x63: {  	[sflag:s14] =	ssyncset.done $0x0  }
0x64: {  	[sflag:s14] =	ssyncadd.s32 $0xFFFFFC00  }
.Ltmp0:
0x65: {  	_ =	swait.ge [sflag:s14], $0x400;
	(pc) =	sbr.rel @p0 .LBB2_2-.Ltmp0, $4  }
0x66: {  	[sflag:s14] =	ssyncset.done $0x0  }
0x67: {  	[sflag:s14] =	ssyncadd.s32 $0xFFFFFC00  }
0x68: {  	_ =	swait.ge [sflag:s14], $0x400  }
0x69: {  	s18 =	smov.u32 s17;
	[sflag:s14] =	ssyncset.done $0x0  }
0x6a: {  	s16 =	sshra.s32 s16, $0x2;
	[sflag:s14] =	ssyncadd.s32 $0xFFFFFC00  }
0x6b: {  	[spmem:s3] =	stream.indirect.scatter.add.f32 [tilespmem:s12], [sflag:$0x1], $0x8, s16, s13, $0xb8;
	[tilespmem:$0x4000] =	vst v63  }
0x6c: {  	s17 =	sadd.s32 $0x80, s16  }
0x6d: {  	[spmem:s3] =	stream.indirect.scatter.add.f32 [tilespmem:s12], [sflag:$0x1], $0x8, s17, s13, $0xb8;
	[tilespmem:$0x4000] =	vst v63  }
0x6e: {  	s26 =	sadd.s32 $0x100, s16  }
0x6f: {  	[spmem:s3] =	stream.indirect.scatter.add.f32 [tilespmem:s12], [sflag:$0x1], $0x8, s26, s13, $0xb8;
	[tilespmem:$0x4000] =	vst v63  }
0x70: {  	s28 =	sadd.s32 $0x180, s16  }
0x71: {  	[spmem:s3] =	stream.indirect.scatter.add.f32 [tilespmem:s12], [sflag:$0x1], $0x8, s28, s13, $0xb8;
	[tilespmem:$0x4000] =	vst v63  }
0x72: {  	s29 =	sadd.s32 $0x200, s16  }
0x73: {  	[spmem:s3] =	stream.indirect.scatter.add.f32 [tilespmem:s12], [sflag:$0x1], $0x8, s29, s13, $0xb8;
	[tilespmem:$0x4000] =	vst v63  }
0x74: {  	s30 =	sadd.s32 $0x280, s16  }
0x75: {  	[spmem:s3] =	stream.indirect.scatter.add.f32 [tilespmem:s12], [sflag:$0x1], $0x8, s30, s13, $0xb8;
	[tilespmem:$0x4000] =	vst v63  }
0x76: {  	s31 =	sadd.s32 $0x300, s16  }
0x77: {  	[spmem:s3] =	stream.indirect.scatter.add.f32 [tilespmem:s12], [sflag:$0x1], $0x8, s31, s13, $0xb8;
	[tilespmem:$0x4000] =	vst v63  }
0x78: {  	s16 =	sadd.s32 $0x380, s16  }
0x79: {  	[spmem:s3] =	stream.indirect.scatter.add.f32 [tilespmem:s12], [sflag:$0x1], $0x8, s16, s13, $0xb8;
	[tilespmem:$0x4000] =	vst v63  }
0x7a: {  	_ =	swait.ge [sflag:s14], $0x400  }
0x7b: {  	[sflag:s14] =	ssyncset.done $0x0  }
0x7c: {  	[sflag:s14] =	ssyncadd.s32 $0xFFFFFC00  }
0x7d: {  	_ =	swait.ge [sflag:s14], $0x400  }
0x7e: {  	[sflag:s14] =	ssyncset.done $0x0  }
0x7f: {  	[sflag:s14] =	ssyncadd.s32 $0xFFFFFC00  }
0x80: {  	_ =	swait.ge [sflag:s14], $0x400  }
0x81: {  	[sflag:s14] =	ssyncset.done $0x0  }
0x82: {  	[sflag:s14] =	ssyncadd.s32 $0xFFFFFC00  }
0x83: {  	_ =	swait.ge [sflag:s14], $0x400  }
0x84: {  	[sflag:s14] =	ssyncset.done $0x0  }
0x85: {  	[sflag:s14] =	ssyncadd.s32 $0xFFFFFC00  }
0x86: {  	_ =	swait.ge [sflag:s14], $0x400  }
0x87: {  	[sflag:s14] =	ssyncset.done $0x0  }
0x88: {  	[sflag:s14] =	ssyncadd.s32 $0xFFFFFC00  }
0x89: {  	_ =	swait.ge [sflag:s14], $0x400  }
0x8a: {  	[sflag:s14] =	ssyncset.done $0x0  }
0x8b: {  	[sflag:s14] =	ssyncadd.s32 $0xFFFFFC00  }
0x8c: {  	_ =	swait.ge [sflag:s14], $0x400  }
0x8d: {  	[sflag:s14] =	ssyncset.done $0x0  }
0x8e: {  	[sflag:s14] =	ssyncadd.s32 $0xFFFFFC00  }
0x8f: {  	_ =	swait.ge [sflag:s14], $0x400  }
0x90: {  	s15 =	sadd.s32 $0x1, s15;
	[sflag:s14] =	ssyncset.done $0x0  }
0x91: {  	p0 =	sne.s32 s15, s9;
	[sflag:s14] =	ssyncadd.s32 $0xFFFFFC00  }
.Ltmp1:
0x92: {  	[bflag:$0x0] =	sbarrier.arrive $0xFFFF;
	(pc) =	sbr.rel @p0 .LBB2_1-.Ltmp1, $4  }
0x93: {  	[hbm:s8], [sflag:s6] =	dma.local [spmem:s10], $0x280  }
0x94: {  	_ =	swait.ge [sflag:s11], $0x280  }
0x95: {  	[sflag:s11] =	ssyncset.done $0x0  }
0x96: {  	[sflag:s11] =	ssyncadd.s32 $0xFFFFFD80  }
0x97: {  	_ =	sfence.sel $0x180000  }
0x98: {  	[bflag:$0x0] =	sbarrier.arrive $0xFFFF  }
0x99: {  	p0 =	sne.s32 s0, $0x0;
	_ =	strace $0x90000047  }
0x9a: {  	s0 =	sadd.s32 @!p0 $0x100000, s1;
	[bflag:$0x2] =	sbarrier.arrive $0xFFFF  }
0x9b: {  	[sflag:s0] =	ssyncadd.tile.s32 @!p0 $0x1;
	_ =	shalt  }
.Lfunc_end2:
_tile_overlayer_lowered:
.L_overlay_start_2:
0x9c: {  	(tag) =	ssettag $0x2  }
0x9d: {  	s0 =	rddreg [dreg:$0x0];
	s2 =	stileid.u32  }
0x9e: {  	s1 =	rddreg [dreg:$0x1];
	p0 =	sne.s32 s2, $0x0  }
0x9f: {  	s3 =	rddreg [dreg:$0x2];
	[bflag:$0x3] =	sbarrier.arrive $0xFFFF;
	s2 =	simm.s32 @!p0 $0x1C02  }
0xa0: {  	[timem:s3], [sflag:s2] =	dma.local @!p0 [hbm:s0], s1  }
0xa1: {  	s0 =	simm.s32 @!p0 $0x2  }
0xa2: {  	_ =	swait.ge @!p0 [sflag:s0], s1  }
0xa3: {  	s1 =	ssub.s32 @!p0 $0x0, s1;
	[sflag:s0] =	ssyncset.done @!p0 $0x0  }
0xa4: {  	[sflag:s0] =	ssyncadd.s32 @!p0 s1  }
0xa5: {  	[bflag:$0x3] =	sbarrier.arrive $0xFFFF  }
0xa6: {  	_ =	shalt  }

</sc_bundles>
